<compile_context>
chip_gen: v7x
topology: tpu7x:2x2x1
jax: 0.10.2.dev20260603
libtpu: 0.0.44.dev20260713+nightly
codegen_flags: <defaults>
</compile_context>

<pallas_src>
import functools

import jax
import jax.numpy as jnp
from jax import lax
from jax.experimental import pallas as pl
from jax.experimental.pallas import tpu as pltpu
from jax.experimental.pallas import tpu_sc as plsc

N = 10000
E = 320000
D = 128
NC = 2
NS = 16
NW = NC * NS
C = 128
CH = 80
G = 16
NG = CH // G
EPW = C * CH
EP = EPW * NW
RPT = 640
NPAD = RPT * NS

_mesh = plsc.VectorSubcoreMesh(core_axis_name="c", subcore_axis_name="s")


@functools.partial(
    pl.kernel,
    mesh=_mesh,
    out_type=[
        jax.ShapeDtypeStruct((NW, RPT, D), jnp.float32),
        jax.ShapeDtypeStruct((NC, NPAD), jnp.float32),
    ],
    scratch_types=[
        pltpu.VMEM((2, G, C), jnp.int32),
        pltpu.VMEM((2, G, C), jnp.int32),
        pltpu.VMEM((C, D), jnp.float32),
        pltpu.VMEM((C, D), jnp.float32),
        pltpu.VMEM((C,), jnp.float32),
        pltpu.VMEM((RPT,), jnp.float32),
        pltpu.VMEM_SHARED((NPAD, D), jnp.float32),
        pltpu.VMEM_SHARED((NPAD,), jnp.float32),
        pltpu.SemaphoreType.DMA,
        pltpu.SemaphoreType.DMA,
        pltpu.SemaphoreType.DMA,
        pltpu.SemaphoreType.DMA,
        pltpu.SemaphoreType.DMA,
        pltpu.SemaphoreType.DMA,
        pltpu.SemaphoreType.DMA,
    ],
)
def _sc_scatter(x_hbm, idx_hbm, tail_hbm, sums_hbm, deg_hbm,
                srcb, dstb, rowb0, rowb1, onesb, zb, shared, shared_deg,
                sem0, sem1, semis, semid, semsc0, semsc1, semdg):
    rbufs = (rowb0, rowb1)
    sems = (sem0, sem1)
    semsc = (semsc0, semsc1)
    rowb = rowb0
    c = lax.axis_index("c")
    s = lax.axis_index("s")
    wid = s * NC + c
    oid = c * NS + s
    base = s * RPT

    z16 = jnp.zeros((16,), jnp.float32)
    ones16 = jnp.ones((16,), jnp.float32)

    for g in range(C // 16):
        onesb[pl.ds(g * 16, 16)] = ones16

    def zero_zb(i, carry):
        zb[pl.ds(i * 16, 16)] = z16
        return carry
    lax.fori_loop(0, RPT // 16, zero_zb, 0)

    def zero_row(r, carry):
        for g in range(D // 16):
            rowb[r, pl.ds(g * 16, 16)] = z16
        return carry
    lax.fori_loop(0, C, zero_row, 0)

    for t in range(RPT // C):
        pltpu.sync_copy(rowb, shared.at[pl.ds(base + t * C, C)])
    pltpu.sync_copy(zb, shared_deg.at[pl.ds(base, RPT)])

    def stage_idx(goff, bufidx):
        @pl.when(wid < NW - 1)
        def _():
            pltpu.async_copy(idx_hbm.at[0, pl.ds(wid * CH + goff, G)],
                             srcb.at[bufidx], semis)
            pltpu.async_copy(idx_hbm.at[1, pl.ds(wid * CH + goff, G)],
                             dstb.at[bufidx], semid)

        @pl.when(wid == NW - 1)
        def _():
            pltpu.async_copy(tail_hbm.at[0, pl.ds(goff, G)],
                             srcb.at[bufidx], semis)
            pltpu.async_copy(tail_hbm.at[1, pl.ds(goff, G)],
                             dstb.at[bufidx], semid)

    def drain_idx():
        pltpu.make_async_copy(tail_hbm.at[0, pl.ds(0, G)],
                              srcb.at[0], semis).wait()
        pltpu.make_async_copy(tail_hbm.at[1, pl.ds(0, G)],
                              dstb.at[0], semid).wait()

    stage_idx(0, 0)
    drain_idx()
    pltpu.async_copy(x_hbm.at[dstb.at[0, 0]], rbufs[0], sems[0])

    plsc.subcore_barrier()

    def wait_row_scatter(b):
        pltpu.make_async_copy(rbufs[b], shared.at[pl.ds(0, C)],
                              semsc[b]).wait()

    for g in range(NG):
        gb = g % 2
        if g + 1 < NG:
            stage_idx((g + 1) * G, 1 - gb)

        def chunk_pair(l2, carry, gb=gb):
            for b in range(2):
                l = l2 * 2 + b
                nxt = l + 1
                if b == 0:
                    @pl.when(l2 >= 1)
                    def _():
                        wait_row_scatter(1)
                    pltpu.async_copy(x_hbm.at[dstb.at[gb, nxt]],
                                     rbufs[1], sems[1])
                else:
                    wait_row_scatter(0)

                    @pl.when(nxt < G)
                    def _():
                        pltpu.async_copy(x_hbm.at[dstb.at[gb, nxt]],
                                         rbufs[0], sems[0])
                pltpu.make_async_copy(x_hbm.at[dstb.at[gb, l]], rbufs[b],
                                      sems[b]).wait()
                pltpu.async_copy(rbufs[b], shared.at[srcb.at[gb, l]],
                                 semsc[b], add=True)
                pltpu.async_copy(onesb, shared_deg.at[srcb.at[gb, l]],
                                 semdg, add=True)
            return carry
        lax.fori_loop(0, G // 2, chunk_pair, 0)

        wait_row_scatter(1)

        def drain_deg(i, carry):
            pltpu.make_async_copy(onesb, shared_deg.at[pl.ds(0, C)],
                                  semdg).wait()
            return carry
        lax.fori_loop(0, G, drain_deg, 0)

        if g + 1 < NG:
            drain_idx()
            pltpu.async_copy(x_hbm.at[dstb.at[1 - gb, 0]], rbufs[0],
                             sems[0])

    plsc.subcore_barrier()

    pltpu.sync_copy(shared.at[pl.ds(base, RPT)], sums_hbm.at[oid])
    pltpu.sync_copy(shared_deg.at[pl.ds(base, RPT)],
                    deg_hbm.at[c, pl.ds(base, RPT)])


TCB = 2
BR = TCB * RPT


def _tc_body(x_ref, p0_ref, p1_ref, dg_ref, ws_ref, bs_ref, wn_ref, bn_ref,
             o_ref):
    x = x_ref[...]
    hs = lax.dot_general(x, ws_ref[...], (((1,), (1,)), ((), ())),
                         preferred_element_type=jnp.float32) + bs_ref[...]
    p = (p0_ref[...] + p1_ref[...]).reshape(BR, D)
    dg = dg_ref[...]
    d = (dg[0] + dg[1] + 1e-9).reshape(BR, 1)
    pn = p / d
    hn = lax.dot_general(pn, wn_ref[...], (((1,), (1,)), ((), ())),
                         preferred_element_type=jnp.float32) + bn_ref[...]
    o_ref[...] = jnp.tanh(jnp.concatenate([hs, hn], axis=1))


def kernel(X, indices, W_self, b_self, W_neigh, b_neigh):
    idx = indices.astype(jnp.int32)
    pad = EP - E
    pad_src = N + (jnp.arange(pad, dtype=jnp.int32) % (NPAD - N))
    pad_dst = jnp.arange(pad, dtype=jnp.int32) % N
    tail = jnp.concatenate(
        [idx[:, (NW - 1) * EPW:], jnp.stack([pad_src, pad_dst])],
        axis=1).reshape(2, CH, C)

    sums, degs = _sc_scatter(X, idx.reshape(2, E // C, C), tail)

    out = pl.pallas_call(
        _tc_body,
        grid=(NPAD // BR,),
        in_specs=[
            pl.BlockSpec((BR, D), lambda i: (i, 0)),
            pl.BlockSpec((TCB, RPT, D), lambda i: (i, 0, 0)),
            pl.BlockSpec((TCB, RPT, D), lambda i: (NS // TCB + i, 0, 0)),
            pl.BlockSpec((NC, BR), lambda i: (0, i)),
            pl.BlockSpec((D, D), lambda i: (0, 0)),
            pl.BlockSpec((1, D), lambda i: (0, 0)),
            pl.BlockSpec((D, D), lambda i: (0, 0)),
            pl.BlockSpec((1, D), lambda i: (0, 0)),
        ],
        out_specs=pl.BlockSpec((BR, 2 * D), lambda i: (i, 0)),
        out_shape=jax.ShapeDtypeStruct((N, 2 * D), jnp.float32),
    )(X, sums, sums, degs, W_self, b_self.reshape(1, D), W_neigh,
      b_neigh.reshape(1, D))
    return out

# --- scband reference (transcript-rebuilt; emitter-appended) ---
"""Pipeline reference for scband-simple-graph-sage-41790031790246 (READ-ONLY COPY).

The authoritative reference and input builder live on the scoring server;
editing this copy changes nothing except your own understanding.
"""

import jax, jax.numpy as jnp
import numpy as np

N_NODES = 10000
N_EDGES = 320000
IN_DIM = 128
HIDDEN_DIM = 128


def setup_inputs(seed: int = 0) -> dict:
    key = jax.random.key(seed)
    k_x, k_idx, k_ws, k_bs, k_wn, k_bn = jax.random.split(key, 6)
    X = jax.random.normal(k_x, (N_NODES, IN_DIM), dtype=jnp.float32)
    indices = jax.random.randint(k_idx, (2, N_EDGES), 0, N_NODES, dtype=jnp.int64)
    lim = 1.0 / np.sqrt(IN_DIM)
    W_self = jax.random.uniform(k_ws, (HIDDEN_DIM, IN_DIM), minval=-lim, maxval=lim, dtype=jnp.float32)
    b_self = jax.random.uniform(k_bs, (HIDDEN_DIM,), minval=-lim, maxval=lim, dtype=jnp.float32)
    W_neigh = jax.random.uniform(k_wn, (HIDDEN_DIM, IN_DIM), minval=-lim, maxval=lim, dtype=jnp.float32)
    b_neigh = jax.random.uniform(k_bn, (HIDDEN_DIM,), minval=-lim, maxval=lim, dtype=jnp.float32)
    return {"X": X, "indices": indices, "W_self": W_self, "b_self": b_self, "W_neigh": W_neigh, "b_neigh": b_neigh}


def reference(X, indices, W_self, b_self, W_neigh, b_neigh):
    n = X.shape[0]
    src = indices[0]
    dst = indices[1]
    deg = jnp.zeros((n, 1), dtype=X.dtype).at[src].add(jnp.ones((indices.shape[1], 1), dtype=X.dtype)) + 1e-09
    neigh_sum = jnp.zeros_like(X).at[src].add(X[dst])
    h_self = X @ W_self.T + b_self
    h_neigh = (neigh_sum / deg) @ W_neigh.T + b_neigh
    return jnp.tanh(jnp.concatenate([h_self, h_neigh], axis=1))

if __name__ == "__main__":
    import jax
    _d = setup_inputs()
    print(jax.jit(kernel)(*tuple(_d.values())))

</pallas_src>

<mosaic_0001>
#map = affine_map<(d0, d1) -> (0, 0)>
#map1 = affine_map<(d0, d1) -> (0, 0, 0)>
module attributes {stable_mosaic.version = 14 : i64} {
  func.func @_sc_scatter(%arg0: i32, %arg1: i32, %arg2: memref<10000x128xf32, #tpu.memory_space<hbm>>, %arg3: memref<2x2500x128xi32, #tpu.memory_space<hbm>>, %arg4: memref<2x80x128xi32, #tpu.memory_space<hbm>>, %arg5: memref<32x640x128xf32, #tpu.memory_space<hbm>>, %arg6: memref<2x10240xf32, #tpu.memory_space<hbm>>, %arg7: memref<2x16x128xi32, #tpu.memory_space<vmem>>, %arg8: memref<2x16x128xi32, #tpu.memory_space<vmem>>, %arg9: memref<128x128xf32, #tpu.memory_space<vmem>>, %arg10: memref<128x128xf32, #tpu.memory_space<vmem>>, %arg11: memref<128xf32, #tpu.memory_space<vmem>>, %arg12: memref<640xf32, #tpu.memory_space<vmem>>, %arg13: memref<10240x128xf32, #tpu.memory_space<vmem_shared>>, %arg14: memref<10240xf32, #tpu.memory_space<vmem_shared>>, %arg15: memref<!tpu.dma_semaphore, #tpu.memory_space<semaphore_mem>>, %arg16: memref<!tpu.dma_semaphore, #tpu.memory_space<semaphore_mem>>, %arg17: memref<!tpu.dma_semaphore, #tpu.memory_space<semaphore_mem>>, %arg18: memref<!tpu.dma_semaphore, #tpu.memory_space<semaphore_mem>>, %arg19: memref<!tpu.dma_semaphore, #tpu.memory_space<semaphore_mem>>, %arg20: memref<!tpu.dma_semaphore, #tpu.memory_space<semaphore_mem>>, %arg21: memref<!tpu.dma_semaphore, #tpu.memory_space<semaphore_mem>>) attributes {dimension_semantics = [#tpu.dimension_semantics<core_parallel>, #tpu.dimension_semantics<subcore_parallel>], iteration_bounds = array<i64: 2, 16>, scalar_prefetch = 0 : i64, scratch_operands = 15 : i64, tpu.core_type = #tpu.core_type<sc_vector_subcore>, window_params = [{transform_indices = #map}, {transform_indices = #map1}, {transform_indices = #map1}, {transform_indices = #map1}, {transform_indices = #map}]} {
    %mul3A = arith.constant 2 : i32
    %mul3A_0 = arith.muli %arg1, %mul3A : i32
    %add3A = arith.addi %mul3A_0, %arg0 : i32
    %mul3A_1 = arith.constant 16 : i32
    %mul3A_2 = arith.muli %arg0, %mul3A_1 : i32
    %add3A_3 = arith.addi %mul3A_2, %arg1 : i32
    %mul3A_4 = arith.constant 640 : i32
    %mul3A_5 = arith.muli %arg1, %mul3A_4 : i32
    %broadcast_in_dim3A = arith.constant 0.000000e+00 : f32
    %broadcast_in_dim3A_6 = vector.broadcast %broadcast_in_dim3A : f32 to vector<16xf32>
    %broadcast_in_dim3A_7 = arith.constant 1.000000e+00 : f32
    %broadcast_in_dim3A_8 = vector.broadcast %broadcast_in_dim3A_7 : f32 to vector<16xf32>
    %swap3A = arith.constant 0 : index
    %swap3A_9 = tpu.vector_load %arg11[%swap3A] {strides = array<i32>} : memref<128xf32, #tpu.memory_space<vmem>>, vector<16xf32>,
    %swap3A_10 = vector.shape_cast %swap3A_9 : vector<16xf32> to vector<16xf32>
    %swap3A_11 = vector.shape_cast %broadcast_in_dim3A_8 : vector<16xf32> to vector<16xf32>
    tpu.vector_store %arg11[%swap3A], %swap3A_11 {strides = array<i32>} : memref<128xf32, #tpu.memory_space<vmem>>, vector<16xf32>,
    %swap3A_12 = arith.constant 16 : index
    %swap3A_13 = tpu.vector_load %arg11[%swap3A_12] {strides = array<i32>} : memref<128xf32, #tpu.memory_space<vmem>>, vector<16xf32>,
    %swap3A_14 = vector.shape_cast %swap3A_13 : vector<16xf32> to vector<16xf32>
    %swap3A_15 = vector.shape_cast %broadcast_in_dim3A_8 : vector<16xf32> to vector<16xf32>
    tpu.vector_store %arg11[%swap3A_12], %swap3A_15 {strides = array<i32>} : memref<128xf32, #tpu.memory_space<vmem>>, vector<16xf32>,
    %swap3A_16 = arith.constant 32 : index
    %swap3A_17 = tpu.vector_load %arg11[%swap3A_16] {strides = array<i32>} : memref<128xf32, #tpu.memory_space<vmem>>, vector<16xf32>,
    %swap3A_18 = vector.shape_cast %swap3A_17 : vector<16xf32> to vector<16xf32>
    %swap3A_19 = vector.shape_cast %broadcast_in_dim3A_8 : vector<16xf32> to vector<16xf32>
    tpu.vector_store %arg11[%swap3A_16], %swap3A_19 {strides = array<i32>} : memref<128xf32, #tpu.memory_space<vmem>>, vector<16xf32>,
    %swap3A_20 = arith.constant 48 : index
    %swap3A_21 = tpu.vector_load %arg11[%swap3A_20] {strides = array<i32>} : memref<128xf32, #tpu.memory_space<vmem>>, vector<16xf32>,
    %swap3A_22 = vector.shape_cast %swap3A_21 : vector<16xf32> to vector<16xf32>
    %swap3A_23 = vector.shape_cast %broadcast_in_dim3A_8 : vector<16xf32> to vector<16xf32>
    tpu.vector_store %arg11[%swap3A_20], %swap3A_23 {strides = array<i32>} : memref<128xf32, #tpu.memory_space<vmem>>, vector<16xf32>,
    %swap3A_24 = arith.constant 64 : index
    %swap3A_25 = tpu.vector_load %arg11[%swap3A_24] {strides = array<i32>} : memref<128xf32, #tpu.memory_space<vmem>>, vector<16xf32>,
    %swap3A_26 = vector.shape_cast %swap3A_25 : vector<16xf32> to vector<16xf32>
    %swap3A_27 = vector.shape_cast %broadcast_in_dim3A_8 : vector<16xf32> to vector<16xf32>
    tpu.vector_store %arg11[%swap3A_24], %swap3A_27 {strides = array<i32>} : memref<128xf32, #tpu.memory_space<vmem>>, vector<16xf32>,
    %swap3A_28 = arith.constant 80 : index
    %swap3A_29 = tpu.vector_load %arg11[%swap3A_28] {strides = array<i32>} : memref<128xf32, #tpu.memory_space<vmem>>, vector<16xf32>,
    %swap3A_30 = vector.shape_cast %swap3A_29 : vector<16xf32> to vector<16xf32>
    %swap3A_31 = vector.shape_cast %broadcast_in_dim3A_8 : vector<16xf32> to vector<16xf32>
    tpu.vector_store %arg11[%swap3A_28], %swap3A_31 {strides = array<i32>} : memref<128xf32, #tpu.memory_space<vmem>>, vector<16xf32>,
    %swap3A_32 = arith.constant 96 : index
    %swap3A_33 = tpu.vector_load %arg11[%swap3A_32] {strides = array<i32>} : memref<128xf32, #tpu.memory_space<vmem>>, vector<16xf32>,
    %swap3A_34 = vector.shape_cast %swap3A_33 : vector<16xf32> to vector<16xf32>
    %swap3A_35 = vector.shape_cast %broadcast_in_dim3A_8 : vector<16xf32> to vector<16xf32>
    tpu.vector_store %arg11[%swap3A_32], %swap3A_35 {strides = array<i32>} : memref<128xf32, #tpu.memory_space<vmem>>, vector<16xf32>,
    %swap3A_36 = arith.constant 112 : index
    %swap3A_37 = tpu.vector_load %arg11[%swap3A_36] {strides = array<i32>} : memref<128xf32, #tpu.memory_space<vmem>>, vector<16xf32>,
    %swap3A_38 = vector.shape_cast %swap3A_37 : vector<16xf32> to vector<16xf32>
    %swap3A_39 = vector.shape_cast %broadcast_in_dim3A_8 : vector<16xf32> to vector<16xf32>
    tpu.vector_store %arg11[%swap3A_36], %swap3A_39 {strides = array<i32>} : memref<128xf32, #tpu.memory_space<vmem>>, vector<16xf32>,
    %scan3A = arith.constant 0 : i32
    %scan3A_40 = arith.constant 0 : i32
    %scan3A_41 = arith.constant 40 : i32
    %scan3A_42 = arith.addi %scan3A_40, %scan3A_41 : i32
    %scan3A_43 = arith.constant 1 : i32
    scf.for %scan3A_416 = %scan3A_40 to %scan3A_42 step %scan3A_43  : i32 {
      %mul3A_417 = arith.constant 16 : i32
      %mul3A_418 = arith.muli %scan3A_416, %mul3A_417 : i32
      %swap3A_419 = arith.index_cast %mul3A_418 : i32 to index
      %swap3A_420 = tpu.vector_load %arg12[%swap3A_419] {strides = array<i32>} : memref<640xf32, #tpu.memory_space<vmem>>, vector<16xf32>,
      %swap3A_421 = vector.shape_cast %swap3A_420 : vector<16xf32> to vector<16xf32>
      %swap3A_422 = vector.shape_cast %broadcast_in_dim3A_6 : vector<16xf32> to vector<16xf32>
      tpu.vector_store %arg12[%swap3A_419], %swap3A_422 {strides = array<i32>} : memref<640xf32, #tpu.memory_space<vmem>>, vector<16xf32>,
    }
    %scan3A_44 = arith.constant 40 : i32
    %scan3A_45 = arith.constant 0 : i32
    %scan3A_46 = arith.constant 0 : i32
    %scan3A_47 = arith.constant 128 : i32
    %scan3A_48 = arith.addi %scan3A_46, %scan3A_47 : i32
    %scan3A_49 = arith.constant 1 : i32
    scf.for %scan3A_416 = %scan3A_46 to %scan3A_48 step %scan3A_49  : i32 {
      %swap3A_417 = arith.index_cast %scan3A_416 : i32 to index
      %swap3A_418 = arith.constant 0 : index
      %swap3A_419 = tpu.vector_load %arg9[%swap3A_417, %swap3A_418] {strides = array<i32>} : memref<128x128xf32, #tpu.memory_space<vmem>>, vector<1x16xf32>,
      %swap3A_420 = vector.shape_cast %swap3A_419 : vector<1x16xf32> to vector<16xf32>
      %swap3A_421 = vector.shape_cast %broadcast_in_dim3A_6 : vector<16xf32> to vector<1x16xf32>
      tpu.vector_store %arg9[%swap3A_417, %swap3A_418], %swap3A_421 {strides = array<i32>} : memref<128x128xf32, #tpu.memory_space<vmem>>, vector<1x16xf32>,
      %swap3A_422 = arith.index_cast %scan3A_416 : i32 to index
      %swap3A_423 = arith.constant 16 : index
      %swap3A_424 = tpu.vector_load %arg9[%swap3A_422, %swap3A_423] {strides = array<i32>} : memref<128x128xf32, #tpu.memory_space<vmem>>, vector<1x16xf32>,
      %swap3A_425 = vector.shape_cast %swap3A_424 : vector<1x16xf32> to vector<16xf32>
      %swap3A_426 = vector.shape_cast %broadcast_in_dim3A_6 : vector<16xf32> to vector<1x16xf32>
      tpu.vector_store %arg9[%swap3A_422, %swap3A_423], %swap3A_426 {strides = array<i32>} : memref<128x128xf32, #tpu.memory_space<vmem>>, vector<1x16xf32>,
      %swap3A_427 = arith.index_cast %scan3A_416 : i32 to index
      %swap3A_428 = arith.constant 32 : index
      %swap3A_429 = tpu.vector_load %arg9[%swap3A_427, %swap3A_428] {strides = array<i32>} : memref<128x128xf32, #tpu.memory_space<vmem>>, vector<1x16xf32>,
      %swap3A_430 = vector.shape_cast %swap3A_429 : vector<1x16xf32> to vector<16xf32>
      %swap3A_431 = vector.shape_cast %broadcast_in_dim3A_6 : vector<16xf32> to vector<1x16xf32>
      tpu.vector_store %arg9[%swap3A_427, %swap3A_428], %swap3A_431 {strides = array<i32>} : memref<128x128xf32, #tpu.memory_space<vmem>>, vector<1x16xf32>,
      %swap3A_432 = arith.index_cast %scan3A_416 : i32 to index
      %swap3A_433 = arith.constant 48 : index
      %swap3A_434 = tpu.vector_load %arg9[%swap3A_432, %swap3A_433] {strides = array<i32>} : memref<128x128xf32, #tpu.memory_space<vmem>>, vector<1x16xf32>,
      %swap3A_435 = vector.shape_cast %swap3A_434 : vector<1x16xf32> to vector<16xf32>
      %swap3A_436 = vector.shape_cast %broadcast_in_dim3A_6 : vector<16xf32> to vector<1x16xf32>
      tpu.vector_store %arg9[%swap3A_432, %swap3A_433], %swap3A_436 {strides = array<i32>} : memref<128x128xf32, #tpu.memory_space<vmem>>, vector<1x16xf32>,
      %swap3A_437 = arith.index_cast %scan3A_416 : i32 to index
      %swap3A_438 = arith.constant 64 : index
      %swap3A_439 = tpu.vector_load %arg9[%swap3A_437, %swap3A_438] {strides = array<i32>} : memref<128x128xf32, #tpu.memory_space<vmem>>, vector<1x16xf32>,
      %swap3A_440 = vector.shape_cast %swap3A_439 : vector<1x16xf32> to vector<16xf32>
      %swap3A_441 = vector.shape_cast %broadcast_in_dim3A_6 : vector<16xf32> to vector<1x16xf32>
      tpu.vector_store %arg9[%swap3A_437, %swap3A_438], %swap3A_441 {strides = array<i32>} : memref<128x128xf32, #tpu.memory_space<vmem>>, vector<1x16xf32>,
      %swap3A_442 = arith.index_cast %scan3A_416 : i32 to index
      %swap3A_443 = arith.constant 80 : index
      %swap3A_444 = tpu.vector_load %arg9[%swap3A_442, %swap3A_443] {strides = array<i32>} : memref<128x128xf32, #tpu.memory_space<vmem>>, vector<1x16xf32>,
      %swap3A_445 = vector.shape_cast %swap3A_444 : vector<1x16xf32> to vector<16xf32>
      %swap3A_446 = vector.shape_cast %broadcast_in_dim3A_6 : vector<16xf32> to vector<1x16xf32>
      tpu.vector_store %arg9[%swap3A_442, %swap3A_443], %swap3A_446 {strides = array<i32>} : memref<128x128xf32, #tpu.memory_space<vmem>>, vector<1x16xf32>,
      %swap3A_447 = arith.index_cast %scan3A_416 : i32 to index
      %swap3A_448 = arith.constant 96 : index
      %swap3A_449 = tpu.vector_load %arg9[%swap3A_447, %swap3A_448] {strides = array<i32>} : memref<128x128xf32, #tpu.memory_space<vmem>>, vector<1x16xf32>,
      %swap3A_450 = vector.shape_cast %swap3A_449 : vector<1x16xf32> to vector<16xf32>
      %swap3A_451 = vector.shape_cast %broadcast_in_dim3A_6 : vector<16xf32> to vector<1x16xf32>
      tpu.vector_store %arg9[%swap3A_447, %swap3A_448], %swap3A_451 {strides = array<i32>} : memref<128x128xf32, #tpu.memory_space<vmem>>, vector<1x16xf32>,
      %swap3A_452 = arith.index_cast %scan3A_416 : i32 to index
      %swap3A_453 = arith.constant 112 : index
      %swap3A_454 = tpu.vector_load %arg9[%swap3A_452, %swap3A_453] {strides = array<i32>} : memref<128x128xf32, #tpu.memory_space<vmem>>, vector<1x16xf32>,
      %swap3A_455 = vector.shape_cast %swap3A_454 : vector<1x16xf32> to vector<16xf32>
      %swap3A_456 = vector.shape_cast %broadcast_in_dim3A_6 : vector<16xf32> to vector<1x16xf32>
      tpu.vector_store %arg9[%swap3A_452, %swap3A_453], %swap3A_456 {strides = array<i32>} : memref<128x128xf32, #tpu.memory_space<vmem>>, vector<1x16xf32>,
    }
    %scan3A_50 = arith.constant 128 : i32
    %add3A_51 = arith.constant 0 : i32
    %add3A_52 = arith.addi %mul3A_5, %add3A_51 : i32
    "tpu.region"() ({
      %run_scoped3A = tpu.sem_alloc : memref<!tpu.dma_semaphore, #tpu.memory_space<semaphore_mem>>
      %dma_start3A_416 = arith.constant 0 : i32
      %dma_start3A_417 = tpu.memref_slice %arg13[%add3A_52, %dma_start3A_416] : memref<10240x128xf32, #tpu.memory_space<vmem_shared>> -> memref<128x128xf32, #tpu.memory_space<vmem_shared>>
      %dma_start3A_418 = arith.constant 0 : i32
      %dma_start3A_419 = tpu.memref_slice %arg13[%add3A_52, %dma_start3A_418] : memref<10240x128xf32, #tpu.memory_space<vmem_shared>> -> memref<128x128xf32, #tpu.memory_space<vmem_shared>>
      tpu.enqueue_dma source(%arg9 : memref<128x128xf32, #tpu.memory_space<vmem>>) target(%dma_start3A_419 : memref<128x128xf32, #tpu.memory_space<vmem_shared>>) target_semaphore(%run_scoped3A : memref<!tpu.dma_semaphore, #tpu.memory_space<semaphore_mem>>)
      %dma_wait3A_420 = arith.constant 0 : i32
      %dma_wait3A_421 = tpu.memref_slice %arg13[%add3A_52, %dma_wait3A_420] : memref<10240x128xf32, #tpu.memory_space<vmem_shared>> -> memref<128x128xf32, #tpu.memory_space<vmem_shared>>
      %dma_wait3A_422 = arith.constant 0 : i32
      %dma_wait3A_423 = tpu.memref_slice %arg13[%add3A_52, %dma_wait3A_422] : memref<10240x128xf32, #tpu.memory_space<vmem_shared>> -> memref<128x128xf32, #tpu.memory_space<vmem_shared>>
      tpu.wait_dma2 semaphore(%run_scoped3A : memref<!tpu.dma_semaphore, #tpu.memory_space<semaphore_mem>>) src(%arg9 : memref<128x128xf32, #tpu.memory_space<vmem>>) dst(%dma_wait3A_423 : memref<128x128xf32, #tpu.memory_space<vmem_shared>>)
      tpu.yield
    }) : () -> ()
    %add3A_53 = arith.constant 128 : i32
    %add3A_54 = arith.addi %mul3A_5, %add3A_53 : i32
    "tpu.region"() ({
      %run_scoped3A = tpu.sem_alloc : memref<!tpu.dma_semaphore, #tpu.memory_space<semaphore_mem>>
      %dma_start3A_416 = arith.constant 0 : i32
      %dma_start3A_417 = tpu.memref_slice %arg13[%add3A_54, %dma_start3A_416] : memref<10240x128xf32, #tpu.memory_space<vmem_shared>> -> memref<128x128xf32, #tpu.memory_space<vmem_shared>>
      %dma_start3A_418 = arith.constant 0 : i32
      %dma_start3A_419 = tpu.memref_slice %arg13[%add3A_54, %dma_start3A_418] : memref<10240x128xf32, #tpu.memory_space<vmem_shared>> -> memref<128x128xf32, #tpu.memory_space<vmem_shared>>
      tpu.enqueue_dma source(%arg9 : memref<128x128xf32, #tpu.memory_space<vmem>>) target(%dma_start3A_419 : memref<128x128xf32, #tpu.memory_space<vmem_shared>>) target_semaphore(%run_scoped3A : memref<!tpu.dma_semaphore, #tpu.memory_space<semaphore_mem>>)
      %dma_wait3A_420 = arith.constant 0 : i32
      %dma_wait3A_421 = tpu.memref_slice %arg13[%add3A_54, %dma_wait3A_420] : memref<10240x128xf32, #tpu.memory_space<vmem_shared>> -> memref<128x128xf32, #tpu.memory_space<vmem_shared>>
      %dma_wait3A_422 = arith.constant 0 : i32
      %dma_wait3A_423 = tpu.memref_slice %arg13[%add3A_54, %dma_wait3A_422] : memref<10240x128xf32, #tpu.memory_space<vmem_shared>> -> memref<128x128xf32, #tpu.memory_space<vmem_shared>>
      tpu.wait_dma2 semaphore(%run_scoped3A : memref<!tpu.dma_semaphore, #tpu.memory_space<semaphore_mem>>) src(%arg9 : memref<128x128xf32, #tpu.memory_space<vmem>>) dst(%dma_wait3A_423 : memref<128x128xf32, #tpu.memory_space<vmem_shared>>)
      tpu.yield
    }) : () -> ()
    %add3A_55 = arith.constant 256 : i32
    %add3A_56 = arith.addi %mul3A_5, %add3A_55 : i32
    "tpu.region"() ({
      %run_scoped3A = tpu.sem_alloc : memref<!tpu.dma_semaphore, #tpu.memory_space<semaphore_mem>>
      %dma_start3A_416 = arith.constant 0 : i32
      %dma_start3A_417 = tpu.memref_slice %arg13[%add3A_56, %dma_start3A_416] : memref<10240x128xf32, #tpu.memory_space<vmem_shared>> -> memref<128x128xf32, #tpu.memory_space<vmem_shared>>
      %dma_start3A_418 = arith.constant 0 : i32
      %dma_start3A_419 = tpu.memref_slice %arg13[%add3A_56, %dma_start3A_418] : memref<10240x128xf32, #tpu.memory_space<vmem_shared>> -> memref<128x128xf32, #tpu.memory_space<vmem_shared>>
      tpu.enqueue_dma source(%arg9 : memref<128x128xf32, #tpu.memory_space<vmem>>) target(%dma_start3A_419 : memref<128x128xf32, #tpu.memory_space<vmem_shared>>) target_semaphore(%run_scoped3A : memref<!tpu.dma_semaphore, #tpu.memory_space<semaphore_mem>>)
      %dma_wait3A_420 = arith.constant 0 : i32
      %dma_wait3A_421 = tpu.memref_slice %arg13[%add3A_56, %dma_wait3A_420] : memref<10240x128xf32, #tpu.memory_space<vmem_shared>> -> memref<128x128xf32, #tpu.memory_space<vmem_shared>>
      %dma_wait3A_422 = arith.constant 0 : i32
      %dma_wait3A_423 = tpu.memref_slice %arg13[%add3A_56, %dma_wait3A_422] : memref<10240x128xf32, #tpu.memory_space<vmem_shared>> -> memref<128x128xf32, #tpu.memory_space<vmem_shared>>
      tpu.wait_dma2 semaphore(%run_scoped3A : memref<!tpu.dma_semaphore, #tpu.memory_space<semaphore_mem>>) src(%arg9 : memref<128x128xf32, #tpu.memory_space<vmem>>) dst(%dma_wait3A_423 : memref<128x128xf32, #tpu.memory_space<vmem_shared>>)
      tpu.yield
    }) : () -> ()
    %add3A_57 = arith.constant 384 : i32
    %add3A_58 = arith.addi %mul3A_5, %add3A_57 : i32
    "tpu.region"() ({
      %run_scoped3A = tpu.sem_alloc : memref<!tpu.dma_semaphore, #tpu.memory_space<semaphore_mem>>
      %dma_start3A_416 = arith.constant 0 : i32
      %dma_start3A_417 = tpu.memref_slice %arg13[%add3A_58, %dma_start3A_416] : memref<10240x128xf32, #tpu.memory_space<vmem_shared>> -> memref<128x128xf32, #tpu.memory_space<vmem_shared>>
      %dma_start3A_418 = arith.constant 0 : i32
      %dma_start3A_419 = tpu.memref_slice %arg13[%add3A_58, %dma_start3A_418] : memref<10240x128xf32, #tpu.memory_space<vmem_shared>> -> memref<128x128xf32, #tpu.memory_space<vmem_shared>>
      tpu.enqueue_dma source(%arg9 : memref<128x128xf32, #tpu.memory_space<vmem>>) target(%dma_start3A_419 : memref<128x128xf32, #tpu.memory_space<vmem_shared>>) target_semaphore(%run_scoped3A : memref<!tpu.dma_semaphore, #tpu.memory_space<semaphore_mem>>)
      %dma_wait3A_420 = arith.constant 0 : i32
      %dma_wait3A_421 = tpu.memref_slice %arg13[%add3A_58, %dma_wait3A_420] : memref<10240x128xf32, #tpu.memory_space<vmem_shared>> -> memref<128x128xf32, #tpu.memory_space<vmem_shared>>
      %dma_wait3A_422 = arith.constant 0 : i32
      %dma_wait3A_423 = tpu.memref_slice %arg13[%add3A_58, %dma_wait3A_422] : memref<10240x128xf32, #tpu.memory_space<vmem_shared>> -> memref<128x128xf32, #tpu.memory_space<vmem_shared>>
      tpu.wait_dma2 semaphore(%run_scoped3A : memref<!tpu.dma_semaphore, #tpu.memory_space<semaphore_mem>>) src(%arg9 : memref<128x128xf32, #tpu.memory_space<vmem>>) dst(%dma_wait3A_423 : memref<128x128xf32, #tpu.memory_space<vmem_shared>>)
      tpu.yield
    }) : () -> ()
    %add3A_59 = arith.constant 512 : i32
    %add3A_60 = arith.addi %mul3A_5, %add3A_59 : i32
    "tpu.region"() ({
      %run_scoped3A = tpu.sem_alloc : memref<!tpu.dma_semaphore, #tpu.memory_space<semaphore_mem>>
      %dma_start3A_416 = arith.constant 0 : i32
      %dma_start3A_417 = tpu.memref_slice %arg13[%add3A_60, %dma_start3A_416] : memref<10240x128xf32, #tpu.memory_space<vmem_shared>> -> memref<128x128xf32, #tpu.memory_space<vmem_shared>>
      %dma_start3A_418 = arith.constant 0 : i32
      %dma_start3A_419 = tpu.memref_slice %arg13[%add3A_60, %dma_start3A_418] : memref<10240x128xf32, #tpu.memory_space<vmem_shared>> -> memref<128x128xf32, #tpu.memory_space<vmem_shared>>
      tpu.enqueue_dma source(%arg9 : memref<128x128xf32, #tpu.memory_space<vmem>>) target(%dma_start3A_419 : memref<128x128xf32, #tpu.memory_space<vmem_shared>>) target_semaphore(%run_scoped3A : memref<!tpu.dma_semaphore, #tpu.memory_space<semaphore_mem>>)
      %dma_wait3A_420 = arith.constant 0 : i32
      %dma_wait3A_421 = tpu.memref_slice %arg13[%add3A_60, %dma_wait3A_420] : memref<10240x128xf32, #tpu.memory_space<vmem_shared>> -> memref<128x128xf32, #tpu.memory_space<vmem_shared>>
      %dma_wait3A_422 = arith.constant 0 : i32
      %dma_wait3A_423 = tpu.memref_slice %arg13[%add3A_60, %dma_wait3A_422] : memref<10240x128xf32, #tpu.memory_space<vmem_shared>> -> memref<128x128xf32, #tpu.memory_space<vmem_shared>>
      tpu.wait_dma2 semaphore(%run_scoped3A : memref<!tpu.dma_semaphore, #tpu.memory_space<semaphore_mem>>) src(%arg9 : memref<128x128xf32, #tpu.memory_space<vmem>>) dst(%dma_wait3A_423 : memref<128x128xf32, #tpu.memory_space<vmem_shared>>)
      tpu.yield
    }) : () -> ()
    "tpu.region"() ({
      %run_scoped3A = tpu.sem_alloc : memref<!tpu.dma_semaphore, #tpu.memory_space<semaphore_mem>>
      %dma_start3A_416 = tpu.memref_slice %arg14[%mul3A_5] : memref<10240xf32, #tpu.memory_space<vmem_shared>> -> memref<640xf32, #tpu.memory_space<vmem_shared>>
      %dma_start3A_417 = tpu.memref_slice %arg14[%mul3A_5] : memref<10240xf32, #tpu.memory_space<vmem_shared>> -> memref<640xf32, #tpu.memory_space<vmem_shared>>
      tpu.enqueue_dma source(%arg12 : memref<640xf32, #tpu.memory_space<vmem>>) target(%dma_start3A_417 : memref<640xf32, #tpu.memory_space<vmem_shared>>) target_semaphore(%run_scoped3A : memref<!tpu.dma_semaphore, #tpu.memory_space<semaphore_mem>>)
      %dma_wait3A_418 = tpu.memref_slice %arg14[%mul3A_5] : memref<10240xf32, #tpu.memory_space<vmem_shared>> -> memref<640xf32, #tpu.memory_space<vmem_shared>>
      %dma_wait3A_419 = tpu.memref_slice %arg14[%mul3A_5] : memref<10240xf32, #tpu.memory_space<vmem_shared>> -> memref<640xf32, #tpu.memory_space<vmem_shared>>
      tpu.wait_dma2 semaphore(%run_scoped3A : memref<!tpu.dma_semaphore, #tpu.memory_space<semaphore_mem>>) src(%arg12 : memref<640xf32, #tpu.memory_space<vmem>>) dst(%dma_wait3A_419 : memref<640xf32, #tpu.memory_space<vmem_shared>>)
      tpu.yield
    }) : () -> ()
    %lt3A = arith.constant 31 : i32
    %lt3A_61 = arith.cmpi slt, %add3A, %lt3A : i32
    %convert_element_type3A = arith.extui %lt3A_61 : i1 to i32
    %cond3A = arith.constant 0 : i32
    %cond3A_62 = arith.cmpi ne, %convert_element_type3A, %cond3A : i32
    scf.if %cond3A_62 {
      %mul3A_416 = arith.constant 80 : i32
      %mul3A_417 = arith.muli %add3A, %mul3A_416 : i32
      %add3A_418 = arith.constant 0 : i32
      %add3A_419 = arith.addi %mul3A_417, %add3A_418 : i32
      %dma_start3A_420 = arith.constant 0 : i32
      %dma_start3A_421 = arith.constant 0 : i32
      %dma_start3A_422 = arith.constant 0 : i32
      %dma_start3A_423 = arith.constant 0 : i32
      %dma_start3A_424 = tpu.memref_slice %arg7[%dma_start3A_421, %dma_start3A_422, %dma_start3A_423] : memref<2x16x128xi32, #tpu.memory_space<vmem>> -> memref<1x16x128xi32, #tpu.memory_space<vmem>>
      %dma_start3A_425 = tpu.memref_squeeze %dma_start3A_424 : memref<1x16x128xi32, #tpu.memory_space<vmem>> -> memref<16x128xi32, #tpu.memory_space<vmem>>
      %dma_start3A_426 = arith.constant 0 : i32
      %dma_start3A_427 = tpu.memref_slice %arg3[%dma_start3A_420, %add3A_419, %dma_start3A_426] : memref<2x2500x128xi32, #tpu.memory_space<hbm>> -> memref<1x16x128xi32, #tpu.memory_space<hbm>>
      %dma_start3A_428 = tpu.memref_squeeze %dma_start3A_427 : memref<1x16x128xi32, #tpu.memory_space<hbm>> -> memref<16x128xi32, #tpu.memory_space<hbm>>
      %dma_start3A_429 = arith.constant 0 : i32
      %dma_start3A_430 = arith.constant 0 : i32
      %dma_start3A_431 = tpu.memref_slice %arg7[%dma_start3A_421, %dma_start3A_429, %dma_start3A_430] : memref<2x16x128xi32, #tpu.memory_space<vmem>> -> memref<1x16x128xi32, #tpu.memory_space<vmem>>
      %dma_start3A_432 = tpu.memref_squeeze %dma_start3A_431 : memref<1x16x128xi32, #tpu.memory_space<vmem>> -> memref<16x128xi32, #tpu.memory_space<vmem>>
      %dma_start3A_433 = arith.constant 0 : i32
      %dma_start3A_434 = tpu.memref_slice %arg3[%dma_start3A_420, %add3A_419, %dma_start3A_433] : memref<2x2500x128xi32, #tpu.memory_space<hbm>> -> memref<1x16x128xi32, #tpu.memory_space<hbm>>
      %dma_start3A_435 = tpu.memref_squeeze %dma_start3A_434 : memref<1x16x128xi32, #tpu.memory_space<hbm>> -> memref<16x128xi32, #tpu.memory_space<hbm>>
      tpu.enqueue_dma source(%dma_start3A_435 : memref<16x128xi32, #tpu.memory_space<hbm>>) target(%dma_start3A_432 : memref<16x128xi32, #tpu.memory_space<vmem>>) target_semaphore(%arg17 : memref<!tpu.dma_semaphore, #tpu.memory_space<semaphore_mem>>)
      %mul3A_436 = arith.constant 80 : i32
      %mul3A_437 = arith.muli %add3A, %mul3A_436 : i32
      %add3A_438 = arith.constant 0 : i32
      %add3A_439 = arith.addi %mul3A_437, %add3A_438 : i32
      %dma_start3A_440 = arith.constant 1 : i32
      %dma_start3A_441 = arith.constant 0 : i32
      %dma_start3A_442 = arith.constant 0 : i32
      %dma_start3A_443 = arith.constant 0 : i32
      %dma_start3A_444 = tpu.memref_slice %arg8[%dma_start3A_441, %dma_start3A_442, %dma_start3A_443] : memref<2x16x128xi32, #tpu.memory_space<vmem>> -> memref<1x16x128xi32, #tpu.memory_space<vmem>>
      %dma_start3A_445 = tpu.memref_squeeze %dma_start3A_444 : memref<1x16x128xi32, #tpu.memory_space<vmem>> -> memref<16x128xi32, #tpu.memory_space<vmem>>
      %dma_start3A_446 = arith.constant 0 : i32
      %dma_start3A_447 = tpu.memref_slice %arg3[%dma_start3A_440, %add3A_439, %dma_start3A_446] : memref<2x2500x128xi32, #tpu.memory_space<hbm>> -> memref<1x16x128xi32, #tpu.memory_space<hbm>>
      %dma_start3A_448 = tpu.memref_squeeze %dma_start3A_447 : memref<1x16x128xi32, #tpu.memory_space<hbm>> -> memref<16x128xi32, #tpu.memory_space<hbm>>
      %dma_start3A_449 = arith.constant 0 : i32
      %dma_start3A_450 = arith.constant 0 : i32
      %dma_start3A_451 = tpu.memref_slice %arg8[%dma_start3A_441, %dma_start3A_449, %dma_start3A_450] : memref<2x16x128xi32, #tpu.memory_space<vmem>> -> memref<1x16x128xi32, #tpu.memory_space<vmem>>
      %dma_start3A_452 = tpu.memref_squeeze %dma_start3A_451 : memref<1x16x128xi32, #tpu.memory_space<vmem>> -> memref<16x128xi32, #tpu.memory_space<vmem>>
      %dma_start3A_453 = arith.constant 0 : i32
      %dma_start3A_454 = tpu.memref_slice %arg3[%dma_start3A_440, %add3A_439, %dma_start3A_453] : memref<2x2500x128xi32, #tpu.memory_space<hbm>> -> memref<1x16x128xi32, #tpu.memory_space<hbm>>
      %dma_start3A_455 = tpu.memref_squeeze %dma_start3A_454 : memref<1x16x128xi32, #tpu.memory_space<hbm>> -> memref<16x128xi32, #tpu.memory_space<hbm>>
      tpu.enqueue_dma source(%dma_start3A_455 : memref<16x128xi32, #tpu.memory_space<hbm>>) target(%dma_start3A_452 : memref<16x128xi32, #tpu.memory_space<vmem>>) target_semaphore(%arg18 : memref<!tpu.dma_semaphore, #tpu.memory_space<semaphore_mem>>)
    } else {
    }
    %eq3A = arith.constant 31 : i32
    %eq3A_63 = arith.cmpi eq, %add3A, %eq3A : i32
    %convert_element_type3A_64 = arith.extui %eq3A_63 : i1 to i32
    %cond3A_65 = arith.constant 0 : i32
    %cond3A_66 = arith.cmpi ne, %convert_element_type3A_64, %cond3A_65 : i32
    scf.if %cond3A_66 {
      %dma_start3A_416 = arith.constant 0 : i32
      %dma_start3A_417 = arith.constant 0 : i32
      %dma_start3A_418 = arith.constant 0 : i32
      %dma_start3A_419 = arith.constant 0 : i32
      %dma_start3A_420 = tpu.memref_slice %arg7[%dma_start3A_417, %dma_start3A_418, %dma_start3A_419] : memref<2x16x128xi32, #tpu.memory_space<vmem>> -> memref<1x16x128xi32, #tpu.memory_space<vmem>>
      %dma_start3A_421 = tpu.memref_squeeze %dma_start3A_420 : memref<1x16x128xi32, #tpu.memory_space<vmem>> -> memref<16x128xi32, #tpu.memory_space<vmem>>
      %dma_start3A_422 = arith.constant 0 : i32
      %dma_start3A_423 = arith.constant 0 : i32
      %dma_start3A_424 = tpu.memref_slice %arg4[%dma_start3A_416, %dma_start3A_422, %dma_start3A_423] : memref<2x80x128xi32, #tpu.memory_space<hbm>> -> memref<1x16x128xi32, #tpu.memory_space<hbm>>
      %dma_start3A_425 = tpu.memref_squeeze %dma_start3A_424 : memref<1x16x128xi32, #tpu.memory_space<hbm>> -> memref<16x128xi32, #tpu.memory_space<hbm>>
      %dma_start3A_426 = arith.constant 0 : i32
      %dma_start3A_427 = arith.constant 0 : i32
      %dma_start3A_428 = tpu.memref_slice %arg7[%dma_start3A_417, %dma_start3A_426, %dma_start3A_427] : memref<2x16x128xi32, #tpu.memory_space<vmem>> -> memref<1x16x128xi32, #tpu.memory_space<vmem>>
      %dma_start3A_429 = tpu.memref_squeeze %dma_start3A_428 : memref<1x16x128xi32, #tpu.memory_space<vmem>> -> memref<16x128xi32, #tpu.memory_space<vmem>>
      %dma_start3A_430 = arith.constant 0 : i32
      %dma_start3A_431 = arith.constant 0 : i32
      %dma_start3A_432 = tpu.memref_slice %arg4[%dma_start3A_416, %dma_start3A_430, %dma_start3A_431] : memref<2x80x128xi32, #tpu.memory_space<hbm>> -> memref<1x16x128xi32, #tpu.memory_space<hbm>>
      %dma_start3A_433 = tpu.memref_squeeze %dma_start3A_432 : memref<1x16x128xi32, #tpu.memory_space<hbm>> -> memref<16x128xi32, #tpu.memory_space<hbm>>
      tpu.enqueue_dma source(%dma_start3A_433 : memref<16x128xi32, #tpu.memory_space<hbm>>) target(%dma_start3A_429 : memref<16x128xi32, #tpu.memory_space<vmem>>) target_semaphore(%arg17 : memref<!tpu.dma_semaphore, #tpu.memory_space<semaphore_mem>>)
      %dma_start3A_434 = arith.constant 1 : i32
      %dma_start3A_435 = arith.constant 0 : i32
      %dma_start3A_436 = arith.constant 0 : i32
      %dma_start3A_437 = arith.constant 0 : i32
      %dma_start3A_438 = tpu.memref_slice %arg8[%dma_start3A_435, %dma_start3A_436, %dma_start3A_437] : memref<2x16x128xi32, #tpu.memory_space<vmem>> -> memref<1x16x128xi32, #tpu.memory_space<vmem>>
      %dma_start3A_439 = tpu.memref_squeeze %dma_start3A_438 : memref<1x16x128xi32, #tpu.memory_space<vmem>> -> memref<16x128xi32, #tpu.memory_space<vmem>>
      %dma_start3A_440 = arith.constant 0 : i32
      %dma_start3A_441 = arith.constant 0 : i32
      %dma_start3A_442 = tpu.memref_slice %arg4[%dma_start3A_434, %dma_start3A_440, %dma_start3A_441] : memref<2x80x128xi32, #tpu.memory_space<hbm>> -> memref<1x16x128xi32, #tpu.memory_space<hbm>>
      %dma_start3A_443 = tpu.memref_squeeze %dma_start3A_442 : memref<1x16x128xi32, #tpu.memory_space<hbm>> -> memref<16x128xi32, #tpu.memory_space<hbm>>
      %dma_start3A_444 = arith.constant 0 : i32
      %dma_start3A_445 = arith.constant 0 : i32
      %dma_start3A_446 = tpu.memref_slice %arg8[%dma_start3A_435, %dma_start3A_444, %dma_start3A_445] : memref<2x16x128xi32, #tpu.memory_space<vmem>> -> memref<1x16x128xi32, #tpu.memory_space<vmem>>
      %dma_start3A_447 = tpu.memref_squeeze %dma_start3A_446 : memref<1x16x128xi32, #tpu.memory_space<vmem>> -> memref<16x128xi32, #tpu.memory_space<vmem>>
      %dma_start3A_448 = arith.constant 0 : i32
      %dma_start3A_449 = arith.constant 0 : i32
      %dma_start3A_450 = tpu.memref_slice %arg4[%dma_start3A_434, %dma_start3A_448, %dma_start3A_449] : memref<2x80x128xi32, #tpu.memory_space<hbm>> -> memref<1x16x128xi32, #tpu.memory_space<hbm>>
      %dma_start3A_451 = tpu.memref_squeeze %dma_start3A_450 : memref<1x16x128xi32, #tpu.memory_space<hbm>> -> memref<16x128xi32, #tpu.memory_space<hbm>>
      tpu.enqueue_dma source(%dma_start3A_451 : memref<16x128xi32, #tpu.memory_space<hbm>>) target(%dma_start3A_447 : memref<16x128xi32, #tpu.memory_space<vmem>>) target_semaphore(%arg18 : memref<!tpu.dma_semaphore, #tpu.memory_space<semaphore_mem>>)
    } else {
    }
    %dma_wait3A = arith.constant 0 : i32
    %dma_wait3A_67 = arith.constant 0 : i32
    %dma_wait3A_68 = arith.constant 0 : i32
    %dma_wait3A_69 = arith.constant 0 : i32
    %dma_wait3A_70 = tpu.memref_slice %arg7[%dma_wait3A_67, %dma_wait3A_68, %dma_wait3A_69] : memref<2x16x128xi32, #tpu.memory_space<vmem>> -> memref<1x16x128xi32, #tpu.memory_space<vmem>>
    %dma_wait3A_71 = tpu.memref_squeeze %dma_wait3A_70 : memref<1x16x128xi32, #tpu.memory_space<vmem>> -> memref<16x128xi32, #tpu.memory_space<vmem>>
    %dma_wait3A_72 = arith.constant 0 : i32
    %dma_wait3A_73 = arith.constant 0 : i32
    %dma_wait3A_74 = tpu.memref_slice %arg4[%dma_wait3A, %dma_wait3A_72, %dma_wait3A_73] : memref<2x80x128xi32, #tpu.memory_space<hbm>> -> memref<1x16x128xi32, #tpu.memory_space<hbm>>
    %dma_wait3A_75 = tpu.memref_squeeze %dma_wait3A_74 : memref<1x16x128xi32, #tpu.memory_space<hbm>> -> memref<16x128xi32, #tpu.memory_space<hbm>>
    %dma_wait3A_76 = arith.constant 0 : i32
    %dma_wait3A_77 = arith.constant 0 : i32
    %dma_wait3A_78 = tpu.memref_slice %arg7[%dma_wait3A_67, %dma_wait3A_76, %dma_wait3A_77] : memref<2x16x128xi32, #tpu.memory_space<vmem>> -> memref<1x16x128xi32, #tpu.memory_space<vmem>>
    %dma_wait3A_79 = tpu.memref_squeeze %dma_wait3A_78 : memref<1x16x128xi32, #tpu.memory_space<vmem>> -> memref<16x128xi32, #tpu.memory_space<vmem>>
    %dma_wait3A_80 = arith.constant 0 : i32
    %dma_wait3A_81 = arith.constant 0 : i32
    %dma_wait3A_82 = tpu.memref_slice %arg4[%dma_wait3A, %dma_wait3A_80, %dma_wait3A_81] : memref<2x80x128xi32, #tpu.memory_space<hbm>> -> memref<1x16x128xi32, #tpu.memory_space<hbm>>
    %dma_wait3A_83 = tpu.memref_squeeze %dma_wait3A_82 : memref<1x16x128xi32, #tpu.memory_space<hbm>> -> memref<16x128xi32, #tpu.memory_space<hbm>>
    tpu.wait_dma2 semaphore(%arg17 : memref<!tpu.dma_semaphore, #tpu.memory_space<semaphore_mem>>) src(%dma_wait3A_83 : memref<16x128xi32, #tpu.memory_space<hbm>>) dst(%dma_wait3A_79 : memref<16x128xi32, #tpu.memory_space<vmem>>)
    %dma_wait3A_84 = arith.constant 1 : i32
    %dma_wait3A_85 = arith.constant 0 : i32
    %dma_wait3A_86 = arith.constant 0 : i32
    %dma_wait3A_87 = arith.constant 0 : i32
    %dma_wait3A_88 = tpu.memref_slice %arg8[%dma_wait3A_85, %dma_wait3A_86, %dma_wait3A_87] : memref<2x16x128xi32, #tpu.memory_space<vmem>> -> memref<1x16x128xi32, #tpu.memory_space<vmem>>
    %dma_wait3A_89 = tpu.memref_squeeze %dma_wait3A_88 : memref<1x16x128xi32, #tpu.memory_space<vmem>> -> memref<16x128xi32, #tpu.memory_space<vmem>>
    %dma_wait3A_90 = arith.constant 0 : i32
    %dma_wait3A_91 = arith.constant 0 : i32
    %dma_wait3A_92 = tpu.memref_slice %arg4[%dma_wait3A_84, %dma_wait3A_90, %dma_wait3A_91] : memref<2x80x128xi32, #tpu.memory_space<hbm>> -> memref<1x16x128xi32, #tpu.memory_space<hbm>>
    %dma_wait3A_93 = tpu.memref_squeeze %dma_wait3A_92 : memref<1x16x128xi32, #tpu.memory_space<hbm>> -> memref<16x128xi32, #tpu.memory_space<hbm>>
    %dma_wait3A_94 = arith.constant 0 : i32
    %dma_wait3A_95 = arith.constant 0 : i32
    %dma_wait3A_96 = tpu.memref_slice %arg8[%dma_wait3A_85, %dma_wait3A_94, %dma_wait3A_95] : memref<2x16x128xi32, #tpu.memory_space<vmem>> -> memref<1x16x128xi32, #tpu.memory_space<vmem>>
    %dma_wait3A_97 = tpu.memref_squeeze %dma_wait3A_96 : memref<1x16x128xi32, #tpu.memory_space<vmem>> -> memref<16x128xi32, #tpu.memory_space<vmem>>
    %dma_wait3A_98 = arith.constant 0 : i32
    %dma_wait3A_99 = arith.constant 0 : i32
    %dma_wait3A_100 = tpu.memref_slice %arg4[%dma_wait3A_84, %dma_wait3A_98, %dma_wait3A_99] : memref<2x80x128xi32, #tpu.memory_space<hbm>> -> memref<1x16x128xi32, #tpu.memory_space<hbm>>
    %dma_wait3A_101 = tpu.memref_squeeze %dma_wait3A_100 : memref<1x16x128xi32, #tpu.memory_space<hbm>> -> memref<16x128xi32, #tpu.memory_space<hbm>>
    tpu.wait_dma2 semaphore(%arg18 : memref<!tpu.dma_semaphore, #tpu.memory_space<semaphore_mem>>) src(%dma_wait3A_101 : memref<16x128xi32, #tpu.memory_space<hbm>>) dst(%dma_wait3A_97 : memref<16x128xi32, #tpu.memory_space<vmem>>)
    %dma_start3A = arith.constant 0 : i32
    %dma_start3A_102 = arith.constant 0 : i32
    %dma_start3A_103 = arith.constant 0 : i32
    %dma_start3A_104 = tpu.memref_slice %arg8[%dma_start3A, %dma_start3A_102, %dma_start3A_103] : memref<2x16x128xi32, #tpu.memory_space<vmem>> -> memref<1x1x128xi32, #tpu.memory_space<vmem>>
    %dma_start3A_105 = tpu.memref_squeeze %dma_start3A_104 : memref<1x1x128xi32, #tpu.memory_space<vmem>> -> memref<128xi32, #tpu.memory_space<vmem>>
    %dma_start3A_106 = arith.constant 0 : i32
    %dma_start3A_107 = arith.constant 0 : i32
    %dma_start3A_108 = tpu.memref_slice %arg2[%dma_start3A_106, %dma_start3A_107] : memref<10000x128xf32, #tpu.memory_space<hbm>> -> memref<10000x128xf32, #tpu.memory_space<hbm>>
    tpu.enqueue_indirect_dma source(%dma_start3A_108 : memref<10000x128xf32, #tpu.memory_space<hbm>>) target(%arg9 : memref<128x128xf32, #tpu.memory_space<vmem>>) offsets(%dma_start3A_105 : memref<128xi32, #tpu.memory_space<vmem>>) semaphore(%arg15 : memref<!tpu.dma_semaphore, #tpu.memory_space<semaphore_mem>>)
    %barrier3A = arith.constant 0 : index
    tpu.barrier barrier_id(%barrier3A)
    %lt3A_109 = arith.constant 31 : i32
    %lt3A_110 = arith.cmpi slt, %add3A, %lt3A_109 : i32
    %convert_element_type3A_111 = arith.extui %lt3A_110 : i1 to i32
    %cond3A_112 = arith.constant 0 : i32
    %cond3A_113 = arith.cmpi ne, %convert_element_type3A_111, %cond3A_112 : i32
    scf.if %cond3A_113 {
      %mul3A_416 = arith.constant 80 : i32
      %mul3A_417 = arith.muli %add3A, %mul3A_416 : i32
      %add3A_418 = arith.constant 16 : i32
      %add3A_419 = arith.addi %mul3A_417, %add3A_418 : i32
      %dma_start3A_420 = arith.constant 0 : i32
      %dma_start3A_421 = arith.constant 1 : i32
      %dma_start3A_422 = arith.constant 0 : i32
      %dma_start3A_423 = arith.constant 0 : i32
      %dma_start3A_424 = tpu.memref_slice %arg7[%dma_start3A_421, %dma_start3A_422, %dma_start3A_423] : memref<2x16x128xi32, #tpu.memory_space<vmem>> -> memref<1x16x128xi32, #tpu.memory_space<vmem>>
      %dma_start3A_425 = tpu.memref_squeeze %dma_start3A_424 : memref<1x16x128xi32, #tpu.memory_space<vmem>> -> memref<16x128xi32, #tpu.memory_space<vmem>>
      %dma_start3A_426 = arith.constant 0 : i32
      %dma_start3A_427 = tpu.memref_slice %arg3[%dma_start3A_420, %add3A_419, %dma_start3A_426] : memref<2x2500x128xi32, #tpu.memory_space<hbm>> -> memref<1x16x128xi32, #tpu.memory_space<hbm>>
      %dma_start3A_428 = tpu.memref_squeeze %dma_start3A_427 : memref<1x16x128xi32, #tpu.memory_space<hbm>> -> memref<16x128xi32, #tpu.memory_space<hbm>>
      %dma_start3A_429 = arith.constant 0 : i32
      %dma_start3A_430 = arith.constant 0 : i32
      %dma_start3A_431 = tpu.memref_slice %arg7[%dma_start3A_421, %dma_start3A_429, %dma_start3A_430] : memref<2x16x128xi32, #tpu.memory_space<vmem>> -> memref<1x16x128xi32, #tpu.memory_space<vmem>>
      %dma_start3A_432 = tpu.memref_squeeze %dma_start3A_431 : memref<1x16x128xi32, #tpu.memory_space<vmem>> -> memref<16x128xi32, #tpu.memory_space<vmem>>
      %dma_start3A_433 = arith.constant 0 : i32
      %dma_start3A_434 = tpu.memref_slice %arg3[%dma_start3A_420, %add3A_419, %dma_start3A_433] : memref<2x2500x128xi32, #tpu.memory_space<hbm>> -> memref<1x16x128xi32, #tpu.memory_space<hbm>>
      %dma_start3A_435 = tpu.memref_squeeze %dma_start3A_434 : memref<1x16x128xi32, #tpu.memory_space<hbm>> -> memref<16x128xi32, #tpu.memory_space<hbm>>
      tpu.enqueue_dma source(%dma_start3A_435 : memref<16x128xi32, #tpu.memory_space<hbm>>) target(%dma_start3A_432 : memref<16x128xi32, #tpu.memory_space<vmem>>) target_semaphore(%arg17 : memref<!tpu.dma_semaphore, #tpu.memory_space<semaphore_mem>>)
      %mul3A_436 = arith.constant 80 : i32
      %mul3A_437 = arith.muli %add3A, %mul3A_436 : i32
      %add3A_438 = arith.constant 16 : i32
      %add3A_439 = arith.addi %mul3A_437, %add3A_438 : i32
      %dma_start3A_440 = arith.constant 1 : i32
      %dma_start3A_441 = arith.constant 1 : i32
      %dma_start3A_442 = arith.constant 0 : i32
      %dma_start3A_443 = arith.constant 0 : i32
      %dma_start3A_444 = tpu.memref_slice %arg8[%dma_start3A_441, %dma_start3A_442, %dma_start3A_443] : memref<2x16x128xi32, #tpu.memory_space<vmem>> -> memref<1x16x128xi32, #tpu.memory_space<vmem>>
      %dma_start3A_445 = tpu.memref_squeeze %dma_start3A_444 : memref<1x16x128xi32, #tpu.memory_space<vmem>> -> memref<16x128xi32, #tpu.memory_space<vmem>>
      %dma_start3A_446 = arith.constant 0 : i32
      %dma_start3A_447 = tpu.memref_slice %arg3[%dma_start3A_440, %add3A_439, %dma_start3A_446] : memref<2x2500x128xi32, #tpu.memory_space<hbm>> -> memref<1x16x128xi32, #tpu.memory_space<hbm>>
      %dma_start3A_448 = tpu.memref_squeeze %dma_start3A_447 : memref<1x16x128xi32, #tpu.memory_space<hbm>> -> memref<16x128xi32, #tpu.memory_space<hbm>>
      %dma_start3A_449 = arith.constant 0 : i32
      %dma_start3A_450 = arith.constant 0 : i32
      %dma_start3A_451 = tpu.memref_slice %arg8[%dma_start3A_441, %dma_start3A_449, %dma_start3A_450] : memref<2x16x128xi32, #tpu.memory_space<vmem>> -> memref<1x16x128xi32, #tpu.memory_space<vmem>>
      %dma_start3A_452 = tpu.memref_squeeze %dma_start3A_451 : memref<1x16x128xi32, #tpu.memory_space<vmem>> -> memref<16x128xi32, #tpu.memory_space<vmem>>
      %dma_start3A_453 = arith.constant 0 : i32
      %dma_start3A_454 = tpu.memref_slice %arg3[%dma_start3A_440, %add3A_439, %dma_start3A_453] : memref<2x2500x128xi32, #tpu.memory_space<hbm>> -> memref<1x16x128xi32, #tpu.memory_space<hbm>>
      %dma_start3A_455 = tpu.memref_squeeze %dma_start3A_454 : memref<1x16x128xi32, #tpu.memory_space<hbm>> -> memref<16x128xi32, #tpu.memory_space<hbm>>
      tpu.enqueue_dma source(%dma_start3A_455 : memref<16x128xi32, #tpu.memory_space<hbm>>) target(%dma_start3A_452 : memref<16x128xi32, #tpu.memory_space<vmem>>) target_semaphore(%arg18 : memref<!tpu.dma_semaphore, #tpu.memory_space<semaphore_mem>>)
    } else {
    }
    %eq3A_114 = arith.constant 31 : i32
    %eq3A_115 = arith.cmpi eq, %add3A, %eq3A_114 : i32
    %convert_element_type3A_116 = arith.extui %eq3A_115 : i1 to i32
    %cond3A_117 = arith.constant 0 : i32
    %cond3A_118 = arith.cmpi ne, %convert_element_type3A_116, %cond3A_117 : i32
    scf.if %cond3A_118 {
      %dma_start3A_416 = arith.constant 0 : i32
      %dma_start3A_417 = arith.constant 1 : i32
      %dma_start3A_418 = arith.constant 0 : i32
      %dma_start3A_419 = arith.constant 0 : i32
      %dma_start3A_420 = tpu.memref_slice %arg7[%dma_start3A_417, %dma_start3A_418, %dma_start3A_419] : memref<2x16x128xi32, #tpu.memory_space<vmem>> -> memref<1x16x128xi32, #tpu.memory_space<vmem>>
      %dma_start3A_421 = tpu.memref_squeeze %dma_start3A_420 : memref<1x16x128xi32, #tpu.memory_space<vmem>> -> memref<16x128xi32, #tpu.memory_space<vmem>>
      %dma_start3A_422 = arith.constant 16 : i32
      %dma_start3A_423 = arith.constant 0 : i32
      %dma_start3A_424 = tpu.memref_slice %arg4[%dma_start3A_416, %dma_start3A_422, %dma_start3A_423] : memref<2x80x128xi32, #tpu.memory_space<hbm>> -> memref<1x16x128xi32, #tpu.memory_space<hbm>>
      %dma_start3A_425 = tpu.memref_squeeze %dma_start3A_424 : memref<1x16x128xi32, #tpu.memory_space<hbm>> -> memref<16x128xi32, #tpu.memory_space<hbm>>
      %dma_start3A_426 = arith.constant 0 : i32
      %dma_start3A_427 = arith.constant 0 : i32
      %dma_start3A_428 = tpu.memref_slice %arg7[%dma_start3A_417, %dma_start3A_426, %dma_start3A_427] : memref<2x16x128xi32, #tpu.memory_space<vmem>> -> memref<1x16x128xi32, #tpu.memory_space<vmem>>
      %dma_start3A_429 = tpu.memref_squeeze %dma_start3A_428 : memref<1x16x128xi32, #tpu.memory_space<vmem>> -> memref<16x128xi32, #tpu.memory_space<vmem>>
      %dma_start3A_430 = arith.constant 16 : i32
      %dma_start3A_431 = arith.constant 0 : i32
      %dma_start3A_432 = tpu.memref_slice %arg4[%dma_start3A_416, %dma_start3A_430, %dma_start3A_431] : memref<2x80x128xi32, #tpu.memory_space<hbm>> -> memref<1x16x128xi32, #tpu.memory_space<hbm>>
      %dma_start3A_433 = tpu.memref_squeeze %dma_start3A_432 : memref<1x16x128xi32, #tpu.memory_space<hbm>> -> memref<16x128xi32, #tpu.memory_space<hbm>>
      tpu.enqueue_dma source(%dma_start3A_433 : memref<16x128xi32, #tpu.memory_space<hbm>>) target(%dma_start3A_429 : memref<16x128xi32, #tpu.memory_space<vmem>>) target_semaphore(%arg17 : memref<!tpu.dma_semaphore, #tpu.memory_space<semaphore_mem>>)
      %dma_start3A_434 = arith.constant 1 : i32
      %dma_start3A_435 = arith.constant 1 : i32
      %dma_start3A_436 = arith.constant 0 : i32
      %dma_start3A_437 = arith.constant 0 : i32
      %dma_start3A_438 = tpu.memref_slice %arg8[%dma_start3A_435, %dma_start3A_436, %dma_start3A_437] : memref<2x16x128xi32, #tpu.memory_space<vmem>> -> memref<1x16x128xi32, #tpu.memory_space<vmem>>
      %dma_start3A_439 = tpu.memref_squeeze %dma_start3A_438 : memref<1x16x128xi32, #tpu.memory_space<vmem>> -> memref<16x128xi32, #tpu.memory_space<vmem>>
      %dma_start3A_440 = arith.constant 16 : i32
      %dma_start3A_441 = arith.constant 0 : i32
      %dma_start3A_442 = tpu.memref_slice %arg4[%dma_start3A_434, %dma_start3A_440, %dma_start3A_441] : memref<2x80x128xi32, #tpu.memory_space<hbm>> -> memref<1x16x128xi32, #tpu.memory_space<hbm>>
      %dma_start3A_443 = tpu.memref_squeeze %dma_start3A_442 : memref<1x16x128xi32, #tpu.memory_space<hbm>> -> memref<16x128xi32, #tpu.memory_space<hbm>>
      %dma_start3A_444 = arith.constant 0 : i32
      %dma_start3A_445 = arith.constant 0 : i32
      %dma_start3A_446 = tpu.memref_slice %arg8[%dma_start3A_435, %dma_start3A_444, %dma_start3A_445] : memref<2x16x128xi32, #tpu.memory_space<vmem>> -> memref<1x16x128xi32, #tpu.memory_space<vmem>>
      %dma_start3A_447 = tpu.memref_squeeze %dma_start3A_446 : memref<1x16x128xi32, #tpu.memory_space<vmem>> -> memref<16x128xi32, #tpu.memory_space<vmem>>
      %dma_start3A_448 = arith.constant 16 : i32
      %dma_start3A_449 = arith.constant 0 : i32
      %dma_start3A_450 = tpu.memref_slice %arg4[%dma_start3A_434, %dma_start3A_448, %dma_start3A_449] : memref<2x80x128xi32, #tpu.memory_space<hbm>> -> memref<1x16x128xi32, #tpu.memory_space<hbm>>
      %dma_start3A_451 = tpu.memref_squeeze %dma_start3A_450 : memref<1x16x128xi32, #tpu.memory_space<hbm>> -> memref<16x128xi32, #tpu.memory_space<hbm>>
      tpu.enqueue_dma source(%dma_start3A_451 : memref<16x128xi32, #tpu.memory_space<hbm>>) target(%dma_start3A_447 : memref<16x128xi32, #tpu.memory_space<vmem>>) target_semaphore(%arg18 : memref<!tpu.dma_semaphore, #tpu.memory_space<semaphore_mem>>)
    } else {
    }
    %scan3A_119 = arith.constant 0 : i32
    %scan3A_120 = arith.constant 0 : i32
    %scan3A_121 = arith.constant 8 : i32
    %scan3A_122 = arith.addi %scan3A_120, %scan3A_121 : i32
    %scan3A_123 = arith.constant 1 : i32
    scf.for %scan3A_416 = %scan3A_120 to %scan3A_122 step %scan3A_123  : i32 {
      %mul3A_417 = arith.constant 2 : i32
      %mul3A_418 = arith.muli %scan3A_416, %mul3A_417 : i32
      %add3A_419 = arith.constant 0 : i32
      %add3A_420 = arith.addi %mul3A_418, %add3A_419 : i32
      %add3A_421 = arith.constant 1 : i32
      %add3A_422 = arith.addi %add3A_420, %add3A_421 : i32
      %ge3A = arith.constant 1 : i32
      %ge3A_423 = arith.cmpi sge, %scan3A_416, %ge3A : i32
      %convert_element_type3A_424 = arith.extui %ge3A_423 : i1 to i32
      %cond3A_425 = arith.constant 0 : i32
      %cond3A_426 = arith.cmpi ne, %convert_element_type3A_424, %cond3A_425 : i32
      scf.if %cond3A_426 {
        %dma_wait3A_491 = arith.constant 0 : i32
        %dma_wait3A_492 = arith.constant 0 : i32
        %dma_wait3A_493 = tpu.memref_slice %arg13[%dma_wait3A_491, %dma_wait3A_492] : memref<10240x128xf32, #tpu.memory_space<vmem_shared>> -> memref<128x128xf32, #tpu.memory_space<vmem_shared>>
        %dma_wait3A_494 = arith.constant 0 : i32
        %dma_wait3A_495 = arith.constant 0 : i32
        %dma_wait3A_496 = tpu.memref_slice %arg13[%dma_wait3A_494, %dma_wait3A_495] : memref<10240x128xf32, #tpu.memory_space<vmem_shared>> -> memref<128x128xf32, #tpu.memory_space<vmem_shared>>
        tpu.wait_dma2 semaphore(%arg20 : memref<!tpu.dma_semaphore, #tpu.memory_space<semaphore_mem>>) src(%arg10 : memref<128x128xf32, #tpu.memory_space<vmem>>) dst(%dma_wait3A_496 : memref<128x128xf32, #tpu.memory_space<vmem_shared>>)
      } else {
      }
      %dma_start3A_427 = arith.constant 0 : i32
      %dma_start3A_428 = arith.constant 0 : i32
      %dma_start3A_429 = tpu.memref_slice %arg8[%dma_start3A_427, %add3A_422, %dma_start3A_428] : memref<2x16x128xi32, #tpu.memory_space<vmem>> -> memref<1x1x128xi32, #tpu.memory_space<vmem>>
      %dma_start3A_430 = tpu.memref_squeeze %dma_start3A_429 : memref<1x1x128xi32, #tpu.memory_space<vmem>> -> memref<128xi32, #tpu.memory_space<vmem>>
      %dma_start3A_431 = arith.constant 0 : i32
      %dma_start3A_432 = arith.constant 0 : i32
      %dma_start3A_433 = tpu.memref_slice %arg2[%dma_start3A_431, %dma_start3A_432] : memref<10000x128xf32, #tpu.memory_space<hbm>> -> memref<10000x128xf32, #tpu.memory_space<hbm>>
      tpu.enqueue_indirect_dma source(%dma_start3A_433 : memref<10000x128xf32, #tpu.memory_space<hbm>>) target(%arg10 : memref<128x128xf32, #tpu.memory_space<vmem>>) offsets(%dma_start3A_430 : memref<128xi32, #tpu.memory_space<vmem>>) semaphore(%arg16 : memref<!tpu.dma_semaphore, #tpu.memory_space<semaphore_mem>>)
      %dma_wait3A_434 = arith.constant 0 : i32
      %dma_wait3A_435 = arith.constant 0 : i32
      %dma_wait3A_436 = tpu.memref_slice %arg8[%dma_wait3A_434, %add3A_420, %dma_wait3A_435] : memref<2x16x128xi32, #tpu.memory_space<vmem>> -> memref<1x1x128xi32, #tpu.memory_space<vmem>>
      %dma_wait3A_437 = tpu.memref_squeeze %dma_wait3A_436 : memref<1x1x128xi32, #tpu.memory_space<vmem>> -> memref<128xi32, #tpu.memory_space<vmem>>
      %dma_wait3A_438 = arith.constant 0 : i32
      %dma_wait3A_439 = arith.constant 0 : i32
      %dma_wait3A_440 = tpu.memref_slice %arg2[%dma_wait3A_438, %dma_wait3A_439] : memref<10000x128xf32, #tpu.memory_space<hbm>> -> memref<10000x128xf32, #tpu.memory_space<hbm>>
      tpu.wait_indirect_dma semaphore(%arg15 : memref<!tpu.dma_semaphore, #tpu.memory_space<semaphore_mem>>) src(%dma_wait3A_440 : memref<10000x128xf32, #tpu.memory_space<hbm>>) dst(%arg9 : memref<128x128xf32, #tpu.memory_space<vmem>>)
      %dma_start3A_441 = arith.constant 0 : i32
      %dma_start3A_442 = arith.constant 0 : i32
      %dma_start3A_443 = tpu.memref_slice %arg7[%dma_start3A_441, %add3A_420, %dma_start3A_442] : memref<2x16x128xi32, #tpu.memory_space<vmem>> -> memref<1x1x128xi32, #tpu.memory_space<vmem>>
      %dma_start3A_444 = tpu.memref_squeeze %dma_start3A_443 : memref<1x1x128xi32, #tpu.memory_space<vmem>> -> memref<128xi32, #tpu.memory_space<vmem>>
      %dma_start3A_445 = arith.constant 0 : i32
      %dma_start3A_446 = arith.constant 0 : i32
      %dma_start3A_447 = tpu.memref_slice %arg13[%dma_start3A_445, %dma_start3A_446] : memref<10240x128xf32, #tpu.memory_space<vmem_shared>> -> memref<10240x128xf32, #tpu.memory_space<vmem_shared>>
      tpu.enqueue_indirect_dma source(%arg9 : memref<128x128xf32, #tpu.memory_space<vmem>>) target(%dma_start3A_447 : memref<10240x128xf32, #tpu.memory_space<vmem_shared>>) offsets(%dma_start3A_444 : memref<128xi32, #tpu.memory_space<vmem>>) semaphore(%arg19 : memref<!tpu.dma_semaphore, #tpu.memory_space<semaphore_mem>>) {add = true}
      %dma_start3A_448 = arith.constant 0 : i32
      %dma_start3A_449 = arith.constant 0 : i32
      %dma_start3A_450 = tpu.memref_slice %arg7[%dma_start3A_448, %add3A_420, %dma_start3A_449] : memref<2x16x128xi32, #tpu.memory_space<vmem>> -> memref<1x1x128xi32, #tpu.memory_space<vmem>>
      %dma_start3A_451 = tpu.memref_squeeze %dma_start3A_450 : memref<1x1x128xi32, #tpu.memory_space<vmem>> -> memref<128xi32, #tpu.memory_space<vmem>>
      %dma_start3A_452 = arith.constant 0 : i32
      %dma_start3A_453 = tpu.memref_slice %arg14[%dma_start3A_452] : memref<10240xf32, #tpu.memory_space<vmem_shared>> -> memref<10240xf32, #tpu.memory_space<vmem_shared>>
      tpu.enqueue_indirect_dma source(%arg11 : memref<128xf32, #tpu.memory_space<vmem>>) target(%dma_start3A_453 : memref<10240xf32, #tpu.memory_space<vmem_shared>>) offsets(%dma_start3A_451 : memref<128xi32, #tpu.memory_space<vmem>>) semaphore(%arg21 : memref<!tpu.dma_semaphore, #tpu.memory_space<semaphore_mem>>) {add = true}
      %mul3A_454 = arith.constant 2 : i32
      %mul3A_455 = arith.muli %scan3A_416, %mul3A_454 : i32
      %add3A_456 = arith.constant 1 : i32
      %add3A_457 = arith.addi %mul3A_455, %add3A_456 : i32
      %add3A_458 = arith.constant 1 : i32
      %add3A_459 = arith.addi %add3A_457, %add3A_458 : i32
      %dma_wait3A_460 = arith.constant 0 : i32
      %dma_wait3A_461 = arith.constant 0 : i32
      %dma_wait3A_462 = tpu.memref_slice %arg13[%dma_wait3A_460, %dma_wait3A_461] : memref<10240x128xf32, #tpu.memory_space<vmem_shared>> -> memref<128x128xf32, #tpu.memory_space<vmem_shared>>
      %dma_wait3A_463 = arith.constant 0 : i32
      %dma_wait3A_464 = arith.constant 0 : i32
      %dma_wait3A_465 = tpu.memref_slice %arg13[%dma_wait3A_463, %dma_wait3A_464] : memref<10240x128xf32, #tpu.memory_space<vmem_shared>> -> memref<128x128xf32, #tpu.memory_space<vmem_shared>>
      tpu.wait_dma2 semaphore(%arg19 : memref<!tpu.dma_semaphore, #tpu.memory_space<semaphore_mem>>) src(%arg9 : memref<128x128xf32, #tpu.memory_space<vmem>>) dst(%dma_wait3A_465 : memref<128x128xf32, #tpu.memory_space<vmem_shared>>)
      %lt3A_466 = arith.constant 16 : i32
      %lt3A_467 = arith.cmpi slt, %add3A_459, %lt3A_466 : i32
      %convert_element_type3A_468 = arith.extui %lt3A_467 : i1 to i32
      %cond3A_469 = arith.constant 0 : i32
      %cond3A_470 = arith.cmpi ne, %convert_element_type3A_468, %cond3A_469 : i32
      scf.if %cond3A_470 {
        %dma_start3A_491 = arith.constant 0 : i32
        %dma_start3A_492 = arith.constant 0 : i32
        %dma_start3A_493 = tpu.memref_slice %arg8[%dma_start3A_491, %add3A_459, %dma_start3A_492] : memref<2x16x128xi32, #tpu.memory_space<vmem>> -> memref<1x1x128xi32, #tpu.memory_space<vmem>>
        %dma_start3A_494 = tpu.memref_squeeze %dma_start3A_493 : memref<1x1x128xi32, #tpu.memory_space<vmem>> -> memref<128xi32, #tpu.memory_space<vmem>>
        %dma_start3A_495 = arith.constant 0 : i32
        %dma_start3A_496 = arith.constant 0 : i32
        %dma_start3A_497 = tpu.memref_slice %arg2[%dma_start3A_495, %dma_start3A_496] : memref<10000x128xf32, #tpu.memory_space<hbm>> -> memref<10000x128xf32, #tpu.memory_space<hbm>>
        tpu.enqueue_indirect_dma source(%dma_start3A_497 : memref<10000x128xf32, #tpu.memory_space<hbm>>) target(%arg9 : memref<128x128xf32, #tpu.memory_space<vmem>>) offsets(%dma_start3A_494 : memref<128xi32, #tpu.memory_space<vmem>>) semaphore(%arg15 : memref<!tpu.dma_semaphore, #tpu.memory_space<semaphore_mem>>)
      } else {
      }
      %dma_wait3A_471 = arith.constant 0 : i32
      %dma_wait3A_472 = arith.constant 0 : i32
      %dma_wait3A_473 = tpu.memref_slice %arg8[%dma_wait3A_471, %add3A_457, %dma_wait3A_472] : memref<2x16x128xi32, #tpu.memory_space<vmem>> -> memref<1x1x128xi32, #tpu.memory_space<vmem>>
      %dma_wait3A_474 = tpu.memref_squeeze %dma_wait3A_473 : memref<1x1x128xi32, #tpu.memory_space<vmem>> -> memref<128xi32, #tpu.memory_space<vmem>>
      %dma_wait3A_475 = arith.constant 0 : i32
      %dma_wait3A_476 = arith.constant 0 : i32
      %dma_wait3A_477 = tpu.memref_slice %arg2[%dma_wait3A_475, %dma_wait3A_476] : memref<10000x128xf32, #tpu.memory_space<hbm>> -> memref<10000x128xf32, #tpu.memory_space<hbm>>
      tpu.wait_indirect_dma semaphore(%arg16 : memref<!tpu.dma_semaphore, #tpu.memory_space<semaphore_mem>>) src(%dma_wait3A_477 : memref<10000x128xf32, #tpu.memory_space<hbm>>) dst(%arg10 : memref<128x128xf32, #tpu.memory_space<vmem>>)
      %dma_start3A_478 = arith.constant 0 : i32
      %dma_start3A_479 = arith.constant 0 : i32
      %dma_start3A_480 = tpu.memref_slice %arg7[%dma_start3A_478, %add3A_457, %dma_start3A_479] : memref<2x16x128xi32, #tpu.memory_space<vmem>> -> memref<1x1x128xi32, #tpu.memory_space<vmem>>
      %dma_start3A_481 = tpu.memref_squeeze %dma_start3A_480 : memref<1x1x128xi32, #tpu.memory_space<vmem>> -> memref<128xi32, #tpu.memory_space<vmem>>
      %dma_start3A_482 = arith.constant 0 : i32
      %dma_start3A_483 = arith.constant 0 : i32
      %dma_start3A_484 = tpu.memref_slice %arg13[%dma_start3A_482, %dma_start3A_483] : memref<10240x128xf32, #tpu.memory_space<vmem_shared>> -> memref<10240x128xf32, #tpu.memory_space<vmem_shared>>
      tpu.enqueue_indirect_dma source(%arg10 : memref<128x128xf32, #tpu.memory_space<vmem>>) target(%dma_start3A_484 : memref<10240x128xf32, #tpu.memory_space<vmem_shared>>) offsets(%dma_start3A_481 : memref<128xi32, #tpu.memory_space<vmem>>) semaphore(%arg20 : memref<!tpu.dma_semaphore, #tpu.memory_space<semaphore_mem>>) {add = true}
      %dma_start3A_485 = arith.constant 0 : i32
      %dma_start3A_486 = arith.constant 0 : i32
      %dma_start3A_487 = tpu.memref_slice %arg7[%dma_start3A_485, %add3A_457, %dma_start3A_486] : memref<2x16x128xi32, #tpu.memory_space<vmem>> -> memref<1x1x128xi32, #tpu.memory_space<vmem>>
      %dma_start3A_488 = tpu.memref_squeeze %dma_start3A_487 : memref<1x1x128xi32, #tpu.memory_space<vmem>> -> memref<128xi32, #tpu.memory_space<vmem>>
      %dma_start3A_489 = arith.constant 0 : i32
      %dma_start3A_490 = tpu.memref_slice %arg14[%dma_start3A_489] : memref<10240xf32, #tpu.memory_space<vmem_shared>> -> memref<10240xf32, #tpu.memory_space<vmem_shared>>
      tpu.enqueue_indirect_dma source(%arg11 : memref<128xf32, #tpu.memory_space<vmem>>) target(%dma_start3A_490 : memref<10240xf32, #tpu.memory_space<vmem_shared>>) offsets(%dma_start3A_488 : memref<128xi32, #tpu.memory_space<vmem>>) semaphore(%arg21 : memref<!tpu.dma_semaphore, #tpu.memory_space<semaphore_mem>>) {add = true}
    }
    %scan3A_124 = arith.constant 8 : i32
    %dma_wait3A_125 = arith.constant 0 : i32
    %dma_wait3A_126 = arith.constant 0 : i32
    %dma_wait3A_127 = tpu.memref_slice %arg13[%dma_wait3A_125, %dma_wait3A_126] : memref<10240x128xf32, #tpu.memory_space<vmem_shared>> -> memref<128x128xf32, #tpu.memory_space<vmem_shared>>
    %dma_wait3A_128 = arith.constant 0 : i32
    %dma_wait3A_129 = arith.constant 0 : i32
    %dma_wait3A_130 = tpu.memref_slice %arg13[%dma_wait3A_128, %dma_wait3A_129] : memref<10240x128xf32, #tpu.memory_space<vmem_shared>> -> memref<128x128xf32, #tpu.memory_space<vmem_shared>>
    tpu.wait_dma2 semaphore(%arg20 : memref<!tpu.dma_semaphore, #tpu.memory_space<semaphore_mem>>) src(%arg10 : memref<128x128xf32, #tpu.memory_space<vmem>>) dst(%dma_wait3A_130 : memref<128x128xf32, #tpu.memory_space<vmem_shared>>)
    %scan3A_131 = arith.constant 0 : i32
    %scan3A_132 = arith.constant 0 : i32
    %scan3A_133 = arith.constant 16 : i32
    %scan3A_134 = arith.addi %scan3A_132, %scan3A_133 : i32
    %scan3A_135 = arith.constant 1 : i32
    scf.for %scan3A_416 = %scan3A_132 to %scan3A_134 step %scan3A_135  : i32 {
      %dma_wait3A_417 = arith.constant 0 : i32
      %dma_wait3A_418 = tpu.memref_slice %arg14[%dma_wait3A_417] : memref<10240xf32, #tpu.memory_space<vmem_shared>> -> memref<128xf32, #tpu.memory_space<vmem_shared>>
      %dma_wait3A_419 = arith.constant 0 : i32
      %dma_wait3A_420 = tpu.memref_slice %arg14[%dma_wait3A_419] : memref<10240xf32, #tpu.memory_space<vmem_shared>> -> memref<128xf32, #tpu.memory_space<vmem_shared>>
      tpu.wait_dma2 semaphore(%arg21 : memref<!tpu.dma_semaphore, #tpu.memory_space<semaphore_mem>>) src(%arg11 : memref<128xf32, #tpu.memory_space<vmem>>) dst(%dma_wait3A_420 : memref<128xf32, #tpu.memory_space<vmem_shared>>)
    }
    %scan3A_136 = arith.constant 16 : i32
    %dma_wait3A_137 = arith.constant 0 : i32
    %dma_wait3A_138 = arith.constant 0 : i32
    %dma_wait3A_139 = arith.constant 0 : i32
    %dma_wait3A_140 = arith.constant 0 : i32
    %dma_wait3A_141 = tpu.memref_slice %arg7[%dma_wait3A_138, %dma_wait3A_139, %dma_wait3A_140] : memref<2x16x128xi32, #tpu.memory_space<vmem>> -> memref<1x16x128xi32, #tpu.memory_space<vmem>>
    %dma_wait3A_142 = tpu.memref_squeeze %dma_wait3A_141 : memref<1x16x128xi32, #tpu.memory_space<vmem>> -> memref<16x128xi32, #tpu.memory_space<vmem>>
    %dma_wait3A_143 = arith.constant 0 : i32
    %dma_wait3A_144 = arith.constant 0 : i32
    %dma_wait3A_145 = tpu.memref_slice %arg4[%dma_wait3A_137, %dma_wait3A_143, %dma_wait3A_144] : memref<2x80x128xi32, #tpu.memory_space<hbm>> -> memref<1x16x128xi32, #tpu.memory_space<hbm>>
    %dma_wait3A_146 = tpu.memref_squeeze %dma_wait3A_145 : memref<1x16x128xi32, #tpu.memory_space<hbm>> -> memref<16x128xi32, #tpu.memory_space<hbm>>
    %dma_wait3A_147 = arith.constant 0 : i32
    %dma_wait3A_148 = arith.constant 0 : i32
    %dma_wait3A_149 = tpu.memref_slice %arg7[%dma_wait3A_138, %dma_wait3A_147, %dma_wait3A_148] : memref<2x16x128xi32, #tpu.memory_space<vmem>> -> memref<1x16x128xi32, #tpu.memory_space<vmem>>
    %dma_wait3A_150 = tpu.memref_squeeze %dma_wait3A_149 : memref<1x16x128xi32, #tpu.memory_space<vmem>> -> memref<16x128xi32, #tpu.memory_space<vmem>>
    %dma_wait3A_151 = arith.constant 0 : i32
    %dma_wait3A_152 = arith.constant 0 : i32
    %dma_wait3A_153 = tpu.memref_slice %arg4[%dma_wait3A_137, %dma_wait3A_151, %dma_wait3A_152] : memref<2x80x128xi32, #tpu.memory_space<hbm>> -> memref<1x16x128xi32, #tpu.memory_space<hbm>>
    %dma_wait3A_154 = tpu.memref_squeeze %dma_wait3A_153 : memref<1x16x128xi32, #tpu.memory_space<hbm>> -> memref<16x128xi32, #tpu.memory_space<hbm>>
    tpu.wait_dma2 semaphore(%arg17 : memref<!tpu.dma_semaphore, #tpu.memory_space<semaphore_mem>>) src(%dma_wait3A_154 : memref<16x128xi32, #tpu.memory_space<hbm>>) dst(%dma_wait3A_150 : memref<16x128xi32, #tpu.memory_space<vmem>>)
    %dma_wait3A_155 = arith.constant 1 : i32
    %dma_wait3A_156 = arith.constant 0 : i32
    %dma_wait3A_157 = arith.constant 0 : i32
    %dma_wait3A_158 = arith.constant 0 : i32
    %dma_wait3A_159 = tpu.memref_slice %arg8[%dma_wait3A_156, %dma_wait3A_157, %dma_wait3A_158] : memref<2x16x128xi32, #tpu.memory_space<vmem>> -> memref<1x16x128xi32, #tpu.memory_space<vmem>>
    %dma_wait3A_160 = tpu.memref_squeeze %dma_wait3A_159 : memref<1x16x128xi32, #tpu.memory_space<vmem>> -> memref<16x128xi32, #tpu.memory_space<vmem>>
    %dma_wait3A_161 = arith.constant 0 : i32
    %dma_wait3A_162 = arith.constant 0 : i32
    %dma_wait3A_163 = tpu.memref_slice %arg4[%dma_wait3A_155, %dma_wait3A_161, %dma_wait3A_162] : memref<2x80x128xi32, #tpu.memory_space<hbm>> -> memref<1x16x128xi32, #tpu.memory_space<hbm>>
    %dma_wait3A_164 = tpu.memref_squeeze %dma_wait3A_163 : memref<1x16x128xi32, #tpu.memory_space<hbm>> -> memref<16x128xi32, #tpu.memory_space<hbm>>
    %dma_wait3A_165 = arith.constant 0 : i32
    %dma_wait3A_166 = arith.constant 0 : i32
    %dma_wait3A_167 = tpu.memref_slice %arg8[%dma_wait3A_156, %dma_wait3A_165, %dma_wait3A_166] : memref<2x16x128xi32, #tpu.memory_space<vmem>> -> memref<1x16x128xi32, #tpu.memory_space<vmem>>
    %dma_wait3A_168 = tpu.memref_squeeze %dma_wait3A_167 : memref<1x16x128xi32, #tpu.memory_space<vmem>> -> memref<16x128xi32, #tpu.memory_space<vmem>>
    %dma_wait3A_169 = arith.constant 0 : i32
    %dma_wait3A_170 = arith.constant 0 : i32
    %dma_wait3A_171 = tpu.memref_slice %arg4[%dma_wait3A_155, %dma_wait3A_169, %dma_wait3A_170] : memref<2x80x128xi32, #tpu.memory_space<hbm>> -> memref<1x16x128xi32, #tpu.memory_space<hbm>>
    %dma_wait3A_172 = tpu.memref_squeeze %dma_wait3A_171 : memref<1x16x128xi32, #tpu.memory_space<hbm>> -> memref<16x128xi32, #tpu.memory_space<hbm>>
    tpu.wait_dma2 semaphore(%arg18 : memref<!tpu.dma_semaphore, #tpu.memory_space<semaphore_mem>>) src(%dma_wait3A_172 : memref<16x128xi32, #tpu.memory_space<hbm>>) dst(%dma_wait3A_168 : memref<16x128xi32, #tpu.memory_space<vmem>>)
    %dma_start3A_173 = arith.constant 1 : i32
    %dma_start3A_174 = arith.constant 0 : i32
    %dma_start3A_175 = arith.constant 0 : i32
    %dma_start3A_176 = tpu.memref_slice %arg8[%dma_start3A_173, %dma_start3A_174, %dma_start3A_175] : memref<2x16x128xi32, #tpu.memory_space<vmem>> -> memref<1x1x128xi32, #tpu.memory_space<vmem>>
    %dma_start3A_177 = tpu.memref_squeeze %dma_start3A_176 : memref<1x1x128xi32, #tpu.memory_space<vmem>> -> memref<128xi32, #tpu.memory_space<vmem>>
    %dma_start3A_178 = arith.constant 0 : i32
    %dma_start3A_179 = arith.constant 0 : i32
    %dma_start3A_180 = tpu.memref_slice %arg2[%dma_start3A_178, %dma_start3A_179] : memref<10000x128xf32, #tpu.memory_space<hbm>> -> memref<10000x128xf32, #tpu.memory_space<hbm>>
    tpu.enqueue_indirect_dma source(%dma_start3A_180 : memref<10000x128xf32, #tpu.memory_space<hbm>>) target(%arg9 : memref<128x128xf32, #tpu.memory_space<vmem>>) offsets(%dma_start3A_177 : memref<128xi32, #tpu.memory_space<vmem>>) semaphore(%arg15 : memref<!tpu.dma_semaphore, #tpu.memory_space<semaphore_mem>>)
    %lt3A_181 = arith.constant 31 : i32
    %lt3A_182 = arith.cmpi slt, %add3A, %lt3A_181 : i32
    %convert_element_type3A_183 = arith.extui %lt3A_182 : i1 to i32
    %cond3A_184 = arith.constant 0 : i32
    %cond3A_185 = arith.cmpi ne, %convert_element_type3A_183, %cond3A_184 : i32
    scf.if %cond3A_185 {
      %mul3A_416 = arith.constant 80 : i32
      %mul3A_417 = arith.muli %add3A, %mul3A_416 : i32
      %add3A_418 = arith.constant 32 : i32
      %add3A_419 = arith.addi %mul3A_417, %add3A_418 : i32
      %dma_start3A_420 = arith.constant 0 : i32
      %dma_start3A_421 = arith.constant 0 : i32
      %dma_start3A_422 = arith.constant 0 : i32
      %dma_start3A_423 = arith.constant 0 : i32
      %dma_start3A_424 = tpu.memref_slice %arg7[%dma_start3A_421, %dma_start3A_422, %dma_start3A_423] : memref<2x16x128xi32, #tpu.memory_space<vmem>> -> memref<1x16x128xi32, #tpu.memory_space<vmem>>
      %dma_start3A_425 = tpu.memref_squeeze %dma_start3A_424 : memref<1x16x128xi32, #tpu.memory_space<vmem>> -> memref<16x128xi32, #tpu.memory_space<vmem>>
      %dma_start3A_426 = arith.constant 0 : i32
      %dma_start3A_427 = tpu.memref_slice %arg3[%dma_start3A_420, %add3A_419, %dma_start3A_426] : memref<2x2500x128xi32, #tpu.memory_space<hbm>> -> memref<1x16x128xi32, #tpu.memory_space<hbm>>
      %dma_start3A_428 = tpu.memref_squeeze %dma_start3A_427 : memref<1x16x128xi32, #tpu.memory_space<hbm>> -> memref<16x128xi32, #tpu.memory_space<hbm>>
      %dma_start3A_429 = arith.constant 0 : i32
      %dma_start3A_430 = arith.constant 0 : i32
      %dma_start3A_431 = tpu.memref_slice %arg7[%dma_start3A_421, %dma_start3A_429, %dma_start3A_430] : memref<2x16x128xi32, #tpu.memory_space<vmem>> -> memref<1x16x128xi32, #tpu.memory_space<vmem>>
      %dma_start3A_432 = tpu.memref_squeeze %dma_start3A_431 : memref<1x16x128xi32, #tpu.memory_space<vmem>> -> memref<16x128xi32, #tpu.memory_space<vmem>>
      %dma_start3A_433 = arith.constant 0 : i32
      %dma_start3A_434 = tpu.memref_slice %arg3[%dma_start3A_420, %add3A_419, %dma_start3A_433] : memref<2x2500x128xi32, #tpu.memory_space<hbm>> -> memref<1x16x128xi32, #tpu.memory_space<hbm>>
      %dma_start3A_435 = tpu.memref_squeeze %dma_start3A_434 : memref<1x16x128xi32, #tpu.memory_space<hbm>> -> memref<16x128xi32, #tpu.memory_space<hbm>>
      tpu.enqueue_dma source(%dma_start3A_435 : memref<16x128xi32, #tpu.memory_space<hbm>>) target(%dma_start3A_432 : memref<16x128xi32, #tpu.memory_space<vmem>>) target_semaphore(%arg17 : memref<!tpu.dma_semaphore, #tpu.memory_space<semaphore_mem>>)
      %mul3A_436 = arith.constant 80 : i32
      %mul3A_437 = arith.muli %add3A, %mul3A_436 : i32
      %add3A_438 = arith.constant 32 : i32
      %add3A_439 = arith.addi %mul3A_437, %add3A_438 : i32
      %dma_start3A_440 = arith.constant 1 : i32
      %dma_start3A_441 = arith.constant 0 : i32
      %dma_start3A_442 = arith.constant 0 : i32
      %dma_start3A_443 = arith.constant 0 : i32
      %dma_start3A_444 = tpu.memref_slice %arg8[%dma_start3A_441, %dma_start3A_442, %dma_start3A_443] : memref<2x16x128xi32, #tpu.memory_space<vmem>> -> memref<1x16x128xi32, #tpu.memory_space<vmem>>
      %dma_start3A_445 = tpu.memref_squeeze %dma_start3A_444 : memref<1x16x128xi32, #tpu.memory_space<vmem>> -> memref<16x128xi32, #tpu.memory_space<vmem>>
      %dma_start3A_446 = arith.constant 0 : i32
      %dma_start3A_447 = tpu.memref_slice %arg3[%dma_start3A_440, %add3A_439, %dma_start3A_446] : memref<2x2500x128xi32, #tpu.memory_space<hbm>> -> memref<1x16x128xi32, #tpu.memory_space<hbm>>
      %dma_start3A_448 = tpu.memref_squeeze %dma_start3A_447 : memref<1x16x128xi32, #tpu.memory_space<hbm>> -> memref<16x128xi32, #tpu.memory_space<hbm>>
      %dma_start3A_449 = arith.constant 0 : i32
      %dma_start3A_450 = arith.constant 0 : i32
      %dma_start3A_451 = tpu.memref_slice %arg8[%dma_start3A_441, %dma_start3A_449, %dma_start3A_450] : memref<2x16x128xi32, #tpu.memory_space<vmem>> -> memref<1x16x128xi32, #tpu.memory_space<vmem>>
      %dma_start3A_452 = tpu.memref_squeeze %dma_start3A_451 : memref<1x16x128xi32, #tpu.memory_space<vmem>> -> memref<16x128xi32, #tpu.memory_space<vmem>>
      %dma_start3A_453 = arith.constant 0 : i32
      %dma_start3A_454 = tpu.memref_slice %arg3[%dma_start3A_440, %add3A_439, %dma_start3A_453] : memref<2x2500x128xi32, #tpu.memory_space<hbm>> -> memref<1x16x128xi32, #tpu.memory_space<hbm>>
      %dma_start3A_455 = tpu.memref_squeeze %dma_start3A_454 : memref<1x16x128xi32, #tpu.memory_space<hbm>> -> memref<16x128xi32, #tpu.memory_space<hbm>>
      tpu.enqueue_dma source(%dma_start3A_455 : memref<16x128xi32, #tpu.memory_space<hbm>>) target(%dma_start3A_452 : memref<16x128xi32, #tpu.memory_space<vmem>>) target_semaphore(%arg18 : memref<!tpu.dma_semaphore, #tpu.memory_space<semaphore_mem>>)
    } else {
    }
    %eq3A_186 = arith.constant 31 : i32
    %eq3A_187 = arith.cmpi eq, %add3A, %eq3A_186 : i32
    %convert_element_type3A_188 = arith.extui %eq3A_187 : i1 to i32
    %cond3A_189 = arith.constant 0 : i32
    %cond3A_190 = arith.cmpi ne, %convert_element_type3A_188, %cond3A_189 : i32
    scf.if %cond3A_190 {
      %dma_start3A_416 = arith.constant 0 : i32
      %dma_start3A_417 = arith.constant 0 : i32
      %dma_start3A_418 = arith.constant 0 : i32
      %dma_start3A_419 = arith.constant 0 : i32
      %dma_start3A_420 = tpu.memref_slice %arg7[%dma_start3A_417, %dma_start3A_418, %dma_start3A_419] : memref<2x16x128xi32, #tpu.memory_space<vmem>> -> memref<1x16x128xi32, #tpu.memory_space<vmem>>
      %dma_start3A_421 = tpu.memref_squeeze %dma_start3A_420 : memref<1x16x128xi32, #tpu.memory_space<vmem>> -> memref<16x128xi32, #tpu.memory_space<vmem>>
      %dma_start3A_422 = arith.constant 32 : i32
      %dma_start3A_423 = arith.constant 0 : i32
      %dma_start3A_424 = tpu.memref_slice %arg4[%dma_start3A_416, %dma_start3A_422, %dma_start3A_423] : memref<2x80x128xi32, #tpu.memory_space<hbm>> -> memref<1x16x128xi32, #tpu.memory_space<hbm>>
      %dma_start3A_425 = tpu.memref_squeeze %dma_start3A_424 : memref<1x16x128xi32, #tpu.memory_space<hbm>> -> memref<16x128xi32, #tpu.memory_space<hbm>>
      %dma_start3A_426 = arith.constant 0 : i32
      %dma_start3A_427 = arith.constant 0 : i32
      %dma_start3A_428 = tpu.memref_slice %arg7[%dma_start3A_417, %dma_start3A_426, %dma_start3A_427] : memref<2x16x128xi32, #tpu.memory_space<vmem>> -> memref<1x16x128xi32, #tpu.memory_space<vmem>>
      %dma_start3A_429 = tpu.memref_squeeze %dma_start3A_428 : memref<1x16x128xi32, #tpu.memory_space<vmem>> -> memref<16x128xi32, #tpu.memory_space<vmem>>
      %dma_start3A_430 = arith.constant 32 : i32
      %dma_start3A_431 = arith.constant 0 : i32
      %dma_start3A_432 = tpu.memref_slice %arg4[%dma_start3A_416, %dma_start3A_430, %dma_start3A_431] : memref<2x80x128xi32, #tpu.memory_space<hbm>> -> memref<1x16x128xi32, #tpu.memory_space<hbm>>
      %dma_start3A_433 = tpu.memref_squeeze %dma_start3A_432 : memref<1x16x128xi32, #tpu.memory_space<hbm>> -> memref<16x128xi32, #tpu.memory_space<hbm>>
      tpu.enqueue_dma source(%dma_start3A_433 : memref<16x128xi32, #tpu.memory_space<hbm>>) target(%dma_start3A_429 : memref<16x128xi32, #tpu.memory_space<vmem>>) target_semaphore(%arg17 : memref<!tpu.dma_semaphore, #tpu.memory_space<semaphore_mem>>)
      %dma_start3A_434 = arith.constant 1 : i32
      %dma_start3A_435 = arith.constant 0 : i32
      %dma_start3A_436 = arith.constant 0 : i32
      %dma_start3A_437 = arith.constant 0 : i32
      %dma_start3A_438 = tpu.memref_slice %arg8[%dma_start3A_435, %dma_start3A_436, %dma_start3A_437] : memref<2x16x128xi32, #tpu.memory_space<vmem>> -> memref<1x16x128xi32, #tpu.memory_space<vmem>>
      %dma_start3A_439 = tpu.memref_squeeze %dma_start3A_438 : memref<1x16x128xi32, #tpu.memory_space<vmem>> -> memref<16x128xi32, #tpu.memory_space<vmem>>
      %dma_start3A_440 = arith.constant 32 : i32
      %dma_start3A_441 = arith.constant 0 : i32
      %dma_start3A_442 = tpu.memref_slice %arg4[%dma_start3A_434, %dma_start3A_440, %dma_start3A_441] : memref<2x80x128xi32, #tpu.memory_space<hbm>> -> memref<1x16x128xi32, #tpu.memory_space<hbm>>
      %dma_start3A_443 = tpu.memref_squeeze %dma_start3A_442 : memref<1x16x128xi32, #tpu.memory_space<hbm>> -> memref<16x128xi32, #tpu.memory_space<hbm>>
      %dma_start3A_444 = arith.constant 0 : i32
      %dma_start3A_445 = arith.constant 0 : i32
      %dma_start3A_446 = tpu.memref_slice %arg8[%dma_start3A_435, %dma_start3A_444, %dma_start3A_445] : memref<2x16x128xi32, #tpu.memory_space<vmem>> -> memref<1x16x128xi32, #tpu.memory_space<vmem>>
      %dma_start3A_447 = tpu.memref_squeeze %dma_start3A_446 : memref<1x16x128xi32, #tpu.memory_space<vmem>> -> memref<16x128xi32, #tpu.memory_space<vmem>>
      %dma_start3A_448 = arith.constant 32 : i32
      %dma_start3A_449 = arith.constant 0 : i32
      %dma_start3A_450 = tpu.memref_slice %arg4[%dma_start3A_434, %dma_start3A_448, %dma_start3A_449] : memref<2x80x128xi32, #tpu.memory_space<hbm>> -> memref<1x16x128xi32, #tpu.memory_space<hbm>>
      %dma_start3A_451 = tpu.memref_squeeze %dma_start3A_450 : memref<1x16x128xi32, #tpu.memory_space<hbm>> -> memref<16x128xi32, #tpu.memory_space<hbm>>
      tpu.enqueue_dma source(%dma_start3A_451 : memref<16x128xi32, #tpu.memory_space<hbm>>) target(%dma_start3A_447 : memref<16x128xi32, #tpu.memory_space<vmem>>) target_semaphore(%arg18 : memref<!tpu.dma_semaphore, #tpu.memory_space<semaphore_mem>>)
    } else {
    }
    %scan3A_191 = arith.constant 0 : i32
    %scan3A_192 = arith.constant 0 : i32
    %scan3A_193 = arith.constant 8 : i32
    %scan3A_194 = arith.addi %scan3A_192, %scan3A_193 : i32
    %scan3A_195 = arith.constant 1 : i32
    scf.for %scan3A_416 = %scan3A_192 to %scan3A_194 step %scan3A_195  : i32 {
      %mul3A_417 = arith.constant 2 : i32
      %mul3A_418 = arith.muli %scan3A_416, %mul3A_417 : i32
      %add3A_419 = arith.constant 0 : i32
      %add3A_420 = arith.addi %mul3A_418, %add3A_419 : i32
      %add3A_421 = arith.constant 1 : i32
      %add3A_422 = arith.addi %add3A_420, %add3A_421 : i32
      %ge3A = arith.constant 1 : i32
      %ge3A_423 = arith.cmpi sge, %scan3A_416, %ge3A : i32
      %convert_element_type3A_424 = arith.extui %ge3A_423 : i1 to i32
      %cond3A_425 = arith.constant 0 : i32
      %cond3A_426 = arith.cmpi ne, %convert_element_type3A_424, %cond3A_425 : i32
      scf.if %cond3A_426 {
        %dma_wait3A_491 = arith.constant 0 : i32
        %dma_wait3A_492 = arith.constant 0 : i32
        %dma_wait3A_493 = tpu.memref_slice %arg13[%dma_wait3A_491, %dma_wait3A_492] : memref<10240x128xf32, #tpu.memory_space<vmem_shared>> -> memref<128x128xf32, #tpu.memory_space<vmem_shared>>
        %dma_wait3A_494 = arith.constant 0 : i32
        %dma_wait3A_495 = arith.constant 0 : i32
        %dma_wait3A_496 = tpu.memref_slice %arg13[%dma_wait3A_494, %dma_wait3A_495] : memref<10240x128xf32, #tpu.memory_space<vmem_shared>> -> memref<128x128xf32, #tpu.memory_space<vmem_shared>>
        tpu.wait_dma2 semaphore(%arg20 : memref<!tpu.dma_semaphore, #tpu.memory_space<semaphore_mem>>) src(%arg10 : memref<128x128xf32, #tpu.memory_space<vmem>>) dst(%dma_wait3A_496 : memref<128x128xf32, #tpu.memory_space<vmem_shared>>)
      } else {
      }
      %dma_start3A_427 = arith.constant 1 : i32
      %dma_start3A_428 = arith.constant 0 : i32
      %dma_start3A_429 = tpu.memref_slice %arg8[%dma_start3A_427, %add3A_422, %dma_start3A_428] : memref<2x16x128xi32, #tpu.memory_space<vmem>> -> memref<1x1x128xi32, #tpu.memory_space<vmem>>
      %dma_start3A_430 = tpu.memref_squeeze %dma_start3A_429 : memref<1x1x128xi32, #tpu.memory_space<vmem>> -> memref<128xi32, #tpu.memory_space<vmem>>
      %dma_start3A_431 = arith.constant 0 : i32
      %dma_start3A_432 = arith.constant 0 : i32
      %dma_start3A_433 = tpu.memref_slice %arg2[%dma_start3A_431, %dma_start3A_432] : memref<10000x128xf32, #tpu.memory_space<hbm>> -> memref<10000x128xf32, #tpu.memory_space<hbm>>
      tpu.enqueue_indirect_dma source(%dma_start3A_433 : memref<10000x128xf32, #tpu.memory_space<hbm>>) target(%arg10 : memref<128x128xf32, #tpu.memory_space<vmem>>) offsets(%dma_start3A_430 : memref<128xi32, #tpu.memory_space<vmem>>) semaphore(%arg16 : memref<!tpu.dma_semaphore, #tpu.memory_space<semaphore_mem>>)
      %dma_wait3A_434 = arith.constant 1 : i32
      %dma_wait3A_435 = arith.constant 0 : i32
      %dma_wait3A_436 = tpu.memref_slice %arg8[%dma_wait3A_434, %add3A_420, %dma_wait3A_435] : memref<2x16x128xi32, #tpu.memory_space<vmem>> -> memref<1x1x128xi32, #tpu.memory_space<vmem>>
      %dma_wait3A_437 = tpu.memref_squeeze %dma_wait3A_436 : memref<1x1x128xi32, #tpu.memory_space<vmem>> -> memref<128xi32, #tpu.memory_space<vmem>>
      %dma_wait3A_438 = arith.constant 0 : i32
      %dma_wait3A_439 = arith.constant 0 : i32
      %dma_wait3A_440 = tpu.memref_slice %arg2[%dma_wait3A_438, %dma_wait3A_439] : memref<10000x128xf32, #tpu.memory_space<hbm>> -> memref<10000x128xf32, #tpu.memory_space<hbm>>
      tpu.wait_indirect_dma semaphore(%arg15 : memref<!tpu.dma_semaphore, #tpu.memory_space<semaphore_mem>>) src(%dma_wait3A_440 : memref<10000x128xf32, #tpu.memory_space<hbm>>) dst(%arg9 : memref<128x128xf32, #tpu.memory_space<vmem>>)
      %dma_start3A_441 = arith.constant 1 : i32
      %dma_start3A_442 = arith.constant 0 : i32
      %dma_start3A_443 = tpu.memref_slice %arg7[%dma_start3A_441, %add3A_420, %dma_start3A_442] : memref<2x16x128xi32, #tpu.memory_space<vmem>> -> memref<1x1x128xi32, #tpu.memory_space<vmem>>
      %dma_start3A_444 = tpu.memref_squeeze %dma_start3A_443 : memref<1x1x128xi32, #tpu.memory_space<vmem>> -> memref<128xi32, #tpu.memory_space<vmem>>
      %dma_start3A_445 = arith.constant 0 : i32
      %dma_start3A_446 = arith.constant 0 : i32
      %dma_start3A_447 = tpu.memref_slice %arg13[%dma_start3A_445, %dma_start3A_446] : memref<10240x128xf32, #tpu.memory_space<vmem_shared>> -> memref<10240x128xf32, #tpu.memory_space<vmem_shared>>
      tpu.enqueue_indirect_dma source(%arg9 : memref<128x128xf32, #tpu.memory_space<vmem>>) target(%dma_start3A_447 : memref<10240x128xf32, #tpu.memory_space<vmem_shared>>) offsets(%dma_start3A_444 : memref<128xi32, #tpu.memory_space<vmem>>) semaphore(%arg19 : memref<!tpu.dma_semaphore, #tpu.memory_space<semaphore_mem>>) {add = true}
      %dma_start3A_448 = arith.constant 1 : i32
      %dma_start3A_449 = arith.constant 0 : i32
      %dma_start3A_450 = tpu.memref_slice %arg7[%dma_start3A_448, %add3A_420, %dma_start3A_449] : memref<2x16x128xi32, #tpu.memory_space<vmem>> -> memref<1x1x128xi32, #tpu.memory_space<vmem>>
      %dma_start3A_451 = tpu.memref_squeeze %dma_start3A_450 : memref<1x1x128xi32, #tpu.memory_space<vmem>> -> memref<128xi32, #tpu.memory_space<vmem>>
      %dma_start3A_452 = arith.constant 0 : i32
      %dma_start3A_453 = tpu.memref_slice %arg14[%dma_start3A_452] : memref<10240xf32, #tpu.memory_space<vmem_shared>> -> memref<10240xf32, #tpu.memory_space<vmem_shared>>
      tpu.enqueue_indirect_dma source(%arg11 : memref<128xf32, #tpu.memory_space<vmem>>) target(%dma_start3A_453 : memref<10240xf32, #tpu.memory_space<vmem_shared>>) offsets(%dma_start3A_451 : memref<128xi32, #tpu.memory_space<vmem>>) semaphore(%arg21 : memref<!tpu.dma_semaphore, #tpu.memory_space<semaphore_mem>>) {add = true}
      %mul3A_454 = arith.constant 2 : i32
      %mul3A_455 = arith.muli %scan3A_416, %mul3A_454 : i32
      %add3A_456 = arith.constant 1 : i32
      %add3A_457 = arith.addi %mul3A_455, %add3A_456 : i32
      %add3A_458 = arith.constant 1 : i32
      %add3A_459 = arith.addi %add3A_457, %add3A_458 : i32
      %dma_wait3A_460 = arith.constant 0 : i32
      %dma_wait3A_461 = arith.constant 0 : i32
      %dma_wait3A_462 = tpu.memref_slice %arg13[%dma_wait3A_460, %dma_wait3A_461] : memref<10240x128xf32, #tpu.memory_space<vmem_shared>> -> memref<128x128xf32, #tpu.memory_space<vmem_shared>>
      %dma_wait3A_463 = arith.constant 0 : i32
      %dma_wait3A_464 = arith.constant 0 : i32
      %dma_wait3A_465 = tpu.memref_slice %arg13[%dma_wait3A_463, %dma_wait3A_464] : memref<10240x128xf32, #tpu.memory_space<vmem_shared>> -> memref<128x128xf32, #tpu.memory_space<vmem_shared>>
      tpu.wait_dma2 semaphore(%arg19 : memref<!tpu.dma_semaphore, #tpu.memory_space<semaphore_mem>>) src(%arg9 : memref<128x128xf32, #tpu.memory_space<vmem>>) dst(%dma_wait3A_465 : memref<128x128xf32, #tpu.memory_space<vmem_shared>>)
      %lt3A_466 = arith.constant 16 : i32
      %lt3A_467 = arith.cmpi slt, %add3A_459, %lt3A_466 : i32
      %convert_element_type3A_468 = arith.extui %lt3A_467 : i1 to i32
      %cond3A_469 = arith.constant 0 : i32
      %cond3A_470 = arith.cmpi ne, %convert_element_type3A_468, %cond3A_469 : i32
      scf.if %cond3A_470 {
        %dma_start3A_491 = arith.constant 1 : i32
        %dma_start3A_492 = arith.constant 0 : i32
        %dma_start3A_493 = tpu.memref_slice %arg8[%dma_start3A_491, %add3A_459, %dma_start3A_492] : memref<2x16x128xi32, #tpu.memory_space<vmem>> -> memref<1x1x128xi32, #tpu.memory_space<vmem>>
        %dma_start3A_494 = tpu.memref_squeeze %dma_start3A_493 : memref<1x1x128xi32, #tpu.memory_space<vmem>> -> memref<128xi32, #tpu.memory_space<vmem>>
        %dma_start3A_495 = arith.constant 0 : i32
        %dma_start3A_496 = arith.constant 0 : i32
        %dma_start3A_497 = tpu.memref_slice %arg2[%dma_start3A_495, %dma_start3A_496] : memref<10000x128xf32, #tpu.memory_space<hbm>> -> memref<10000x128xf32, #tpu.memory_space<hbm>>
        tpu.enqueue_indirect_dma source(%dma_start3A_497 : memref<10000x128xf32, #tpu.memory_space<hbm>>) target(%arg9 : memref<128x128xf32, #tpu.memory_space<vmem>>) offsets(%dma_start3A_494 : memref<128xi32, #tpu.memory_space<vmem>>) semaphore(%arg15 : memref<!tpu.dma_semaphore, #tpu.memory_space<semaphore_mem>>)
      } else {
      }
      %dma_wait3A_471 = arith.constant 1 : i32
      %dma_wait3A_472 = arith.constant 0 : i32
      %dma_wait3A_473 = tpu.memref_slice %arg8[%dma_wait3A_471, %add3A_457, %dma_wait3A_472] : memref<2x16x128xi32, #tpu.memory_space<vmem>> -> memref<1x1x128xi32, #tpu.memory_space<vmem>>
      %dma_wait3A_474 = tpu.memref_squeeze %dma_wait3A_473 : memref<1x1x128xi32, #tpu.memory_space<vmem>> -> memref<128xi32, #tpu.memory_space<vmem>>
      %dma_wait3A_475 = arith.constant 0 : i32
      %dma_wait3A_476 = arith.constant 0 : i32
      %dma_wait3A_477 = tpu.memref_slice %arg2[%dma_wait3A_475, %dma_wait3A_476] : memref<10000x128xf32, #tpu.memory_space<hbm>> -> memref<10000x128xf32, #tpu.memory_space<hbm>>
      tpu.wait_indirect_dma semaphore(%arg16 : memref<!tpu.dma_semaphore, #tpu.memory_space<semaphore_mem>>) src(%dma_wait3A_477 : memref<10000x128xf32, #tpu.memory_space<hbm>>) dst(%arg10 : memref<128x128xf32, #tpu.memory_space<vmem>>)
      %dma_start3A_478 = arith.constant 1 : i32
      %dma_start3A_479 = arith.constant 0 : i32
      %dma_start3A_480 = tpu.memref_slice %arg7[%dma_start3A_478, %add3A_457, %dma_start3A_479] : memref<2x16x128xi32, #tpu.memory_space<vmem>> -> memref<1x1x128xi32, #tpu.memory_space<vmem>>
      %dma_start3A_481 = tpu.memref_squeeze %dma_start3A_480 : memref<1x1x128xi32, #tpu.memory_space<vmem>> -> memref<128xi32, #tpu.memory_space<vmem>>
      %dma_start3A_482 = arith.constant 0 : i32
      %dma_start3A_483 = arith.constant 0 : i32
      %dma_start3A_484 = tpu.memref_slice %arg13[%dma_start3A_482, %dma_start3A_483] : memref<10240x128xf32, #tpu.memory_space<vmem_shared>> -> memref<10240x128xf32, #tpu.memory_space<vmem_shared>>
      tpu.enqueue_indirect_dma source(%arg10 : memref<128x128xf32, #tpu.memory_space<vmem>>) target(%dma_start3A_484 : memref<10240x128xf32, #tpu.memory_space<vmem_shared>>) offsets(%dma_start3A_481 : memref<128xi32, #tpu.memory_space<vmem>>) semaphore(%arg20 : memref<!tpu.dma_semaphore, #tpu.memory_space<semaphore_mem>>) {add = true}
      %dma_start3A_485 = arith.constant 1 : i32
      %dma_start3A_486 = arith.constant 0 : i32
      %dma_start3A_487 = tpu.memref_slice %arg7[%dma_start3A_485, %add3A_457, %dma_start3A_486] : memref<2x16x128xi32, #tpu.memory_space<vmem>> -> memref<1x1x128xi32, #tpu.memory_space<vmem>>
      %dma_start3A_488 = tpu.memref_squeeze %dma_start3A_487 : memref<1x1x128xi32, #tpu.memory_space<vmem>> -> memref<128xi32, #tpu.memory_space<vmem>>
      %dma_start3A_489 = arith.constant 0 : i32
      %dma_start3A_490 = tpu.memref_slice %arg14[%dma_start3A_489] : memref<10240xf32, #tpu.memory_space<vmem_shared>> -> memref<10240xf32, #tpu.memory_space<vmem_shared>>
      tpu.enqueue_indirect_dma source(%arg11 : memref<128xf32, #tpu.memory_space<vmem>>) target(%dma_start3A_490 : memref<10240xf32, #tpu.memory_space<vmem_shared>>) offsets(%dma_start3A_488 : memref<128xi32, #tpu.memory_space<vmem>>) semaphore(%arg21 : memref<!tpu.dma_semaphore, #tpu.memory_space<semaphore_mem>>) {add = true}
    }
    %scan3A_196 = arith.constant 8 : i32
    %dma_wait3A_197 = arith.constant 0 : i32
    %dma_wait3A_198 = arith.constant 0 : i32
    %dma_wait3A_199 = tpu.memref_slice %arg13[%dma_wait3A_197, %dma_wait3A_198] : memref<10240x128xf32, #tpu.memory_space<vmem_shared>> -> memref<128x128xf32, #tpu.memory_space<vmem_shared>>
    %dma_wait3A_200 = arith.constant 0 : i32
    %dma_wait3A_201 = arith.constant 0 : i32
    %dma_wait3A_202 = tpu.memref_slice %arg13[%dma_wait3A_200, %dma_wait3A_201] : memref<10240x128xf32, #tpu.memory_space<vmem_shared>> -> memref<128x128xf32, #tpu.memory_space<vmem_shared>>
    tpu.wait_dma2 semaphore(%arg20 : memref<!tpu.dma_semaphore, #tpu.memory_space<semaphore_mem>>) src(%arg10 : memref<128x128xf32, #tpu.memory_space<vmem>>) dst(%dma_wait3A_202 : memref<128x128xf32, #tpu.memory_space<vmem_shared>>)
    %scan3A_203 = arith.constant 0 : i32
    %scan3A_204 = arith.constant 0 : i32
    %scan3A_205 = arith.constant 16 : i32
    %scan3A_206 = arith.addi %scan3A_204, %scan3A_205 : i32
    %scan3A_207 = arith.constant 1 : i32
    scf.for %scan3A_416 = %scan3A_204 to %scan3A_206 step %scan3A_207  : i32 {
      %dma_wait3A_417 = arith.constant 0 : i32
      %dma_wait3A_418 = tpu.memref_slice %arg14[%dma_wait3A_417] : memref<10240xf32, #tpu.memory_space<vmem_shared>> -> memref<128xf32, #tpu.memory_space<vmem_shared>>
      %dma_wait3A_419 = arith.constant 0 : i32
      %dma_wait3A_420 = tpu.memref_slice %arg14[%dma_wait3A_419] : memref<10240xf32, #tpu.memory_space<vmem_shared>> -> memref<128xf32, #tpu.memory_space<vmem_shared>>
      tpu.wait_dma2 semaphore(%arg21 : memref<!tpu.dma_semaphore, #tpu.memory_space<semaphore_mem>>) src(%arg11 : memref<128xf32, #tpu.memory_space<vmem>>) dst(%dma_wait3A_420 : memref<128xf32, #tpu.memory_space<vmem_shared>>)
    }
    %scan3A_208 = arith.constant 16 : i32
    %dma_wait3A_209 = arith.constant 0 : i32
    %dma_wait3A_210 = arith.constant 0 : i32
    %dma_wait3A_211 = arith.constant 0 : i32
    %dma_wait3A_212 = arith.constant 0 : i32
    %dma_wait3A_213 = tpu.memref_slice %arg7[%dma_wait3A_210, %dma_wait3A_211, %dma_wait3A_212] : memref<2x16x128xi32, #tpu.memory_space<vmem>> -> memref<1x16x128xi32, #tpu.memory_space<vmem>>
    %dma_wait3A_214 = tpu.memref_squeeze %dma_wait3A_213 : memref<1x16x128xi32, #tpu.memory_space<vmem>> -> memref<16x128xi32, #tpu.memory_space<vmem>>
    %dma_wait3A_215 = arith.constant 0 : i32
    %dma_wait3A_216 = arith.constant 0 : i32
    %dma_wait3A_217 = tpu.memref_slice %arg4[%dma_wait3A_209, %dma_wait3A_215, %dma_wait3A_216] : memref<2x80x128xi32, #tpu.memory_space<hbm>> -> memref<1x16x128xi32, #tpu.memory_space<hbm>>
    %dma_wait3A_218 = tpu.memref_squeeze %dma_wait3A_217 : memref<1x16x128xi32, #tpu.memory_space<hbm>> -> memref<16x128xi32, #tpu.memory_space<hbm>>
    %dma_wait3A_219 = arith.constant 0 : i32
    %dma_wait3A_220 = arith.constant 0 : i32
    %dma_wait3A_221 = tpu.memref_slice %arg7[%dma_wait3A_210, %dma_wait3A_219, %dma_wait3A_220] : memref<2x16x128xi32, #tpu.memory_space<vmem>> -> memref<1x16x128xi32, #tpu.memory_space<vmem>>
    %dma_wait3A_222 = tpu.memref_squeeze %dma_wait3A_221 : memref<1x16x128xi32, #tpu.memory_space<vmem>> -> memref<16x128xi32, #tpu.memory_space<vmem>>
    %dma_wait3A_223 = arith.constant 0 : i32
    %dma_wait3A_224 = arith.constant 0 : i32
    %dma_wait3A_225 = tpu.memref_slice %arg4[%dma_wait3A_209, %dma_wait3A_223, %dma_wait3A_224] : memref<2x80x128xi32, #tpu.memory_space<hbm>> -> memref<1x16x128xi32, #tpu.memory_space<hbm>>
    %dma_wait3A_226 = tpu.memref_squeeze %dma_wait3A_225 : memref<1x16x128xi32, #tpu.memory_space<hbm>> -> memref<16x128xi32, #tpu.memory_space<hbm>>
    tpu.wait_dma2 semaphore(%arg17 : memref<!tpu.dma_semaphore, #tpu.memory_space<semaphore_mem>>) src(%dma_wait3A_226 : memref<16x128xi32, #tpu.memory_space<hbm>>) dst(%dma_wait3A_222 : memref<16x128xi32, #tpu.memory_space<vmem>>)
    %dma_wait3A_227 = arith.constant 1 : i32
    %dma_wait3A_228 = arith.constant 0 : i32
    %dma_wait3A_229 = arith.constant 0 : i32
    %dma_wait3A_230 = arith.constant 0 : i32
    %dma_wait3A_231 = tpu.memref_slice %arg8[%dma_wait3A_228, %dma_wait3A_229, %dma_wait3A_230] : memref<2x16x128xi32, #tpu.memory_space<vmem>> -> memref<1x16x128xi32, #tpu.memory_space<vmem>>
    %dma_wait3A_232 = tpu.memref_squeeze %dma_wait3A_231 : memref<1x16x128xi32, #tpu.memory_space<vmem>> -> memref<16x128xi32, #tpu.memory_space<vmem>>
    %dma_wait3A_233 = arith.constant 0 : i32
    %dma_wait3A_234 = arith.constant 0 : i32
    %dma_wait3A_235 = tpu.memref_slice %arg4[%dma_wait3A_227, %dma_wait3A_233, %dma_wait3A_234] : memref<2x80x128xi32, #tpu.memory_space<hbm>> -> memref<1x16x128xi32, #tpu.memory_space<hbm>>
    %dma_wait3A_236 = tpu.memref_squeeze %dma_wait3A_235 : memref<1x16x128xi32, #tpu.memory_space<hbm>> -> memref<16x128xi32, #tpu.memory_space<hbm>>
    %dma_wait3A_237 = arith.constant 0 : i32
    %dma_wait3A_238 = arith.constant 0 : i32
    %dma_wait3A_239 = tpu.memref_slice %arg8[%dma_wait3A_228, %dma_wait3A_237, %dma_wait3A_238] : memref<2x16x128xi32, #tpu.memory_space<vmem>> -> memref<1x16x128xi32, #tpu.memory_space<vmem>>
    %dma_wait3A_240 = tpu.memref_squeeze %dma_wait3A_239 : memref<1x16x128xi32, #tpu.memory_space<vmem>> -> memref<16x128xi32, #tpu.memory_space<vmem>>
    %dma_wait3A_241 = arith.constant 0 : i32
    %dma_wait3A_242 = arith.constant 0 : i32
    %dma_wait3A_243 = tpu.memref_slice %arg4[%dma_wait3A_227, %dma_wait3A_241, %dma_wait3A_242] : memref<2x80x128xi32, #tpu.memory_space<hbm>> -> memref<1x16x128xi32, #tpu.memory_space<hbm>>
    %dma_wait3A_244 = tpu.memref_squeeze %dma_wait3A_243 : memref<1x16x128xi32, #tpu.memory_space<hbm>> -> memref<16x128xi32, #tpu.memory_space<hbm>>
    tpu.wait_dma2 semaphore(%arg18 : memref<!tpu.dma_semaphore, #tpu.memory_space<semaphore_mem>>) src(%dma_wait3A_244 : memref<16x128xi32, #tpu.memory_space<hbm>>) dst(%dma_wait3A_240 : memref<16x128xi32, #tpu.memory_space<vmem>>)
    %dma_start3A_245 = arith.constant 0 : i32
    %dma_start3A_246 = arith.constant 0 : i32
    %dma_start3A_247 = arith.constant 0 : i32
    %dma_start3A_248 = tpu.memref_slice %arg8[%dma_start3A_245, %dma_start3A_246, %dma_start3A_247] : memref<2x16x128xi32, #tpu.memory_space<vmem>> -> memref<1x1x128xi32, #tpu.memory_space<vmem>>
    %dma_start3A_249 = tpu.memref_squeeze %dma_start3A_248 : memref<1x1x128xi32, #tpu.memory_space<vmem>> -> memref<128xi32, #tpu.memory_space<vmem>>
    %dma_start3A_250 = arith.constant 0 : i32
    %dma_start3A_251 = arith.constant 0 : i32
    %dma_start3A_252 = tpu.memref_slice %arg2[%dma_start3A_250, %dma_start3A_251] : memref<10000x128xf32, #tpu.memory_space<hbm>> -> memref<10000x128xf32, #tpu.memory_space<hbm>>
    tpu.enqueue_indirect_dma source(%dma_start3A_252 : memref<10000x128xf32, #tpu.memory_space<hbm>>) target(%arg9 : memref<128x128xf32, #tpu.memory_space<vmem>>) offsets(%dma_start3A_249 : memref<128xi32, #tpu.memory_space<vmem>>) semaphore(%arg15 : memref<!tpu.dma_semaphore, #tpu.memory_space<semaphore_mem>>)
    %lt3A_253 = arith.constant 31 : i32
    %lt3A_254 = arith.cmpi slt, %add3A, %lt3A_253 : i32
    %convert_element_type3A_255 = arith.extui %lt3A_254 : i1 to i32
    %cond3A_256 = arith.constant 0 : i32
    %cond3A_257 = arith.cmpi ne, %convert_element_type3A_255, %cond3A_256 : i32
    scf.if %cond3A_257 {
      %mul3A_416 = arith.constant 80 : i32
      %mul3A_417 = arith.muli %add3A, %mul3A_416 : i32
      %add3A_418 = arith.constant 48 : i32
      %add3A_419 = arith.addi %mul3A_417, %add3A_418 : i32
      %dma_start3A_420 = arith.constant 0 : i32
      %dma_start3A_421 = arith.constant 1 : i32
      %dma_start3A_422 = arith.constant 0 : i32
      %dma_start3A_423 = arith.constant 0 : i32
      %dma_start3A_424 = tpu.memref_slice %arg7[%dma_start3A_421, %dma_start3A_422, %dma_start3A_423] : memref<2x16x128xi32, #tpu.memory_space<vmem>> -> memref<1x16x128xi32, #tpu.memory_space<vmem>>
      %dma_start3A_425 = tpu.memref_squeeze %dma_start3A_424 : memref<1x16x128xi32, #tpu.memory_space<vmem>> -> memref<16x128xi32, #tpu.memory_space<vmem>>
      %dma_start3A_426 = arith.constant 0 : i32
      %dma_start3A_427 = tpu.memref_slice %arg3[%dma_start3A_420, %add3A_419, %dma_start3A_426] : memref<2x2500x128xi32, #tpu.memory_space<hbm>> -> memref<1x16x128xi32, #tpu.memory_space<hbm>>
      %dma_start3A_428 = tpu.memref_squeeze %dma_start3A_427 : memref<1x16x128xi32, #tpu.memory_space<hbm>> -> memref<16x128xi32, #tpu.memory_space<hbm>>
      %dma_start3A_429 = arith.constant 0 : i32
      %dma_start3A_430 = arith.constant 0 : i32
      %dma_start3A_431 = tpu.memref_slice %arg7[%dma_start3A_421, %dma_start3A_429, %dma_start3A_430] : memref<2x16x128xi32, #tpu.memory_space<vmem>> -> memref<1x16x128xi32, #tpu.memory_space<vmem>>
      %dma_start3A_432 = tpu.memref_squeeze %dma_start3A_431 : memref<1x16x128xi32, #tpu.memory_space<vmem>> -> memref<16x128xi32, #tpu.memory_space<vmem>>
      %dma_start3A_433 = arith.constant 0 : i32
      %dma_start3A_434 = tpu.memref_slice %arg3[%dma_start3A_420, %add3A_419, %dma_start3A_433] : memref<2x2500x128xi32, #tpu.memory_space<hbm>> -> memref<1x16x128xi32, #tpu.memory_space<hbm>>
      %dma_start3A_435 = tpu.memref_squeeze %dma_start3A_434 : memref<1x16x128xi32, #tpu.memory_space<hbm>> -> memref<16x128xi32, #tpu.memory_space<hbm>>
      tpu.enqueue_dma source(%dma_start3A_435 : memref<16x128xi32, #tpu.memory_space<hbm>>) target(%dma_start3A_432 : memref<16x128xi32, #tpu.memory_space<vmem>>) target_semaphore(%arg17 : memref<!tpu.dma_semaphore, #tpu.memory_space<semaphore_mem>>)
      %mul3A_436 = arith.constant 80 : i32
      %mul3A_437 = arith.muli %add3A, %mul3A_436 : i32
      %add3A_438 = arith.constant 48 : i32
      %add3A_439 = arith.addi %mul3A_437, %add3A_438 : i32
      %dma_start3A_440 = arith.constant 1 : i32
      %dma_start3A_441 = arith.constant 1 : i32
      %dma_start3A_442 = arith.constant 0 : i32
      %dma_start3A_443 = arith.constant 0 : i32
      %dma_start3A_444 = tpu.memref_slice %arg8[%dma_start3A_441, %dma_start3A_442, %dma_start3A_443] : memref<2x16x128xi32, #tpu.memory_space<vmem>> -> memref<1x16x128xi32, #tpu.memory_space<vmem>>
      %dma_start3A_445 = tpu.memref_squeeze %dma_start3A_444 : memref<1x16x128xi32, #tpu.memory_space<vmem>> -> memref<16x128xi32, #tpu.memory_space<vmem>>
      %dma_start3A_446 = arith.constant 0 : i32
      %dma_start3A_447 = tpu.memref_slice %arg3[%dma_start3A_440, %add3A_439, %dma_start3A_446] : memref<2x2500x128xi32, #tpu.memory_space<hbm>> -> memref<1x16x128xi32, #tpu.memory_space<hbm>>
      %dma_start3A_448 = tpu.memref_squeeze %dma_start3A_447 : memref<1x16x128xi32, #tpu.memory_space<hbm>> -> memref<16x128xi32, #tpu.memory_space<hbm>>
      %dma_start3A_449 = arith.constant 0 : i32
      %dma_start3A_450 = arith.constant 0 : i32
      %dma_start3A_451 = tpu.memref_slice %arg8[%dma_start3A_441, %dma_start3A_449, %dma_start3A_450] : memref<2x16x128xi32, #tpu.memory_space<vmem>> -> memref<1x16x128xi32, #tpu.memory_space<vmem>>
      %dma_start3A_452 = tpu.memref_squeeze %dma_start3A_451 : memref<1x16x128xi32, #tpu.memory_space<vmem>> -> memref<16x128xi32, #tpu.memory_space<vmem>>
      %dma_start3A_453 = arith.constant 0 : i32
      %dma_start3A_454 = tpu.memref_slice %arg3[%dma_start3A_440, %add3A_439, %dma_start3A_453] : memref<2x2500x128xi32, #tpu.memory_space<hbm>> -> memref<1x16x128xi32, #tpu.memory_space<hbm>>
      %dma_start3A_455 = tpu.memref_squeeze %dma_start3A_454 : memref<1x16x128xi32, #tpu.memory_space<hbm>> -> memref<16x128xi32, #tpu.memory_space<hbm>>
      tpu.enqueue_dma source(%dma_start3A_455 : memref<16x128xi32, #tpu.memory_space<hbm>>) target(%dma_start3A_452 : memref<16x128xi32, #tpu.memory_space<vmem>>) target_semaphore(%arg18 : memref<!tpu.dma_semaphore, #tpu.memory_space<semaphore_mem>>)
    } else {
    }
    %eq3A_258 = arith.constant 31 : i32
    %eq3A_259 = arith.cmpi eq, %add3A, %eq3A_258 : i32
    %convert_element_type3A_260 = arith.extui %eq3A_259 : i1 to i32
    %cond3A_261 = arith.constant 0 : i32
    %cond3A_262 = arith.cmpi ne, %convert_element_type3A_260, %cond3A_261 : i32
    scf.if %cond3A_262 {
      %dma_start3A_416 = arith.constant 0 : i32
      %dma_start3A_417 = arith.constant 1 : i32
      %dma_start3A_418 = arith.constant 0 : i32
      %dma_start3A_419 = arith.constant 0 : i32
      %dma_start3A_420 = tpu.memref_slice %arg7[%dma_start3A_417, %dma_start3A_418, %dma_start3A_419] : memref<2x16x128xi32, #tpu.memory_space<vmem>> -> memref<1x16x128xi32, #tpu.memory_space<vmem>>
      %dma_start3A_421 = tpu.memref_squeeze %dma_start3A_420 : memref<1x16x128xi32, #tpu.memory_space<vmem>> -> memref<16x128xi32, #tpu.memory_space<vmem>>
      %dma_start3A_422 = arith.constant 48 : i32
      %dma_start3A_423 = arith.constant 0 : i32
      %dma_start3A_424 = tpu.memref_slice %arg4[%dma_start3A_416, %dma_start3A_422, %dma_start3A_423] : memref<2x80x128xi32, #tpu.memory_space<hbm>> -> memref<1x16x128xi32, #tpu.memory_space<hbm>>
      %dma_start3A_425 = tpu.memref_squeeze %dma_start3A_424 : memref<1x16x128xi32, #tpu.memory_space<hbm>> -> memref<16x128xi32, #tpu.memory_space<hbm>>
      %dma_start3A_426 = arith.constant 0 : i32
      %dma_start3A_427 = arith.constant 0 : i32
      %dma_start3A_428 = tpu.memref_slice %arg7[%dma_start3A_417, %dma_start3A_426, %dma_start3A_427] : memref<2x16x128xi32, #tpu.memory_space<vmem>> -> memref<1x16x128xi32, #tpu.memory_space<vmem>>
      %dma_start3A_429 = tpu.memref_squeeze %dma_start3A_428 : memref<1x16x128xi32, #tpu.memory_space<vmem>> -> memref<16x128xi32, #tpu.memory_space<vmem>>
      %dma_start3A_430 = arith.constant 48 : i32
      %dma_start3A_431 = arith.constant 0 : i32
      %dma_start3A_432 = tpu.memref_slice %arg4[%dma_start3A_416, %dma_start3A_430, %dma_start3A_431] : memref<2x80x128xi32, #tpu.memory_space<hbm>> -> memref<1x16x128xi32, #tpu.memory_space<hbm>>
      %dma_start3A_433 = tpu.memref_squeeze %dma_start3A_432 : memref<1x16x128xi32, #tpu.memory_space<hbm>> -> memref<16x128xi32, #tpu.memory_space<hbm>>
      tpu.enqueue_dma source(%dma_start3A_433 : memref<16x128xi32, #tpu.memory_space<hbm>>) target(%dma_start3A_429 : memref<16x128xi32, #tpu.memory_space<vmem>>) target_semaphore(%arg17 : memref<!tpu.dma_semaphore, #tpu.memory_space<semaphore_mem>>)
      %dma_start3A_434 = arith.constant 1 : i32
      %dma_start3A_435 = arith.constant 1 : i32
      %dma_start3A_436 = arith.constant 0 : i32
      %dma_start3A_437 = arith.constant 0 : i32
      %dma_start3A_438 = tpu.memref_slice %arg8[%dma_start3A_435, %dma_start3A_436, %dma_start3A_437] : memref<2x16x128xi32, #tpu.memory_space<vmem>> -> memref<1x16x128xi32, #tpu.memory_space<vmem>>
      %dma_start3A_439 = tpu.memref_squeeze %dma_start3A_438 : memref<1x16x128xi32, #tpu.memory_space<vmem>> -> memref<16x128xi32, #tpu.memory_space<vmem>>
      %dma_start3A_440 = arith.constant 48 : i32
      %dma_start3A_441 = arith.constant 0 : i32
      %dma_start3A_442 = tpu.memref_slice %arg4[%dma_start3A_434, %dma_start3A_440, %dma_start3A_441] : memref<2x80x128xi32, #tpu.memory_space<hbm>> -> memref<1x16x128xi32, #tpu.memory_space<hbm>>
      %dma_start3A_443 = tpu.memref_squeeze %dma_start3A_442 : memref<1x16x128xi32, #tpu.memory_space<hbm>> -> memref<16x128xi32, #tpu.memory_space<hbm>>
      %dma_start3A_444 = arith.constant 0 : i32
      %dma_start3A_445 = arith.constant 0 : i32
      %dma_start3A_446 = tpu.memref_slice %arg8[%dma_start3A_435, %dma_start3A_444, %dma_start3A_445] : memref<2x16x128xi32, #tpu.memory_space<vmem>> -> memref<1x16x128xi32, #tpu.memory_space<vmem>>
      %dma_start3A_447 = tpu.memref_squeeze %dma_start3A_446 : memref<1x16x128xi32, #tpu.memory_space<vmem>> -> memref<16x128xi32, #tpu.memory_space<vmem>>
      %dma_start3A_448 = arith.constant 48 : i32
      %dma_start3A_449 = arith.constant 0 : i32
      %dma_start3A_450 = tpu.memref_slice %arg4[%dma_start3A_434, %dma_start3A_448, %dma_start3A_449] : memref<2x80x128xi32, #tpu.memory_space<hbm>> -> memref<1x16x128xi32, #tpu.memory_space<hbm>>
      %dma_start3A_451 = tpu.memref_squeeze %dma_start3A_450 : memref<1x16x128xi32, #tpu.memory_space<hbm>> -> memref<16x128xi32, #tpu.memory_space<hbm>>
      tpu.enqueue_dma source(%dma_start3A_451 : memref<16x128xi32, #tpu.memory_space<hbm>>) target(%dma_start3A_447 : memref<16x128xi32, #tpu.memory_space<vmem>>) target_semaphore(%arg18 : memref<!tpu.dma_semaphore, #tpu.memory_space<semaphore_mem>>)
    } else {
    }
    %scan3A_263 = arith.constant 0 : i32
    %scan3A_264 = arith.constant 0 : i32
    %scan3A_265 = arith.constant 8 : i32
    %scan3A_266 = arith.addi %scan3A_264, %scan3A_265 : i32
    %scan3A_267 = arith.constant 1 : i32
    scf.for %scan3A_416 = %scan3A_264 to %scan3A_266 step %scan3A_267  : i32 {
      %mul3A_417 = arith.constant 2 : i32
      %mul3A_418 = arith.muli %scan3A_416, %mul3A_417 : i32
      %add3A_419 = arith.constant 0 : i32
      %add3A_420 = arith.addi %mul3A_418, %add3A_419 : i32
      %add3A_421 = arith.constant 1 : i32
      %add3A_422 = arith.addi %add3A_420, %add3A_421 : i32
      %ge3A = arith.constant 1 : i32
      %ge3A_423 = arith.cmpi sge, %scan3A_416, %ge3A : i32
      %convert_element_type3A_424 = arith.extui %ge3A_423 : i1 to i32
      %cond3A_425 = arith.constant 0 : i32
      %cond3A_426 = arith.cmpi ne, %convert_element_type3A_424, %cond3A_425 : i32
      scf.if %cond3A_426 {
        %dma_wait3A_491 = arith.constant 0 : i32
        %dma_wait3A_492 = arith.constant 0 : i32
        %dma_wait3A_493 = tpu.memref_slice %arg13[%dma_wait3A_491, %dma_wait3A_492] : memref<10240x128xf32, #tpu.memory_space<vmem_shared>> -> memref<128x128xf32, #tpu.memory_space<vmem_shared>>
        %dma_wait3A_494 = arith.constant 0 : i32
        %dma_wait3A_495 = arith.constant 0 : i32
        %dma_wait3A_496 = tpu.memref_slice %arg13[%dma_wait3A_494, %dma_wait3A_495] : memref<10240x128xf32, #tpu.memory_space<vmem_shared>> -> memref<128x128xf32, #tpu.memory_space<vmem_shared>>
        tpu.wait_dma2 semaphore(%arg20 : memref<!tpu.dma_semaphore, #tpu.memory_space<semaphore_mem>>) src(%arg10 : memref<128x128xf32, #tpu.memory_space<vmem>>) dst(%dma_wait3A_496 : memref<128x128xf32, #tpu.memory_space<vmem_shared>>)
      } else {
      }
      %dma_start3A_427 = arith.constant 0 : i32
      %dma_start3A_428 = arith.constant 0 : i32
      %dma_start3A_429 = tpu.memref_slice %arg8[%dma_start3A_427, %add3A_422, %dma_start3A_428] : memref<2x16x128xi32, #tpu.memory_space<vmem>> -> memref<1x1x128xi32, #tpu.memory_space<vmem>>
      %dma_start3A_430 = tpu.memref_squeeze %dma_start3A_429 : memref<1x1x128xi32, #tpu.memory_space<vmem>> -> memref<128xi32, #tpu.memory_space<vmem>>
      %dma_start3A_431 = arith.constant 0 : i32
      %dma_start3A_432 = arith.constant 0 : i32
      %dma_start3A_433 = tpu.memref_slice %arg2[%dma_start3A_431, %dma_start3A_432] : memref<10000x128xf32, #tpu.memory_space<hbm>> -> memref<10000x128xf32, #tpu.memory_space<hbm>>
      tpu.enqueue_indirect_dma source(%dma_start3A_433 : memref<10000x128xf32, #tpu.memory_space<hbm>>) target(%arg10 : memref<128x128xf32, #tpu.memory_space<vmem>>) offsets(%dma_start3A_430 : memref<128xi32, #tpu.memory_space<vmem>>) semaphore(%arg16 : memref<!tpu.dma_semaphore, #tpu.memory_space<semaphore_mem>>)
      %dma_wait3A_434 = arith.constant 0 : i32
      %dma_wait3A_435 = arith.constant 0 : i32
      %dma_wait3A_436 = tpu.memref_slice %arg8[%dma_wait3A_434, %add3A_420, %dma_wait3A_435] : memref<2x16x128xi32, #tpu.memory_space<vmem>> -> memref<1x1x128xi32, #tpu.memory_space<vmem>>
      %dma_wait3A_437 = tpu.memref_squeeze %dma_wait3A_436 : memref<1x1x128xi32, #tpu.memory_space<vmem>> -> memref<128xi32, #tpu.memory_space<vmem>>
      %dma_wait3A_438 = arith.constant 0 : i32
      %dma_wait3A_439 = arith.constant 0 : i32
      %dma_wait3A_440 = tpu.memref_slice %arg2[%dma_wait3A_438, %dma_wait3A_439] : memref<10000x128xf32, #tpu.memory_space<hbm>> -> memref<10000x128xf32, #tpu.memory_space<hbm>>
      tpu.wait_indirect_dma semaphore(%arg15 : memref<!tpu.dma_semaphore, #tpu.memory_space<semaphore_mem>>) src(%dma_wait3A_440 : memref<10000x128xf32, #tpu.memory_space<hbm>>) dst(%arg9 : memref<128x128xf32, #tpu.memory_space<vmem>>)
      %dma_start3A_441 = arith.constant 0 : i32
      %dma_start3A_442 = arith.constant 0 : i32
      %dma_start3A_443 = tpu.memref_slice %arg7[%dma_start3A_441, %add3A_420, %dma_start3A_442] : memref<2x16x128xi32, #tpu.memory_space<vmem>> -> memref<1x1x128xi32, #tpu.memory_space<vmem>>
      %dma_start3A_444 = tpu.memref_squeeze %dma_start3A_443 : memref<1x1x128xi32, #tpu.memory_space<vmem>> -> memref<128xi32, #tpu.memory_space<vmem>>
      %dma_start3A_445 = arith.constant 0 : i32
      %dma_start3A_446 = arith.constant 0 : i32
      %dma_start3A_447 = tpu.memref_slice %arg13[%dma_start3A_445, %dma_start3A_446] : memref<10240x128xf32, #tpu.memory_space<vmem_shared>> -> memref<10240x128xf32, #tpu.memory_space<vmem_shared>>
      tpu.enqueue_indirect_dma source(%arg9 : memref<128x128xf32, #tpu.memory_space<vmem>>) target(%dma_start3A_447 : memref<10240x128xf32, #tpu.memory_space<vmem_shared>>) offsets(%dma_start3A_444 : memref<128xi32, #tpu.memory_space<vmem>>) semaphore(%arg19 : memref<!tpu.dma_semaphore, #tpu.memory_space<semaphore_mem>>) {add = true}
      %dma_start3A_448 = arith.constant 0 : i32
      %dma_start3A_449 = arith.constant 0 : i32
      %dma_start3A_450 = tpu.memref_slice %arg7[%dma_start3A_448, %add3A_420, %dma_start3A_449] : memref<2x16x128xi32, #tpu.memory_space<vmem>> -> memref<1x1x128xi32, #tpu.memory_space<vmem>>
      %dma_start3A_451 = tpu.memref_squeeze %dma_start3A_450 : memref<1x1x128xi32, #tpu.memory_space<vmem>> -> memref<128xi32, #tpu.memory_space<vmem>>
      %dma_start3A_452 = arith.constant 0 : i32
      %dma_start3A_453 = tpu.memref_slice %arg14[%dma_start3A_452] : memref<10240xf32, #tpu.memory_space<vmem_shared>> -> memref<10240xf32, #tpu.memory_space<vmem_shared>>
      tpu.enqueue_indirect_dma source(%arg11 : memref<128xf32, #tpu.memory_space<vmem>>) target(%dma_start3A_453 : memref<10240xf32, #tpu.memory_space<vmem_shared>>) offsets(%dma_start3A_451 : memref<128xi32, #tpu.memory_space<vmem>>) semaphore(%arg21 : memref<!tpu.dma_semaphore, #tpu.memory_space<semaphore_mem>>) {add = true}
      %mul3A_454 = arith.constant 2 : i32
      %mul3A_455 = arith.muli %scan3A_416, %mul3A_454 : i32
      %add3A_456 = arith.constant 1 : i32
      %add3A_457 = arith.addi %mul3A_455, %add3A_456 : i32
      %add3A_458 = arith.constant 1 : i32
      %add3A_459 = arith.addi %add3A_457, %add3A_458 : i32
      %dma_wait3A_460 = arith.constant 0 : i32
      %dma_wait3A_461 = arith.constant 0 : i32
      %dma_wait3A_462 = tpu.memref_slice %arg13[%dma_wait3A_460, %dma_wait3A_461] : memref<10240x128xf32, #tpu.memory_space<vmem_shared>> -> memref<128x128xf32, #tpu.memory_space<vmem_shared>>
      %dma_wait3A_463 = arith.constant 0 : i32
      %dma_wait3A_464 = arith.constant 0 : i32
      %dma_wait3A_465 = tpu.memref_slice %arg13[%dma_wait3A_463, %dma_wait3A_464] : memref<10240x128xf32, #tpu.memory_space<vmem_shared>> -> memref<128x128xf32, #tpu.memory_space<vmem_shared>>
      tpu.wait_dma2 semaphore(%arg19 : memref<!tpu.dma_semaphore, #tpu.memory_space<semaphore_mem>>) src(%arg9 : memref<128x128xf32, #tpu.memory_space<vmem>>) dst(%dma_wait3A_465 : memref<128x128xf32, #tpu.memory_space<vmem_shared>>)
      %lt3A_466 = arith.constant 16 : i32
      %lt3A_467 = arith.cmpi slt, %add3A_459, %lt3A_466 : i32
      %convert_element_type3A_468 = arith.extui %lt3A_467 : i1 to i32
      %cond3A_469 = arith.constant 0 : i32
      %cond3A_470 = arith.cmpi ne, %convert_element_type3A_468, %cond3A_469 : i32
      scf.if %cond3A_470 {
        %dma_start3A_491 = arith.constant 0 : i32
        %dma_start3A_492 = arith.constant 0 : i32
        %dma_start3A_493 = tpu.memref_slice %arg8[%dma_start3A_491, %add3A_459, %dma_start3A_492] : memref<2x16x128xi32, #tpu.memory_space<vmem>> -> memref<1x1x128xi32, #tpu.memory_space<vmem>>
        %dma_start3A_494 = tpu.memref_squeeze %dma_start3A_493 : memref<1x1x128xi32, #tpu.memory_space<vmem>> -> memref<128xi32, #tpu.memory_space<vmem>>
        %dma_start3A_495 = arith.constant 0 : i32
        %dma_start3A_496 = arith.constant 0 : i32
        %dma_start3A_497 = tpu.memref_slice %arg2[%dma_start3A_495, %dma_start3A_496] : memref<10000x128xf32, #tpu.memory_space<hbm>> -> memref<10000x128xf32, #tpu.memory_space<hbm>>
        tpu.enqueue_indirect_dma source(%dma_start3A_497 : memref<10000x128xf32, #tpu.memory_space<hbm>>) target(%arg9 : memref<128x128xf32, #tpu.memory_space<vmem>>) offsets(%dma_start3A_494 : memref<128xi32, #tpu.memory_space<vmem>>) semaphore(%arg15 : memref<!tpu.dma_semaphore, #tpu.memory_space<semaphore_mem>>)
      } else {
      }
      %dma_wait3A_471 = arith.constant 0 : i32
      %dma_wait3A_472 = arith.constant 0 : i32
      %dma_wait3A_473 = tpu.memref_slice %arg8[%dma_wait3A_471, %add3A_457, %dma_wait3A_472] : memref<2x16x128xi32, #tpu.memory_space<vmem>> -> memref<1x1x128xi32, #tpu.memory_space<vmem>>
      %dma_wait3A_474 = tpu.memref_squeeze %dma_wait3A_473 : memref<1x1x128xi32, #tpu.memory_space<vmem>> -> memref<128xi32, #tpu.memory_space<vmem>>
      %dma_wait3A_475 = arith.constant 0 : i32
      %dma_wait3A_476 = arith.constant 0 : i32
      %dma_wait3A_477 = tpu.memref_slice %arg2[%dma_wait3A_475, %dma_wait3A_476] : memref<10000x128xf32, #tpu.memory_space<hbm>> -> memref<10000x128xf32, #tpu.memory_space<hbm>>
      tpu.wait_indirect_dma semaphore(%arg16 : memref<!tpu.dma_semaphore, #tpu.memory_space<semaphore_mem>>) src(%dma_wait3A_477 : memref<10000x128xf32, #tpu.memory_space<hbm>>) dst(%arg10 : memref<128x128xf32, #tpu.memory_space<vmem>>)
      %dma_start3A_478 = arith.constant 0 : i32
      %dma_start3A_479 = arith.constant 0 : i32
      %dma_start3A_480 = tpu.memref_slice %arg7[%dma_start3A_478, %add3A_457, %dma_start3A_479] : memref<2x16x128xi32, #tpu.memory_space<vmem>> -> memref<1x1x128xi32, #tpu.memory_space<vmem>>
      %dma_start3A_481 = tpu.memref_squeeze %dma_start3A_480 : memref<1x1x128xi32, #tpu.memory_space<vmem>> -> memref<128xi32, #tpu.memory_space<vmem>>
      %dma_start3A_482 = arith.constant 0 : i32
      %dma_start3A_483 = arith.constant 0 : i32
      %dma_start3A_484 = tpu.memref_slice %arg13[%dma_start3A_482, %dma_start3A_483] : memref<10240x128xf32, #tpu.memory_space<vmem_shared>> -> memref<10240x128xf32, #tpu.memory_space<vmem_shared>>
      tpu.enqueue_indirect_dma source(%arg10 : memref<128x128xf32, #tpu.memory_space<vmem>>) target(%dma_start3A_484 : memref<10240x128xf32, #tpu.memory_space<vmem_shared>>) offsets(%dma_start3A_481 : memref<128xi32, #tpu.memory_space<vmem>>) semaphore(%arg20 : memref<!tpu.dma_semaphore, #tpu.memory_space<semaphore_mem>>) {add = true}
      %dma_start3A_485 = arith.constant 0 : i32
      %dma_start3A_486 = arith.constant 0 : i32
      %dma_start3A_487 = tpu.memref_slice %arg7[%dma_start3A_485, %add3A_457, %dma_start3A_486] : memref<2x16x128xi32, #tpu.memory_space<vmem>> -> memref<1x1x128xi32, #tpu.memory_space<vmem>>
      %dma_start3A_488 = tpu.memref_squeeze %dma_start3A_487 : memref<1x1x128xi32, #tpu.memory_space<vmem>> -> memref<128xi32, #tpu.memory_space<vmem>>
      %dma_start3A_489 = arith.constant 0 : i32
      %dma_start3A_490 = tpu.memref_slice %arg14[%dma_start3A_489] : memref<10240xf32, #tpu.memory_space<vmem_shared>> -> memref<10240xf32, #tpu.memory_space<vmem_shared>>
      tpu.enqueue_indirect_dma source(%arg11 : memref<128xf32, #tpu.memory_space<vmem>>) target(%dma_start3A_490 : memref<10240xf32, #tpu.memory_space<vmem_shared>>) offsets(%dma_start3A_488 : memref<128xi32, #tpu.memory_space<vmem>>) semaphore(%arg21 : memref<!tpu.dma_semaphore, #tpu.memory_space<semaphore_mem>>) {add = true}
    }
    %scan3A_268 = arith.constant 8 : i32
    %dma_wait3A_269 = arith.constant 0 : i32
    %dma_wait3A_270 = arith.constant 0 : i32
    %dma_wait3A_271 = tpu.memref_slice %arg13[%dma_wait3A_269, %dma_wait3A_270] : memref<10240x128xf32, #tpu.memory_space<vmem_shared>> -> memref<128x128xf32, #tpu.memory_space<vmem_shared>>
    %dma_wait3A_272 = arith.constant 0 : i32
    %dma_wait3A_273 = arith.constant 0 : i32
    %dma_wait3A_274 = tpu.memref_slice %arg13[%dma_wait3A_272, %dma_wait3A_273] : memref<10240x128xf32, #tpu.memory_space<vmem_shared>> -> memref<128x128xf32, #tpu.memory_space<vmem_shared>>
    tpu.wait_dma2 semaphore(%arg20 : memref<!tpu.dma_semaphore, #tpu.memory_space<semaphore_mem>>) src(%arg10 : memref<128x128xf32, #tpu.memory_space<vmem>>) dst(%dma_wait3A_274 : memref<128x128xf32, #tpu.memory_space<vmem_shared>>)
    %scan3A_275 = arith.constant 0 : i32
    %scan3A_276 = arith.constant 0 : i32
    %scan3A_277 = arith.constant 16 : i32
    %scan3A_278 = arith.addi %scan3A_276, %scan3A_277 : i32
    %scan3A_279 = arith.constant 1 : i32
    scf.for %scan3A_416 = %scan3A_276 to %scan3A_278 step %scan3A_279  : i32 {
      %dma_wait3A_417 = arith.constant 0 : i32
      %dma_wait3A_418 = tpu.memref_slice %arg14[%dma_wait3A_417] : memref<10240xf32, #tpu.memory_space<vmem_shared>> -> memref<128xf32, #tpu.memory_space<vmem_shared>>
      %dma_wait3A_419 = arith.constant 0 : i32
      %dma_wait3A_420 = tpu.memref_slice %arg14[%dma_wait3A_419] : memref<10240xf32, #tpu.memory_space<vmem_shared>> -> memref<128xf32, #tpu.memory_space<vmem_shared>>
      tpu.wait_dma2 semaphore(%arg21 : memref<!tpu.dma_semaphore, #tpu.memory_space<semaphore_mem>>) src(%arg11 : memref<128xf32, #tpu.memory_space<vmem>>) dst(%dma_wait3A_420 : memref<128xf32, #tpu.memory_space<vmem_shared>>)
    }
    %scan3A_280 = arith.constant 16 : i32
    %dma_wait3A_281 = arith.constant 0 : i32
    %dma_wait3A_282 = arith.constant 0 : i32
    %dma_wait3A_283 = arith.constant 0 : i32
    %dma_wait3A_284 = arith.constant 0 : i32
    %dma_wait3A_285 = tpu.memref_slice %arg7[%dma_wait3A_282, %dma_wait3A_283, %dma_wait3A_284] : memref<2x16x128xi32, #tpu.memory_space<vmem>> -> memref<1x16x128xi32, #tpu.memory_space<vmem>>
    %dma_wait3A_286 = tpu.memref_squeeze %dma_wait3A_285 : memref<1x16x128xi32, #tpu.memory_space<vmem>> -> memref<16x128xi32, #tpu.memory_space<vmem>>
    %dma_wait3A_287 = arith.constant 0 : i32
    %dma_wait3A_288 = arith.constant 0 : i32
    %dma_wait3A_289 = tpu.memref_slice %arg4[%dma_wait3A_281, %dma_wait3A_287, %dma_wait3A_288] : memref<2x80x128xi32, #tpu.memory_space<hbm>> -> memref<1x16x128xi32, #tpu.memory_space<hbm>>
    %dma_wait3A_290 = tpu.memref_squeeze %dma_wait3A_289 : memref<1x16x128xi32, #tpu.memory_space<hbm>> -> memref<16x128xi32, #tpu.memory_space<hbm>>
    %dma_wait3A_291 = arith.constant 0 : i32
    %dma_wait3A_292 = arith.constant 0 : i32
    %dma_wait3A_293 = tpu.memref_slice %arg7[%dma_wait3A_282, %dma_wait3A_291, %dma_wait3A_292] : memref<2x16x128xi32, #tpu.memory_space<vmem>> -> memref<1x16x128xi32, #tpu.memory_space<vmem>>
    %dma_wait3A_294 = tpu.memref_squeeze %dma_wait3A_293 : memref<1x16x128xi32, #tpu.memory_space<vmem>> -> memref<16x128xi32, #tpu.memory_space<vmem>>
    %dma_wait3A_295 = arith.constant 0 : i32
    %dma_wait3A_296 = arith.constant 0 : i32
    %dma_wait3A_297 = tpu.memref_slice %arg4[%dma_wait3A_281, %dma_wait3A_295, %dma_wait3A_296] : memref<2x80x128xi32, #tpu.memory_space<hbm>> -> memref<1x16x128xi32, #tpu.memory_space<hbm>>
    %dma_wait3A_298 = tpu.memref_squeeze %dma_wait3A_297 : memref<1x16x128xi32, #tpu.memory_space<hbm>> -> memref<16x128xi32, #tpu.memory_space<hbm>>
    tpu.wait_dma2 semaphore(%arg17 : memref<!tpu.dma_semaphore, #tpu.memory_space<semaphore_mem>>) src(%dma_wait3A_298 : memref<16x128xi32, #tpu.memory_space<hbm>>) dst(%dma_wait3A_294 : memref<16x128xi32, #tpu.memory_space<vmem>>)
    %dma_wait3A_299 = arith.constant 1 : i32
    %dma_wait3A_300 = arith.constant 0 : i32
    %dma_wait3A_301 = arith.constant 0 : i32
    %dma_wait3A_302 = arith.constant 0 : i32
    %dma_wait3A_303 = tpu.memref_slice %arg8[%dma_wait3A_300, %dma_wait3A_301, %dma_wait3A_302] : memref<2x16x128xi32, #tpu.memory_space<vmem>> -> memref<1x16x128xi32, #tpu.memory_space<vmem>>
    %dma_wait3A_304 = tpu.memref_squeeze %dma_wait3A_303 : memref<1x16x128xi32, #tpu.memory_space<vmem>> -> memref<16x128xi32, #tpu.memory_space<vmem>>
    %dma_wait3A_305 = arith.constant 0 : i32
    %dma_wait3A_306 = arith.constant 0 : i32
    %dma_wait3A_307 = tpu.memref_slice %arg4[%dma_wait3A_299, %dma_wait3A_305, %dma_wait3A_306] : memref<2x80x128xi32, #tpu.memory_space<hbm>> -> memref<1x16x128xi32, #tpu.memory_space<hbm>>
    %dma_wait3A_308 = tpu.memref_squeeze %dma_wait3A_307 : memref<1x16x128xi32, #tpu.memory_space<hbm>> -> memref<16x128xi32, #tpu.memory_space<hbm>>
    %dma_wait3A_309 = arith.constant 0 : i32
    %dma_wait3A_310 = arith.constant 0 : i32
    %dma_wait3A_311 = tpu.memref_slice %arg8[%dma_wait3A_300, %dma_wait3A_309, %dma_wait3A_310] : memref<2x16x128xi32, #tpu.memory_space<vmem>> -> memref<1x16x128xi32, #tpu.memory_space<vmem>>
    %dma_wait3A_312 = tpu.memref_squeeze %dma_wait3A_311 : memref<1x16x128xi32, #tpu.memory_space<vmem>> -> memref<16x128xi32, #tpu.memory_space<vmem>>
    %dma_wait3A_313 = arith.constant 0 : i32
    %dma_wait3A_314 = arith.constant 0 : i32
    %dma_wait3A_315 = tpu.memref_slice %arg4[%dma_wait3A_299, %dma_wait3A_313, %dma_wait3A_314] : memref<2x80x128xi32, #tpu.memory_space<hbm>> -> memref<1x16x128xi32, #tpu.memory_space<hbm>>
    %dma_wait3A_316 = tpu.memref_squeeze %dma_wait3A_315 : memref<1x16x128xi32, #tpu.memory_space<hbm>> -> memref<16x128xi32, #tpu.memory_space<hbm>>
    tpu.wait_dma2 semaphore(%arg18 : memref<!tpu.dma_semaphore, #tpu.memory_space<semaphore_mem>>) src(%dma_wait3A_316 : memref<16x128xi32, #tpu.memory_space<hbm>>) dst(%dma_wait3A_312 : memref<16x128xi32, #tpu.memory_space<vmem>>)
    %dma_start3A_317 = arith.constant 1 : i32
    %dma_start3A_318 = arith.constant 0 : i32
    %dma_start3A_319 = arith.constant 0 : i32
    %dma_start3A_320 = tpu.memref_slice %arg8[%dma_start3A_317, %dma_start3A_318, %dma_start3A_319] : memref<2x16x128xi32, #tpu.memory_space<vmem>> -> memref<1x1x128xi32, #tpu.memory_space<vmem>>
    %dma_start3A_321 = tpu.memref_squeeze %dma_start3A_320 : memref<1x1x128xi32, #tpu.memory_space<vmem>> -> memref<128xi32, #tpu.memory_space<vmem>>
    %dma_start3A_322 = arith.constant 0 : i32
    %dma_start3A_323 = arith.constant 0 : i32
    %dma_start3A_324 = tpu.memref_slice %arg2[%dma_start3A_322, %dma_start3A_323] : memref<10000x128xf32, #tpu.memory_space<hbm>> -> memref<10000x128xf32, #tpu.memory_space<hbm>>
    tpu.enqueue_indirect_dma source(%dma_start3A_324 : memref<10000x128xf32, #tpu.memory_space<hbm>>) target(%arg9 : memref<128x128xf32, #tpu.memory_space<vmem>>) offsets(%dma_start3A_321 : memref<128xi32, #tpu.memory_space<vmem>>) semaphore(%arg15 : memref<!tpu.dma_semaphore, #tpu.memory_space<semaphore_mem>>)
    %lt3A_325 = arith.constant 31 : i32
    %lt3A_326 = arith.cmpi slt, %add3A, %lt3A_325 : i32
    %convert_element_type3A_327 = arith.extui %lt3A_326 : i1 to i32
    %cond3A_328 = arith.constant 0 : i32
    %cond3A_329 = arith.cmpi ne, %convert_element_type3A_327, %cond3A_328 : i32
    scf.if %cond3A_329 {
      %mul3A_416 = arith.constant 80 : i32
      %mul3A_417 = arith.muli %add3A, %mul3A_416 : i32
      %add3A_418 = arith.constant 64 : i32
      %add3A_419 = arith.addi %mul3A_417, %add3A_418 : i32
      %dma_start3A_420 = arith.constant 0 : i32
      %dma_start3A_421 = arith.constant 0 : i32
      %dma_start3A_422 = arith.constant 0 : i32
      %dma_start3A_423 = arith.constant 0 : i32
      %dma_start3A_424 = tpu.memref_slice %arg7[%dma_start3A_421, %dma_start3A_422, %dma_start3A_423] : memref<2x16x128xi32, #tpu.memory_space<vmem>> -> memref<1x16x128xi32, #tpu.memory_space<vmem>>
      %dma_start3A_425 = tpu.memref_squeeze %dma_start3A_424 : memref<1x16x128xi32, #tpu.memory_space<vmem>> -> memref<16x128xi32, #tpu.memory_space<vmem>>
      %dma_start3A_426 = arith.constant 0 : i32
      %dma_start3A_427 = tpu.memref_slice %arg3[%dma_start3A_420, %add3A_419, %dma_start3A_426] : memref<2x2500x128xi32, #tpu.memory_space<hbm>> -> memref<1x16x128xi32, #tpu.memory_space<hbm>>
      %dma_start3A_428 = tpu.memref_squeeze %dma_start3A_427 : memref<1x16x128xi32, #tpu.memory_space<hbm>> -> memref<16x128xi32, #tpu.memory_space<hbm>>
      %dma_start3A_429 = arith.constant 0 : i32
      %dma_start3A_430 = arith.constant 0 : i32
      %dma_start3A_431 = tpu.memref_slice %arg7[%dma_start3A_421, %dma_start3A_429, %dma_start3A_430] : memref<2x16x128xi32, #tpu.memory_space<vmem>> -> memref<1x16x128xi32, #tpu.memory_space<vmem>>
      %dma_start3A_432 = tpu.memref_squeeze %dma_start3A_431 : memref<1x16x128xi32, #tpu.memory_space<vmem>> -> memref<16x128xi32, #tpu.memory_space<vmem>>
      %dma_start3A_433 = arith.constant 0 : i32
      %dma_start3A_434 = tpu.memref_slice %arg3[%dma_start3A_420, %add3A_419, %dma_start3A_433] : memref<2x2500x128xi32, #tpu.memory_space<hbm>> -> memref<1x16x128xi32, #tpu.memory_space<hbm>>
      %dma_start3A_435 = tpu.memref_squeeze %dma_start3A_434 : memref<1x16x128xi32, #tpu.memory_space<hbm>> -> memref<16x128xi32, #tpu.memory_space<hbm>>
      tpu.enqueue_dma source(%dma_start3A_435 : memref<16x128xi32, #tpu.memory_space<hbm>>) target(%dma_start3A_432 : memref<16x128xi32, #tpu.memory_space<vmem>>) target_semaphore(%arg17 : memref<!tpu.dma_semaphore, #tpu.memory_space<semaphore_mem>>)
      %mul3A_436 = arith.constant 80 : i32
      %mul3A_437 = arith.muli %add3A, %mul3A_436 : i32
      %add3A_438 = arith.constant 64 : i32
      %add3A_439 = arith.addi %mul3A_437, %add3A_438 : i32
      %dma_start3A_440 = arith.constant 1 : i32
      %dma_start3A_441 = arith.constant 0 : i32
      %dma_start3A_442 = arith.constant 0 : i32
      %dma_start3A_443 = arith.constant 0 : i32
      %dma_start3A_444 = tpu.memref_slice %arg8[%dma_start3A_441, %dma_start3A_442, %dma_start3A_443] : memref<2x16x128xi32, #tpu.memory_space<vmem>> -> memref<1x16x128xi32, #tpu.memory_space<vmem>>
      %dma_start3A_445 = tpu.memref_squeeze %dma_start3A_444 : memref<1x16x128xi32, #tpu.memory_space<vmem>> -> memref<16x128xi32, #tpu.memory_space<vmem>>
      %dma_start3A_446 = arith.constant 0 : i32
      %dma_start3A_447 = tpu.memref_slice %arg3[%dma_start3A_440, %add3A_439, %dma_start3A_446] : memref<2x2500x128xi32, #tpu.memory_space<hbm>> -> memref<1x16x128xi32, #tpu.memory_space<hbm>>
      %dma_start3A_448 = tpu.memref_squeeze %dma_start3A_447 : memref<1x16x128xi32, #tpu.memory_space<hbm>> -> memref<16x128xi32, #tpu.memory_space<hbm>>
      %dma_start3A_449 = arith.constant 0 : i32
      %dma_start3A_450 = arith.constant 0 : i32
      %dma_start3A_451 = tpu.memref_slice %arg8[%dma_start3A_441, %dma_start3A_449, %dma_start3A_450] : memref<2x16x128xi32, #tpu.memory_space<vmem>> -> memref<1x16x128xi32, #tpu.memory_space<vmem>>
      %dma_start3A_452 = tpu.memref_squeeze %dma_start3A_451 : memref<1x16x128xi32, #tpu.memory_space<vmem>> -> memref<16x128xi32, #tpu.memory_space<vmem>>
      %dma_start3A_453 = arith.constant 0 : i32
      %dma_start3A_454 = tpu.memref_slice %arg3[%dma_start3A_440, %add3A_439, %dma_start3A_453] : memref<2x2500x128xi32, #tpu.memory_space<hbm>> -> memref<1x16x128xi32, #tpu.memory_space<hbm>>
      %dma_start3A_455 = tpu.memref_squeeze %dma_start3A_454 : memref<1x16x128xi32, #tpu.memory_space<hbm>> -> memref<16x128xi32, #tpu.memory_space<hbm>>
      tpu.enqueue_dma source(%dma_start3A_455 : memref<16x128xi32, #tpu.memory_space<hbm>>) target(%dma_start3A_452 : memref<16x128xi32, #tpu.memory_space<vmem>>) target_semaphore(%arg18 : memref<!tpu.dma_semaphore, #tpu.memory_space<semaphore_mem>>)
    } else {
    }
    %eq3A_330 = arith.constant 31 : i32
    %eq3A_331 = arith.cmpi eq, %add3A, %eq3A_330 : i32
    %convert_element_type3A_332 = arith.extui %eq3A_331 : i1 to i32
    %cond3A_333 = arith.constant 0 : i32
    %cond3A_334 = arith.cmpi ne, %convert_element_type3A_332, %cond3A_333 : i32
    scf.if %cond3A_334 {
      %dma_start3A_416 = arith.constant 0 : i32
      %dma_start3A_417 = arith.constant 0 : i32
      %dma_start3A_418 = arith.constant 0 : i32
      %dma_start3A_419 = arith.constant 0 : i32
      %dma_start3A_420 = tpu.memref_slice %arg7[%dma_start3A_417, %dma_start3A_418, %dma_start3A_419] : memref<2x16x128xi32, #tpu.memory_space<vmem>> -> memref<1x16x128xi32, #tpu.memory_space<vmem>>
      %dma_start3A_421 = tpu.memref_squeeze %dma_start3A_420 : memref<1x16x128xi32, #tpu.memory_space<vmem>> -> memref<16x128xi32, #tpu.memory_space<vmem>>
      %dma_start3A_422 = arith.constant 64 : i32
      %dma_start3A_423 = arith.constant 0 : i32
      %dma_start3A_424 = tpu.memref_slice %arg4[%dma_start3A_416, %dma_start3A_422, %dma_start3A_423] : memref<2x80x128xi32, #tpu.memory_space<hbm>> -> memref<1x16x128xi32, #tpu.memory_space<hbm>>
      %dma_start3A_425 = tpu.memref_squeeze %dma_start3A_424 : memref<1x16x128xi32, #tpu.memory_space<hbm>> -> memref<16x128xi32, #tpu.memory_space<hbm>>
      %dma_start3A_426 = arith.constant 0 : i32
      %dma_start3A_427 = arith.constant 0 : i32
      %dma_start3A_428 = tpu.memref_slice %arg7[%dma_start3A_417, %dma_start3A_426, %dma_start3A_427] : memref<2x16x128xi32, #tpu.memory_space<vmem>> -> memref<1x16x128xi32, #tpu.memory_space<vmem>>
      %dma_start3A_429 = tpu.memref_squeeze %dma_start3A_428 : memref<1x16x128xi32, #tpu.memory_space<vmem>> -> memref<16x128xi32, #tpu.memory_space<vmem>>
      %dma_start3A_430 = arith.constant 64 : i32
      %dma_start3A_431 = arith.constant 0 : i32
      %dma_start3A_432 = tpu.memref_slice %arg4[%dma_start3A_416, %dma_start3A_430, %dma_start3A_431] : memref<2x80x128xi32, #tpu.memory_space<hbm>> -> memref<1x16x128xi32, #tpu.memory_space<hbm>>
      %dma_start3A_433 = tpu.memref_squeeze %dma_start3A_432 : memref<1x16x128xi32, #tpu.memory_space<hbm>> -> memref<16x128xi32, #tpu.memory_space<hbm>>
      tpu.enqueue_dma source(%dma_start3A_433 : memref<16x128xi32, #tpu.memory_space<hbm>>) target(%dma_start3A_429 : memref<16x128xi32, #tpu.memory_space<vmem>>) target_semaphore(%arg17 : memref<!tpu.dma_semaphore, #tpu.memory_space<semaphore_mem>>)
      %dma_start3A_434 = arith.constant 1 : i32
      %dma_start3A_435 = arith.constant 0 : i32
      %dma_start3A_436 = arith.constant 0 : i32
      %dma_start3A_437 = arith.constant 0 : i32
      %dma_start3A_438 = tpu.memref_slice %arg8[%dma_start3A_435, %dma_start3A_436, %dma_start3A_437] : memref<2x16x128xi32, #tpu.memory_space<vmem>> -> memref<1x16x128xi32, #tpu.memory_space<vmem>>
      %dma_start3A_439 = tpu.memref_squeeze %dma_start3A_438 : memref<1x16x128xi32, #tpu.memory_space<vmem>> -> memref<16x128xi32, #tpu.memory_space<vmem>>
      %dma_start3A_440 = arith.constant 64 : i32
      %dma_start3A_441 = arith.constant 0 : i32
      %dma_start3A_442 = tpu.memref_slice %arg4[%dma_start3A_434, %dma_start3A_440, %dma_start3A_441] : memref<2x80x128xi32, #tpu.memory_space<hbm>> -> memref<1x16x128xi32, #tpu.memory_space<hbm>>
      %dma_start3A_443 = tpu.memref_squeeze %dma_start3A_442 : memref<1x16x128xi32, #tpu.memory_space<hbm>> -> memref<16x128xi32, #tpu.memory_space<hbm>>
      %dma_start3A_444 = arith.constant 0 : i32
      %dma_start3A_445 = arith.constant 0 : i32
      %dma_start3A_446 = tpu.memref_slice %arg8[%dma_start3A_435, %dma_start3A_444, %dma_start3A_445] : memref<2x16x128xi32, #tpu.memory_space<vmem>> -> memref<1x16x128xi32, #tpu.memory_space<vmem>>
      %dma_start3A_447 = tpu.memref_squeeze %dma_start3A_446 : memref<1x16x128xi32, #tpu.memory_space<vmem>> -> memref<16x128xi32, #tpu.memory_space<vmem>>
      %dma_start3A_448 = arith.constant 64 : i32
      %dma_start3A_449 = arith.constant 0 : i32
      %dma_start3A_450 = tpu.memref_slice %arg4[%dma_start3A_434, %dma_start3A_448, %dma_start3A_449] : memref<2x80x128xi32, #tpu.memory_space<hbm>> -> memref<1x16x128xi32, #tpu.memory_space<hbm>>
      %dma_start3A_451 = tpu.memref_squeeze %dma_start3A_450 : memref<1x16x128xi32, #tpu.memory_space<hbm>> -> memref<16x128xi32, #tpu.memory_space<hbm>>
      tpu.enqueue_dma source(%dma_start3A_451 : memref<16x128xi32, #tpu.memory_space<hbm>>) target(%dma_start3A_447 : memref<16x128xi32, #tpu.memory_space<vmem>>) target_semaphore(%arg18 : memref<!tpu.dma_semaphore, #tpu.memory_space<semaphore_mem>>)
    } else {
    }
    %scan3A_335 = arith.constant 0 : i32
    %scan3A_336 = arith.constant 0 : i32
    %scan3A_337 = arith.constant 8 : i32
    %scan3A_338 = arith.addi %scan3A_336, %scan3A_337 : i32
    %scan3A_339 = arith.constant 1 : i32
    scf.for %scan3A_416 = %scan3A_336 to %scan3A_338 step %scan3A_339  : i32 {
      %mul3A_417 = arith.constant 2 : i32
      %mul3A_418 = arith.muli %scan3A_416, %mul3A_417 : i32
      %add3A_419 = arith.constant 0 : i32
      %add3A_420 = arith.addi %mul3A_418, %add3A_419 : i32
      %add3A_421 = arith.constant 1 : i32
      %add3A_422 = arith.addi %add3A_420, %add3A_421 : i32
      %ge3A = arith.constant 1 : i32
      %ge3A_423 = arith.cmpi sge, %scan3A_416, %ge3A : i32
      %convert_element_type3A_424 = arith.extui %ge3A_423 : i1 to i32
      %cond3A_425 = arith.constant 0 : i32
      %cond3A_426 = arith.cmpi ne, %convert_element_type3A_424, %cond3A_425 : i32
      scf.if %cond3A_426 {
        %dma_wait3A_491 = arith.constant 0 : i32
        %dma_wait3A_492 = arith.constant 0 : i32
        %dma_wait3A_493 = tpu.memref_slice %arg13[%dma_wait3A_491, %dma_wait3A_492] : memref<10240x128xf32, #tpu.memory_space<vmem_shared>> -> memref<128x128xf32, #tpu.memory_space<vmem_shared>>
        %dma_wait3A_494 = arith.constant 0 : i32
        %dma_wait3A_495 = arith.constant 0 : i32
        %dma_wait3A_496 = tpu.memref_slice %arg13[%dma_wait3A_494, %dma_wait3A_495] : memref<10240x128xf32, #tpu.memory_space<vmem_shared>> -> memref<128x128xf32, #tpu.memory_space<vmem_shared>>
        tpu.wait_dma2 semaphore(%arg20 : memref<!tpu.dma_semaphore, #tpu.memory_space<semaphore_mem>>) src(%arg10 : memref<128x128xf32, #tpu.memory_space<vmem>>) dst(%dma_wait3A_496 : memref<128x128xf32, #tpu.memory_space<vmem_shared>>)
      } else {
      }
      %dma_start3A_427 = arith.constant 1 : i32
      %dma_start3A_428 = arith.constant 0 : i32
      %dma_start3A_429 = tpu.memref_slice %arg8[%dma_start3A_427, %add3A_422, %dma_start3A_428] : memref<2x16x128xi32, #tpu.memory_space<vmem>> -> memref<1x1x128xi32, #tpu.memory_space<vmem>>
      %dma_start3A_430 = tpu.memref_squeeze %dma_start3A_429 : memref<1x1x128xi32, #tpu.memory_space<vmem>> -> memref<128xi32, #tpu.memory_space<vmem>>
      %dma_start3A_431 = arith.constant 0 : i32
      %dma_start3A_432 = arith.constant 0 : i32
      %dma_start3A_433 = tpu.memref_slice %arg2[%dma_start3A_431, %dma_start3A_432] : memref<10000x128xf32, #tpu.memory_space<hbm>> -> memref<10000x128xf32, #tpu.memory_space<hbm>>
      tpu.enqueue_indirect_dma source(%dma_start3A_433 : memref<10000x128xf32, #tpu.memory_space<hbm>>) target(%arg10 : memref<128x128xf32, #tpu.memory_space<vmem>>) offsets(%dma_start3A_430 : memref<128xi32, #tpu.memory_space<vmem>>) semaphore(%arg16 : memref<!tpu.dma_semaphore, #tpu.memory_space<semaphore_mem>>)
      %dma_wait3A_434 = arith.constant 1 : i32
      %dma_wait3A_435 = arith.constant 0 : i32
      %dma_wait3A_436 = tpu.memref_slice %arg8[%dma_wait3A_434, %add3A_420, %dma_wait3A_435] : memref<2x16x128xi32, #tpu.memory_space<vmem>> -> memref<1x1x128xi32, #tpu.memory_space<vmem>>
      %dma_wait3A_437 = tpu.memref_squeeze %dma_wait3A_436 : memref<1x1x128xi32, #tpu.memory_space<vmem>> -> memref<128xi32, #tpu.memory_space<vmem>>
      %dma_wait3A_438 = arith.constant 0 : i32
      %dma_wait3A_439 = arith.constant 0 : i32
      %dma_wait3A_440 = tpu.memref_slice %arg2[%dma_wait3A_438, %dma_wait3A_439] : memref<10000x128xf32, #tpu.memory_space<hbm>> -> memref<10000x128xf32, #tpu.memory_space<hbm>>
      tpu.wait_indirect_dma semaphore(%arg15 : memref<!tpu.dma_semaphore, #tpu.memory_space<semaphore_mem>>) src(%dma_wait3A_440 : memref<10000x128xf32, #tpu.memory_space<hbm>>) dst(%arg9 : memref<128x128xf32, #tpu.memory_space<vmem>>)
      %dma_start3A_441 = arith.constant 1 : i32
      %dma_start3A_442 = arith.constant 0 : i32
      %dma_start3A_443 = tpu.memref_slice %arg7[%dma_start3A_441, %add3A_420, %dma_start3A_442] : memref<2x16x128xi32, #tpu.memory_space<vmem>> -> memref<1x1x128xi32, #tpu.memory_space<vmem>>
      %dma_start3A_444 = tpu.memref_squeeze %dma_start3A_443 : memref<1x1x128xi32, #tpu.memory_space<vmem>> -> memref<128xi32, #tpu.memory_space<vmem>>
      %dma_start3A_445 = arith.constant 0 : i32
      %dma_start3A_446 = arith.constant 0 : i32
      %dma_start3A_447 = tpu.memref_slice %arg13[%dma_start3A_445, %dma_start3A_446] : memref<10240x128xf32, #tpu.memory_space<vmem_shared>> -> memref<10240x128xf32, #tpu.memory_space<vmem_shared>>
      tpu.enqueue_indirect_dma source(%arg9 : memref<128x128xf32, #tpu.memory_space<vmem>>) target(%dma_start3A_447 : memref<10240x128xf32, #tpu.memory_space<vmem_shared>>) offsets(%dma_start3A_444 : memref<128xi32, #tpu.memory_space<vmem>>) semaphore(%arg19 : memref<!tpu.dma_semaphore, #tpu.memory_space<semaphore_mem>>) {add = true}
      %dma_start3A_448 = arith.constant 1 : i32
      %dma_start3A_449 = arith.constant 0 : i32
      %dma_start3A_450 = tpu.memref_slice %arg7[%dma_start3A_448, %add3A_420, %dma_start3A_449] : memref<2x16x128xi32, #tpu.memory_space<vmem>> -> memref<1x1x128xi32, #tpu.memory_space<vmem>>
      %dma_start3A_451 = tpu.memref_squeeze %dma_start3A_450 : memref<1x1x128xi32, #tpu.memory_space<vmem>> -> memref<128xi32, #tpu.memory_space<vmem>>
      %dma_start3A_452 = arith.constant 0 : i32
      %dma_start3A_453 = tpu.memref_slice %arg14[%dma_start3A_452] : memref<10240xf32, #tpu.memory_space<vmem_shared>> -> memref<10240xf32, #tpu.memory_space<vmem_shared>>
      tpu.enqueue_indirect_dma source(%arg11 : memref<128xf32, #tpu.memory_space<vmem>>) target(%dma_start3A_453 : memref<10240xf32, #tpu.memory_space<vmem_shared>>) offsets(%dma_start3A_451 : memref<128xi32, #tpu.memory_space<vmem>>) semaphore(%arg21 : memref<!tpu.dma_semaphore, #tpu.memory_space<semaphore_mem>>) {add = true}
      %mul3A_454 = arith.constant 2 : i32
      %mul3A_455 = arith.muli %scan3A_416, %mul3A_454 : i32
      %add3A_456 = arith.constant 1 : i32
      %add3A_457 = arith.addi %mul3A_455, %add3A_456 : i32
      %add3A_458 = arith.constant 1 : i32
      %add3A_459 = arith.addi %add3A_457, %add3A_458 : i32
      %dma_wait3A_460 = arith.constant 0 : i32
      %dma_wait3A_461 = arith.constant 0 : i32
      %dma_wait3A_462 = tpu.memref_slice %arg13[%dma_wait3A_460, %dma_wait3A_461] : memref<10240x128xf32, #tpu.memory_space<vmem_shared>> -> memref<128x128xf32, #tpu.memory_space<vmem_shared>>
      %dma_wait3A_463 = arith.constant 0 : i32
      %dma_wait3A_464 = arith.constant 0 : i32
      %dma_wait3A_465 = tpu.memref_slice %arg13[%dma_wait3A_463, %dma_wait3A_464] : memref<10240x128xf32, #tpu.memory_space<vmem_shared>> -> memref<128x128xf32, #tpu.memory_space<vmem_shared>>
      tpu.wait_dma2 semaphore(%arg19 : memref<!tpu.dma_semaphore, #tpu.memory_space<semaphore_mem>>) src(%arg9 : memref<128x128xf32, #tpu.memory_space<vmem>>) dst(%dma_wait3A_465 : memref<128x128xf32, #tpu.memory_space<vmem_shared>>)
      %lt3A_466 = arith.constant 16 : i32
      %lt3A_467 = arith.cmpi slt, %add3A_459, %lt3A_466 : i32
      %convert_element_type3A_468 = arith.extui %lt3A_467 : i1 to i32
      %cond3A_469 = arith.constant 0 : i32
      %cond3A_470 = arith.cmpi ne, %convert_element_type3A_468, %cond3A_469 : i32
      scf.if %cond3A_470 {
        %dma_start3A_491 = arith.constant 1 : i32
        %dma_start3A_492 = arith.constant 0 : i32
        %dma_start3A_493 = tpu.memref_slice %arg8[%dma_start3A_491, %add3A_459, %dma_start3A_492] : memref<2x16x128xi32, #tpu.memory_space<vmem>> -> memref<1x1x128xi32, #tpu.memory_space<vmem>>
        %dma_start3A_494 = tpu.memref_squeeze %dma_start3A_493 : memref<1x1x128xi32, #tpu.memory_space<vmem>> -> memref<128xi32, #tpu.memory_space<vmem>>
        %dma_start3A_495 = arith.constant 0 : i32
        %dma_start3A_496 = arith.constant 0 : i32
        %dma_start3A_497 = tpu.memref_slice %arg2[%dma_start3A_495, %dma_start3A_496] : memref<10000x128xf32, #tpu.memory_space<hbm>> -> memref<10000x128xf32, #tpu.memory_space<hbm>>
        tpu.enqueue_indirect_dma source(%dma_start3A_497 : memref<10000x128xf32, #tpu.memory_space<hbm>>) target(%arg9 : memref<128x128xf32, #tpu.memory_space<vmem>>) offsets(%dma_start3A_494 : memref<128xi32, #tpu.memory_space<vmem>>) semaphore(%arg15 : memref<!tpu.dma_semaphore, #tpu.memory_space<semaphore_mem>>)
      } else {
      }
      %dma_wait3A_471 = arith.constant 1 : i32
      %dma_wait3A_472 = arith.constant 0 : i32
      %dma_wait3A_473 = tpu.memref_slice %arg8[%dma_wait3A_471, %add3A_457, %dma_wait3A_472] : memref<2x16x128xi32, #tpu.memory_space<vmem>> -> memref<1x1x128xi32, #tpu.memory_space<vmem>>
      %dma_wait3A_474 = tpu.memref_squeeze %dma_wait3A_473 : memref<1x1x128xi32, #tpu.memory_space<vmem>> -> memref<128xi32, #tpu.memory_space<vmem>>
      %dma_wait3A_475 = arith.constant 0 : i32
      %dma_wait3A_476 = arith.constant 0 : i32
      %dma_wait3A_477 = tpu.memref_slice %arg2[%dma_wait3A_475, %dma_wait3A_476] : memref<10000x128xf32, #tpu.memory_space<hbm>> -> memref<10000x128xf32, #tpu.memory_space<hbm>>
      tpu.wait_indirect_dma semaphore(%arg16 : memref<!tpu.dma_semaphore, #tpu.memory_space<semaphore_mem>>) src(%dma_wait3A_477 : memref<10000x128xf32, #tpu.memory_space<hbm>>) dst(%arg10 : memref<128x128xf32, #tpu.memory_space<vmem>>)
      %dma_start3A_478 = arith.constant 1 : i32
      %dma_start3A_479 = arith.constant 0 : i32
      %dma_start3A_480 = tpu.memref_slice %arg7[%dma_start3A_478, %add3A_457, %dma_start3A_479] : memref<2x16x128xi32, #tpu.memory_space<vmem>> -> memref<1x1x128xi32, #tpu.memory_space<vmem>>
      %dma_start3A_481 = tpu.memref_squeeze %dma_start3A_480 : memref<1x1x128xi32, #tpu.memory_space<vmem>> -> memref<128xi32, #tpu.memory_space<vmem>>
      %dma_start3A_482 = arith.constant 0 : i32
      %dma_start3A_483 = arith.constant 0 : i32
      %dma_start3A_484 = tpu.memref_slice %arg13[%dma_start3A_482, %dma_start3A_483] : memref<10240x128xf32, #tpu.memory_space<vmem_shared>> -> memref<10240x128xf32, #tpu.memory_space<vmem_shared>>
      tpu.enqueue_indirect_dma source(%arg10 : memref<128x128xf32, #tpu.memory_space<vmem>>) target(%dma_start3A_484 : memref<10240x128xf32, #tpu.memory_space<vmem_shared>>) offsets(%dma_start3A_481 : memref<128xi32, #tpu.memory_space<vmem>>) semaphore(%arg20 : memref<!tpu.dma_semaphore, #tpu.memory_space<semaphore_mem>>) {add = true}
      %dma_start3A_485 = arith.constant 1 : i32
      %dma_start3A_486 = arith.constant 0 : i32
      %dma_start3A_487 = tpu.memref_slice %arg7[%dma_start3A_485, %add3A_457, %dma_start3A_486] : memref<2x16x128xi32, #tpu.memory_space<vmem>> -> memref<1x1x128xi32, #tpu.memory_space<vmem>>
      %dma_start3A_488 = tpu.memref_squeeze %dma_start3A_487 : memref<1x1x128xi32, #tpu.memory_space<vmem>> -> memref<128xi32, #tpu.memory_space<vmem>>
      %dma_start3A_489 = arith.constant 0 : i32
      %dma_start3A_490 = tpu.memref_slice %arg14[%dma_start3A_489] : memref<10240xf32, #tpu.memory_space<vmem_shared>> -> memref<10240xf32, #tpu.memory_space<vmem_shared>>
      tpu.enqueue_indirect_dma source(%arg11 : memref<128xf32, #tpu.memory_space<vmem>>) target(%dma_start3A_490 : memref<10240xf32, #tpu.memory_space<vmem_shared>>) offsets(%dma_start3A_488 : memref<128xi32, #tpu.memory_space<vmem>>) semaphore(%arg21 : memref<!tpu.dma_semaphore, #tpu.memory_space<semaphore_mem>>) {add = true}
    }
    %scan3A_340 = arith.constant 8 : i32
    %dma_wait3A_341 = arith.constant 0 : i32
    %dma_wait3A_342 = arith.constant 0 : i32
    %dma_wait3A_343 = tpu.memref_slice %arg13[%dma_wait3A_341, %dma_wait3A_342] : memref<10240x128xf32, #tpu.memory_space<vmem_shared>> -> memref<128x128xf32, #tpu.memory_space<vmem_shared>>
    %dma_wait3A_344 = arith.constant 0 : i32
    %dma_wait3A_345 = arith.constant 0 : i32
    %dma_wait3A_346 = tpu.memref_slice %arg13[%dma_wait3A_344, %dma_wait3A_345] : memref<10240x128xf32, #tpu.memory_space<vmem_shared>> -> memref<128x128xf32, #tpu.memory_space<vmem_shared>>
    tpu.wait_dma2 semaphore(%arg20 : memref<!tpu.dma_semaphore, #tpu.memory_space<semaphore_mem>>) src(%arg10 : memref<128x128xf32, #tpu.memory_space<vmem>>) dst(%dma_wait3A_346 : memref<128x128xf32, #tpu.memory_space<vmem_shared>>)
    %scan3A_347 = arith.constant 0 : i32
    %scan3A_348 = arith.constant 0 : i32
    %scan3A_349 = arith.constant 16 : i32
    %scan3A_350 = arith.addi %scan3A_348, %scan3A_349 : i32
    %scan3A_351 = arith.constant 1 : i32
    scf.for %scan3A_416 = %scan3A_348 to %scan3A_350 step %scan3A_351  : i32 {
      %dma_wait3A_417 = arith.constant 0 : i32
      %dma_wait3A_418 = tpu.memref_slice %arg14[%dma_wait3A_417] : memref<10240xf32, #tpu.memory_space<vmem_shared>> -> memref<128xf32, #tpu.memory_space<vmem_shared>>
      %dma_wait3A_419 = arith.constant 0 : i32
      %dma_wait3A_420 = tpu.memref_slice %arg14[%dma_wait3A_419] : memref<10240xf32, #tpu.memory_space<vmem_shared>> -> memref<128xf32, #tpu.memory_space<vmem_shared>>
      tpu.wait_dma2 semaphore(%arg21 : memref<!tpu.dma_semaphore, #tpu.memory_space<semaphore_mem>>) src(%arg11 : memref<128xf32, #tpu.memory_space<vmem>>) dst(%dma_wait3A_420 : memref<128xf32, #tpu.memory_space<vmem_shared>>)
    }
    %scan3A_352 = arith.constant 16 : i32
    %dma_wait3A_353 = arith.constant 0 : i32
    %dma_wait3A_354 = arith.constant 0 : i32
    %dma_wait3A_355 = arith.constant 0 : i32
    %dma_wait3A_356 = arith.constant 0 : i32
    %dma_wait3A_357 = tpu.memref_slice %arg7[%dma_wait3A_354, %dma_wait3A_355, %dma_wait3A_356] : memref<2x16x128xi32, #tpu.memory_space<vmem>> -> memref<1x16x128xi32, #tpu.memory_space<vmem>>
    %dma_wait3A_358 = tpu.memref_squeeze %dma_wait3A_357 : memref<1x16x128xi32, #tpu.memory_space<vmem>> -> memref<16x128xi32, #tpu.memory_space<vmem>>
    %dma_wait3A_359 = arith.constant 0 : i32
    %dma_wait3A_360 = arith.constant 0 : i32
    %dma_wait3A_361 = tpu.memref_slice %arg4[%dma_wait3A_353, %dma_wait3A_359, %dma_wait3A_360] : memref<2x80x128xi32, #tpu.memory_space<hbm>> -> memref<1x16x128xi32, #tpu.memory_space<hbm>>
    %dma_wait3A_362 = tpu.memref_squeeze %dma_wait3A_361 : memref<1x16x128xi32, #tpu.memory_space<hbm>> -> memref<16x128xi32, #tpu.memory_space<hbm>>
    %dma_wait3A_363 = arith.constant 0 : i32
    %dma_wait3A_364 = arith.constant 0 : i32
    %dma_wait3A_365 = tpu.memref_slice %arg7[%dma_wait3A_354, %dma_wait3A_363, %dma_wait3A_364] : memref<2x16x128xi32, #tpu.memory_space<vmem>> -> memref<1x16x128xi32, #tpu.memory_space<vmem>>
    %dma_wait3A_366 = tpu.memref_squeeze %dma_wait3A_365 : memref<1x16x128xi32, #tpu.memory_space<vmem>> -> memref<16x128xi32, #tpu.memory_space<vmem>>
    %dma_wait3A_367 = arith.constant 0 : i32
    %dma_wait3A_368 = arith.constant 0 : i32
    %dma_wait3A_369 = tpu.memref_slice %arg4[%dma_wait3A_353, %dma_wait3A_367, %dma_wait3A_368] : memref<2x80x128xi32, #tpu.memory_space<hbm>> -> memref<1x16x128xi32, #tpu.memory_space<hbm>>
    %dma_wait3A_370 = tpu.memref_squeeze %dma_wait3A_369 : memref<1x16x128xi32, #tpu.memory_space<hbm>> -> memref<16x128xi32, #tpu.memory_space<hbm>>
    tpu.wait_dma2 semaphore(%arg17 : memref<!tpu.dma_semaphore, #tpu.memory_space<semaphore_mem>>) src(%dma_wait3A_370 : memref<16x128xi32, #tpu.memory_space<hbm>>) dst(%dma_wait3A_366 : memref<16x128xi32, #tpu.memory_space<vmem>>)
    %dma_wait3A_371 = arith.constant 1 : i32
    %dma_wait3A_372 = arith.constant 0 : i32
    %dma_wait3A_373 = arith.constant 0 : i32
    %dma_wait3A_374 = arith.constant 0 : i32
    %dma_wait3A_375 = tpu.memref_slice %arg8[%dma_wait3A_372, %dma_wait3A_373, %dma_wait3A_374] : memref<2x16x128xi32, #tpu.memory_space<vmem>> -> memref<1x16x128xi32, #tpu.memory_space<vmem>>
    %dma_wait3A_376 = tpu.memref_squeeze %dma_wait3A_375 : memref<1x16x128xi32, #tpu.memory_space<vmem>> -> memref<16x128xi32, #tpu.memory_space<vmem>>
    %dma_wait3A_377 = arith.constant 0 : i32
    %dma_wait3A_378 = arith.constant 0 : i32
    %dma_wait3A_379 = tpu.memref_slice %arg4[%dma_wait3A_371, %dma_wait3A_377, %dma_wait3A_378] : memref<2x80x128xi32, #tpu.memory_space<hbm>> -> memref<1x16x128xi32, #tpu.memory_space<hbm>>
    %dma_wait3A_380 = tpu.memref_squeeze %dma_wait3A_379 : memref<1x16x128xi32, #tpu.memory_space<hbm>> -> memref<16x128xi32, #tpu.memory_space<hbm>>
    %dma_wait3A_381 = arith.constant 0 : i32
    %dma_wait3A_382 = arith.constant 0 : i32
    %dma_wait3A_383 = tpu.memref_slice %arg8[%dma_wait3A_372, %dma_wait3A_381, %dma_wait3A_382] : memref<2x16x128xi32, #tpu.memory_space<vmem>> -> memref<1x16x128xi32, #tpu.memory_space<vmem>>
    %dma_wait3A_384 = tpu.memref_squeeze %dma_wait3A_383 : memref<1x16x128xi32, #tpu.memory_space<vmem>> -> memref<16x128xi32, #tpu.memory_space<vmem>>
    %dma_wait3A_385 = arith.constant 0 : i32
    %dma_wait3A_386 = arith.constant 0 : i32
    %dma_wait3A_387 = tpu.memref_slice %arg4[%dma_wait3A_371, %dma_wait3A_385, %dma_wait3A_386] : memref<2x80x128xi32, #tpu.memory_space<hbm>> -> memref<1x16x128xi32, #tpu.memory_space<hbm>>
    %dma_wait3A_388 = tpu.memref_squeeze %dma_wait3A_387 : memref<1x16x128xi32, #tpu.memory_space<hbm>> -> memref<16x128xi32, #tpu.memory_space<hbm>>
    tpu.wait_dma2 semaphore(%arg18 : memref<!tpu.dma_semaphore, #tpu.memory_space<semaphore_mem>>) src(%dma_wait3A_388 : memref<16x128xi32, #tpu.memory_space<hbm>>) dst(%dma_wait3A_384 : memref<16x128xi32, #tpu.memory_space<vmem>>)
    %dma_start3A_389 = arith.constant 0 : i32
    %dma_start3A_390 = arith.constant 0 : i32
    %dma_start3A_391 = arith.constant 0 : i32
    %dma_start3A_392 = tpu.memref_slice %arg8[%dma_start3A_389, %dma_start3A_390, %dma_start3A_391] : memref<2x16x128xi32, #tpu.memory_space<vmem>> -> memref<1x1x128xi32, #tpu.memory_space<vmem>>
    %dma_start3A_393 = tpu.memref_squeeze %dma_start3A_392 : memref<1x1x128xi32, #tpu.memory_space<vmem>> -> memref<128xi32, #tpu.memory_space<vmem>>
    %dma_start3A_394 = arith.constant 0 : i32
    %dma_start3A_395 = arith.constant 0 : i32
    %dma_start3A_396 = tpu.memref_slice %arg2[%dma_start3A_394, %dma_start3A_395] : memref<10000x128xf32, #tpu.memory_space<hbm>> -> memref<10000x128xf32, #tpu.memory_space<hbm>>
    tpu.enqueue_indirect_dma source(%dma_start3A_396 : memref<10000x128xf32, #tpu.memory_space<hbm>>) target(%arg9 : memref<128x128xf32, #tpu.memory_space<vmem>>) offsets(%dma_start3A_393 : memref<128xi32, #tpu.memory_space<vmem>>) semaphore(%arg15 : memref<!tpu.dma_semaphore, #tpu.memory_space<semaphore_mem>>)
    %scan3A_397 = arith.constant 0 : i32
    %scan3A_398 = arith.constant 0 : i32
    %scan3A_399 = arith.constant 8 : i32
    %scan3A_400 = arith.addi %scan3A_398, %scan3A_399 : i32
    %scan3A_401 = arith.constant 1 : i32
    scf.for %scan3A_416 = %scan3A_398 to %scan3A_400 step %scan3A_401  : i32 {
      %mul3A_417 = arith.constant 2 : i32
      %mul3A_418 = arith.muli %scan3A_416, %mul3A_417 : i32
      %add3A_419 = arith.constant 0 : i32
      %add3A_420 = arith.addi %mul3A_418, %add3A_419 : i32
      %add3A_421 = arith.constant 1 : i32
      %add3A_422 = arith.addi %add3A_420, %add3A_421 : i32
      %ge3A = arith.constant 1 : i32
      %ge3A_423 = arith.cmpi sge, %scan3A_416, %ge3A : i32
      %convert_element_type3A_424 = arith.extui %ge3A_423 : i1 to i32
      %cond3A_425 = arith.constant 0 : i32
      %cond3A_426 = arith.cmpi ne, %convert_element_type3A_424, %cond3A_425 : i32
      scf.if %cond3A_426 {
        %dma_wait3A_491 = arith.constant 0 : i32
        %dma_wait3A_492 = arith.constant 0 : i32
        %dma_wait3A_493 = tpu.memref_slice %arg13[%dma_wait3A_491, %dma_wait3A_492] : memref<10240x128xf32, #tpu.memory_space<vmem_shared>> -> memref<128x128xf32, #tpu.memory_space<vmem_shared>>
        %dma_wait3A_494 = arith.constant 0 : i32
        %dma_wait3A_495 = arith.constant 0 : i32
        %dma_wait3A_496 = tpu.memref_slice %arg13[%dma_wait3A_494, %dma_wait3A_495] : memref<10240x128xf32, #tpu.memory_space<vmem_shared>> -> memref<128x128xf32, #tpu.memory_space<vmem_shared>>
        tpu.wait_dma2 semaphore(%arg20 : memref<!tpu.dma_semaphore, #tpu.memory_space<semaphore_mem>>) src(%arg10 : memref<128x128xf32, #tpu.memory_space<vmem>>) dst(%dma_wait3A_496 : memref<128x128xf32, #tpu.memory_space<vmem_shared>>)
      } else {
      }
      %dma_start3A_427 = arith.constant 0 : i32
      %dma_start3A_428 = arith.constant 0 : i32
      %dma_start3A_429 = tpu.memref_slice %arg8[%dma_start3A_427, %add3A_422, %dma_start3A_428] : memref<2x16x128xi32, #tpu.memory_space<vmem>> -> memref<1x1x128xi32, #tpu.memory_space<vmem>>
      %dma_start3A_430 = tpu.memref_squeeze %dma_start3A_429 : memref<1x1x128xi32, #tpu.memory_space<vmem>> -> memref<128xi32, #tpu.memory_space<vmem>>
      %dma_start3A_431 = arith.constant 0 : i32
      %dma_start3A_432 = arith.constant 0 : i32
      %dma_start3A_433 = tpu.memref_slice %arg2[%dma_start3A_431, %dma_start3A_432] : memref<10000x128xf32, #tpu.memory_space<hbm>> -> memref<10000x128xf32, #tpu.memory_space<hbm>>
      tpu.enqueue_indirect_dma source(%dma_start3A_433 : memref<10000x128xf32, #tpu.memory_space<hbm>>) target(%arg10 : memref<128x128xf32, #tpu.memory_space<vmem>>) offsets(%dma_start3A_430 : memref<128xi32, #tpu.memory_space<vmem>>) semaphore(%arg16 : memref<!tpu.dma_semaphore, #tpu.memory_space<semaphore_mem>>)
      %dma_wait3A_434 = arith.constant 0 : i32
      %dma_wait3A_435 = arith.constant 0 : i32
      %dma_wait3A_436 = tpu.memref_slice %arg8[%dma_wait3A_434, %add3A_420, %dma_wait3A_435] : memref<2x16x128xi32, #tpu.memory_space<vmem>> -> memref<1x1x128xi32, #tpu.memory_space<vmem>>
      %dma_wait3A_437 = tpu.memref_squeeze %dma_wait3A_436 : memref<1x1x128xi32, #tpu.memory_space<vmem>> -> memref<128xi32, #tpu.memory_space<vmem>>
      %dma_wait3A_438 = arith.constant 0 : i32
      %dma_wait3A_439 = arith.constant 0 : i32
      %dma_wait3A_440 = tpu.memref_slice %arg2[%dma_wait3A_438, %dma_wait3A_439] : memref<10000x128xf32, #tpu.memory_space<hbm>> -> memref<10000x128xf32, #tpu.memory_space<hbm>>
      tpu.wait_indirect_dma semaphore(%arg15 : memref<!tpu.dma_semaphore, #tpu.memory_space<semaphore_mem>>) src(%dma_wait3A_440 : memref<10000x128xf32, #tpu.memory_space<hbm>>) dst(%arg9 : memref<128x128xf32, #tpu.memory_space<vmem>>)
      %dma_start3A_441 = arith.constant 0 : i32
      %dma_start3A_442 = arith.constant 0 : i32
      %dma_start3A_443 = tpu.memref_slice %arg7[%dma_start3A_441, %add3A_420, %dma_start3A_442] : memref<2x16x128xi32, #tpu.memory_space<vmem>> -> memref<1x1x128xi32, #tpu.memory_space<vmem>>
      %dma_start3A_444 = tpu.memref_squeeze %dma_start3A_443 : memref<1x1x128xi32, #tpu.memory_space<vmem>> -> memref<128xi32, #tpu.memory_space<vmem>>
      %dma_start3A_445 = arith.constant 0 : i32
      %dma_start3A_446 = arith.constant 0 : i32
      %dma_start3A_447 = tpu.memref_slice %arg13[%dma_start3A_445, %dma_start3A_446] : memref<10240x128xf32, #tpu.memory_space<vmem_shared>> -> memref<10240x128xf32, #tpu.memory_space<vmem_shared>>
      tpu.enqueue_indirect_dma source(%arg9 : memref<128x128xf32, #tpu.memory_space<vmem>>) target(%dma_start3A_447 : memref<10240x128xf32, #tpu.memory_space<vmem_shared>>) offsets(%dma_start3A_444 : memref<128xi32, #tpu.memory_space<vmem>>) semaphore(%arg19 : memref<!tpu.dma_semaphore, #tpu.memory_space<semaphore_mem>>) {add = true}
      %dma_start3A_448 = arith.constant 0 : i32
      %dma_start3A_449 = arith.constant 0 : i32
      %dma_start3A_450 = tpu.memref_slice %arg7[%dma_start3A_448, %add3A_420, %dma_start3A_449] : memref<2x16x128xi32, #tpu.memory_space<vmem>> -> memref<1x1x128xi32, #tpu.memory_space<vmem>>
      %dma_start3A_451 = tpu.memref_squeeze %dma_start3A_450 : memref<1x1x128xi32, #tpu.memory_space<vmem>> -> memref<128xi32, #tpu.memory_space<vmem>>
      %dma_start3A_452 = arith.constant 0 : i32
      %dma_start3A_453 = tpu.memref_slice %arg14[%dma_start3A_452] : memref<10240xf32, #tpu.memory_space<vmem_shared>> -> memref<10240xf32, #tpu.memory_space<vmem_shared>>
      tpu.enqueue_indirect_dma source(%arg11 : memref<128xf32, #tpu.memory_space<vmem>>) target(%dma_start3A_453 : memref<10240xf32, #tpu.memory_space<vmem_shared>>) offsets(%dma_start3A_451 : memref<128xi32, #tpu.memory_space<vmem>>) semaphore(%arg21 : memref<!tpu.dma_semaphore, #tpu.memory_space<semaphore_mem>>) {add = true}
      %mul3A_454 = arith.constant 2 : i32
      %mul3A_455 = arith.muli %scan3A_416, %mul3A_454 : i32
      %add3A_456 = arith.constant 1 : i32
      %add3A_457 = arith.addi %mul3A_455, %add3A_456 : i32
      %add3A_458 = arith.constant 1 : i32
      %add3A_459 = arith.addi %add3A_457, %add3A_458 : i32
      %dma_wait3A_460 = arith.constant 0 : i32
      %dma_wait3A_461 = arith.constant 0 : i32
      %dma_wait3A_462 = tpu.memref_slice %arg13[%dma_wait3A_460, %dma_wait3A_461] : memref<10240x128xf32, #tpu.memory_space<vmem_shared>> -> memref<128x128xf32, #tpu.memory_space<vmem_shared>>
      %dma_wait3A_463 = arith.constant 0 : i32
      %dma_wait3A_464 = arith.constant 0 : i32
      %dma_wait3A_465 = tpu.memref_slice %arg13[%dma_wait3A_463, %dma_wait3A_464] : memref<10240x128xf32, #tpu.memory_space<vmem_shared>> -> memref<128x128xf32, #tpu.memory_space<vmem_shared>>
      tpu.wait_dma2 semaphore(%arg19 : memref<!tpu.dma_semaphore, #tpu.memory_space<semaphore_mem>>) src(%arg9 : memref<128x128xf32, #tpu.memory_space<vmem>>) dst(%dma_wait3A_465 : memref<128x128xf32, #tpu.memory_space<vmem_shared>>)
      %lt3A_466 = arith.constant 16 : i32
      %lt3A_467 = arith.cmpi slt, %add3A_459, %lt3A_466 : i32
      %convert_element_type3A_468 = arith.extui %lt3A_467 : i1 to i32
      %cond3A_469 = arith.constant 0 : i32
      %cond3A_470 = arith.cmpi ne, %convert_element_type3A_468, %cond3A_469 : i32
      scf.if %cond3A_470 {
        %dma_start3A_491 = arith.constant 0 : i32
        %dma_start3A_492 = arith.constant 0 : i32
        %dma_start3A_493 = tpu.memref_slice %arg8[%dma_start3A_491, %add3A_459, %dma_start3A_492] : memref<2x16x128xi32, #tpu.memory_space<vmem>> -> memref<1x1x128xi32, #tpu.memory_space<vmem>>
        %dma_start3A_494 = tpu.memref_squeeze %dma_start3A_493 : memref<1x1x128xi32, #tpu.memory_space<vmem>> -> memref<128xi32, #tpu.memory_space<vmem>>
        %dma_start3A_495 = arith.constant 0 : i32
        %dma_start3A_496 = arith.constant 0 : i32
        %dma_start3A_497 = tpu.memref_slice %arg2[%dma_start3A_495, %dma_start3A_496] : memref<10000x128xf32, #tpu.memory_space<hbm>> -> memref<10000x128xf32, #tpu.memory_space<hbm>>
        tpu.enqueue_indirect_dma source(%dma_start3A_497 : memref<10000x128xf32, #tpu.memory_space<hbm>>) target(%arg9 : memref<128x128xf32, #tpu.memory_space<vmem>>) offsets(%dma_start3A_494 : memref<128xi32, #tpu.memory_space<vmem>>) semaphore(%arg15 : memref<!tpu.dma_semaphore, #tpu.memory_space<semaphore_mem>>)
      } else {
      }
      %dma_wait3A_471 = arith.constant 0 : i32
      %dma_wait3A_472 = arith.constant 0 : i32
      %dma_wait3A_473 = tpu.memref_slice %arg8[%dma_wait3A_471, %add3A_457, %dma_wait3A_472] : memref<2x16x128xi32, #tpu.memory_space<vmem>> -> memref<1x1x128xi32, #tpu.memory_space<vmem>>
      %dma_wait3A_474 = tpu.memref_squeeze %dma_wait3A_473 : memref<1x1x128xi32, #tpu.memory_space<vmem>> -> memref<128xi32, #tpu.memory_space<vmem>>
      %dma_wait3A_475 = arith.constant 0 : i32
      %dma_wait3A_476 = arith.constant 0 : i32
      %dma_wait3A_477 = tpu.memref_slice %arg2[%dma_wait3A_475, %dma_wait3A_476] : memref<10000x128xf32, #tpu.memory_space<hbm>> -> memref<10000x128xf32, #tpu.memory_space<hbm>>
      tpu.wait_indirect_dma semaphore(%arg16 : memref<!tpu.dma_semaphore, #tpu.memory_space<semaphore_mem>>) src(%dma_wait3A_477 : memref<10000x128xf32, #tpu.memory_space<hbm>>) dst(%arg10 : memref<128x128xf32, #tpu.memory_space<vmem>>)
      %dma_start3A_478 = arith.constant 0 : i32
      %dma_start3A_479 = arith.constant 0 : i32
      %dma_start3A_480 = tpu.memref_slice %arg7[%dma_start3A_478, %add3A_457, %dma_start3A_479] : memref<2x16x128xi32, #tpu.memory_space<vmem>> -> memref<1x1x128xi32, #tpu.memory_space<vmem>>
      %dma_start3A_481 = tpu.memref_squeeze %dma_start3A_480 : memref<1x1x128xi32, #tpu.memory_space<vmem>> -> memref<128xi32, #tpu.memory_space<vmem>>
      %dma_start3A_482 = arith.constant 0 : i32
      %dma_start3A_483 = arith.constant 0 : i32
      %dma_start3A_484 = tpu.memref_slice %arg13[%dma_start3A_482, %dma_start3A_483] : memref<10240x128xf32, #tpu.memory_space<vmem_shared>> -> memref<10240x128xf32, #tpu.memory_space<vmem_shared>>
      tpu.enqueue_indirect_dma source(%arg10 : memref<128x128xf32, #tpu.memory_space<vmem>>) target(%dma_start3A_484 : memref<10240x128xf32, #tpu.memory_space<vmem_shared>>) offsets(%dma_start3A_481 : memref<128xi32, #tpu.memory_space<vmem>>) semaphore(%arg20 : memref<!tpu.dma_semaphore, #tpu.memory_space<semaphore_mem>>) {add = true}
      %dma_start3A_485 = arith.constant 0 : i32
      %dma_start3A_486 = arith.constant 0 : i32
      %dma_start3A_487 = tpu.memref_slice %arg7[%dma_start3A_485, %add3A_457, %dma_start3A_486] : memref<2x16x128xi32, #tpu.memory_space<vmem>> -> memref<1x1x128xi32, #tpu.memory_space<vmem>>
      %dma_start3A_488 = tpu.memref_squeeze %dma_start3A_487 : memref<1x1x128xi32, #tpu.memory_space<vmem>> -> memref<128xi32, #tpu.memory_space<vmem>>
      %dma_start3A_489 = arith.constant 0 : i32
      %dma_start3A_490 = tpu.memref_slice %arg14[%dma_start3A_489] : memref<10240xf32, #tpu.memory_space<vmem_shared>> -> memref<10240xf32, #tpu.memory_space<vmem_shared>>
      tpu.enqueue_indirect_dma source(%arg11 : memref<128xf32, #tpu.memory_space<vmem>>) target(%dma_start3A_490 : memref<10240xf32, #tpu.memory_space<vmem_shared>>) offsets(%dma_start3A_488 : memref<128xi32, #tpu.memory_space<vmem>>) semaphore(%arg21 : memref<!tpu.dma_semaphore, #tpu.memory_space<semaphore_mem>>) {add = true}
    }
    %scan3A_402 = arith.constant 8 : i32
    %dma_wait3A_403 = arith.constant 0 : i32
    %dma_wait3A_404 = arith.constant 0 : i32
    %dma_wait3A_405 = tpu.memref_slice %arg13[%dma_wait3A_403, %dma_wait3A_404] : memref<10240x128xf32, #tpu.memory_space<vmem_shared>> -> memref<128x128xf32, #tpu.memory_space<vmem_shared>>
    %dma_wait3A_406 = arith.constant 0 : i32
    %dma_wait3A_407 = arith.constant 0 : i32
    %dma_wait3A_408 = tpu.memref_slice %arg13[%dma_wait3A_406, %dma_wait3A_407] : memref<10240x128xf32, #tpu.memory_space<vmem_shared>> -> memref<128x128xf32, #tpu.memory_space<vmem_shared>>
    tpu.wait_dma2 semaphore(%arg20 : memref<!tpu.dma_semaphore, #tpu.memory_space<semaphore_mem>>) src(%arg10 : memref<128x128xf32, #tpu.memory_space<vmem>>) dst(%dma_wait3A_408 : memref<128x128xf32, #tpu.memory_space<vmem_shared>>)
    %scan3A_409 = arith.constant 0 : i32
    %scan3A_410 = arith.constant 0 : i32
    %scan3A_411 = arith.constant 16 : i32
    %scan3A_412 = arith.addi %scan3A_410, %scan3A_411 : i32
    %scan3A_413 = arith.constant 1 : i32
    scf.for %scan3A_416 = %scan3A_410 to %scan3A_412 step %scan3A_413  : i32 {
      %dma_wait3A_417 = arith.constant 0 : i32
      %dma_wait3A_418 = tpu.memref_slice %arg14[%dma_wait3A_417] : memref<10240xf32, #tpu.memory_space<vmem_shared>> -> memref<128xf32, #tpu.memory_space<vmem_shared>>
      %dma_wait3A_419 = arith.constant 0 : i32
      %dma_wait3A_420 = tpu.memref_slice %arg14[%dma_wait3A_419] : memref<10240xf32, #tpu.memory_space<vmem_shared>> -> memref<128xf32, #tpu.memory_space<vmem_shared>>
      tpu.wait_dma2 semaphore(%arg21 : memref<!tpu.dma_semaphore, #tpu.memory_space<semaphore_mem>>) src(%arg11 : memref<128xf32, #tpu.memory_space<vmem>>) dst(%dma_wait3A_420 : memref<128xf32, #tpu.memory_space<vmem_shared>>)
    }
    %scan3A_414 = arith.constant 16 : i32
    %barrier3A_415 = arith.constant 0 : index
    tpu.barrier barrier_id(%barrier3A_415)
    "tpu.region"() ({
      %run_scoped3A = tpu.sem_alloc : memref<!tpu.dma_semaphore, #tpu.memory_space<semaphore_mem>>
      %dma_start3A_416 = arith.constant 0 : i32
      %dma_start3A_417 = arith.constant 0 : i32
      %dma_start3A_418 = tpu.memref_slice %arg5[%add3A_3, %dma_start3A_416, %dma_start3A_417] : memref<32x640x128xf32, #tpu.memory_space<hbm>> -> memref<1x640x128xf32, #tpu.memory_space<hbm>>
      %dma_start3A_419 = tpu.memref_squeeze %dma_start3A_418 : memref<1x640x128xf32, #tpu.memory_space<hbm>> -> memref<640x128xf32, #tpu.memory_space<hbm>>
      %dma_start3A_420 = arith.constant 0 : i32
      %dma_start3A_421 = tpu.memref_slice %arg13[%mul3A_5, %dma_start3A_420] : memref<10240x128xf32, #tpu.memory_space<vmem_shared>> -> memref<640x128xf32, #tpu.memory_space<vmem_shared>>
      tpu.enqueue_dma source(%dma_start3A_421 : memref<640x128xf32, #tpu.memory_space<vmem_shared>>) target(%dma_start3A_419 : memref<640x128xf32, #tpu.memory_space<hbm>>) target_semaphore(%run_scoped3A : memref<!tpu.dma_semaphore, #tpu.memory_space<semaphore_mem>>)
      %dma_wait3A_422 = arith.constant 0 : i32
      %dma_wait3A_423 = arith.constant 0 : i32
      %dma_wait3A_424 = tpu.memref_slice %arg5[%add3A_3, %dma_wait3A_422, %dma_wait3A_423] : memref<32x640x128xf32, #tpu.memory_space<hbm>> -> memref<1x640x128xf32, #tpu.memory_space<hbm>>
      %dma_wait3A_425 = tpu.memref_squeeze %dma_wait3A_424 : memref<1x640x128xf32, #tpu.memory_space<hbm>> -> memref<640x128xf32, #tpu.memory_space<hbm>>
      %dma_wait3A_426 = arith.constant 0 : i32
      %dma_wait3A_427 = tpu.memref_slice %arg13[%mul3A_5, %dma_wait3A_426] : memref<10240x128xf32, #tpu.memory_space<vmem_shared>> -> memref<640x128xf32, #tpu.memory_space<vmem_shared>>
      tpu.wait_dma2 semaphore(%run_scoped3A : memref<!tpu.dma_semaphore, #tpu.memory_space<semaphore_mem>>) src(%dma_wait3A_427 : memref<640x128xf32, #tpu.memory_space<vmem_shared>>) dst(%dma_wait3A_425 : memref<640x128xf32, #tpu.memory_space<hbm>>)
      tpu.yield
    }) : () -> ()
    "tpu.region"() ({
      %run_scoped3A = tpu.sem_alloc : memref<!tpu.dma_semaphore, #tpu.memory_space<semaphore_mem>>
      %dma_start3A_416 = tpu.memref_slice %arg6[%arg0, %mul3A_5] : memref<2x10240xf32, #tpu.memory_space<hbm>> -> memref<1x640xf32, #tpu.memory_space<hbm>>
      %dma_start3A_417 = tpu.memref_squeeze %dma_start3A_416 : memref<1x640xf32, #tpu.memory_space<hbm>> -> memref<640xf32, #tpu.memory_space<hbm>>
      %dma_start3A_418 = tpu.memref_slice %arg14[%mul3A_5] : memref<10240xf32, #tpu.memory_space<vmem_shared>> -> memref<640xf32, #tpu.memory_space<vmem_shared>>
      tpu.enqueue_dma source(%dma_start3A_418 : memref<640xf32, #tpu.memory_space<vmem_shared>>) target(%dma_start3A_417 : memref<640xf32, #tpu.memory_space<hbm>>) target_semaphore(%run_scoped3A : memref<!tpu.dma_semaphore, #tpu.memory_space<semaphore_mem>>)
      %dma_wait3A_419 = tpu.memref_slice %arg6[%arg0, %mul3A_5] : memref<2x10240xf32, #tpu.memory_space<hbm>> -> memref<1x640xf32, #tpu.memory_space<hbm>>
      %dma_wait3A_420 = tpu.memref_squeeze %dma_wait3A_419 : memref<1x640xf32, #tpu.memory_space<hbm>> -> memref<640xf32, #tpu.memory_space<hbm>>
      %dma_wait3A_421 = tpu.memref_slice %arg14[%mul3A_5] : memref<10240xf32, #tpu.memory_space<vmem_shared>> -> memref<640xf32, #tpu.memory_space<vmem_shared>>
      tpu.wait_dma2 semaphore(%run_scoped3A : memref<!tpu.dma_semaphore, #tpu.memory_space<semaphore_mem>>) src(%dma_wait3A_421 : memref<640xf32, #tpu.memory_space<vmem_shared>>) dst(%dma_wait3A_420 : memref<640xf32, #tpu.memory_space<hbm>>)
      tpu.yield
    }) : () -> ()
    return
  }
}

module attributes {stable_mosaic.version = 14 : i64} {
  func.func @_tc_body(%arg0: i32, %arg1: memref<1280x128xf32, #tpu.memory_space<vmem>>, %arg2: memref<2x640x128xf32, #tpu.memory_space<vmem>>, %arg3: memref<2x640x128xf32, #tpu.memory_space<vmem>>, %arg4: memref<2x1280xf32, #tpu.memory_space<vmem>>, %arg5: memref<128x128xf32, #tpu.memory_space<vmem>>, %arg6: memref<1x128xf32, #tpu.memory_space<vmem>>, %arg7: memref<128x128xf32, #tpu.memory_space<vmem>>, %arg8: memref<1x128xf32, #tpu.memory_space<vmem>>, %arg9: memref<1280x256xf32, #tpu.memory_space<vmem>>) attributes {dimension_semantics = [#tpu.dimension_semantics<arbitrary>], iteration_bounds = array<i64: 8>, scalar_prefetch = 0 : i64, scratch_operands = 0 : i64, tpu.core_type = #tpu.core_type<tc>, window_params = [{transform_indices = @transform_0, window_bounds = array<i64: 1280, 128>}, {transform_indices = @transform_1, window_bounds = array<i64: 2, 640, 128>}, {transform_indices = @transform_2, window_bounds = array<i64: 2, 640, 128>}, {transform_indices = @transform_3, window_bounds = array<i64: 2, 1280>}, {pipeline_mode = #tpu.pipeline_mode<synchronous>, transform_indices = @transform_4, window_bounds = array<i64: 128, 128>}, {pipeline_mode = #tpu.pipeline_mode<synchronous>, transform_indices = @transform_5, window_bounds = array<i64: 1, 128>}, {pipeline_mode = #tpu.pipeline_mode<synchronous>, transform_indices = @transform_6, window_bounds = array<i64: 128, 128>}, {pipeline_mode = #tpu.pipeline_mode<synchronous>, transform_indices = @transform_7, window_bounds = array<i64: 1, 128>}, {transform_indices = @transform_8, window_bounds = array<i64: 1280, 256>}]} {
    %get3A = arith.constant 0 : index
    %get3A_0 = arith.constant 0 : index
    %get3A_1 = vector.load %arg1[%get3A, %get3A_0] : memref<1280x128xf32, #tpu.memory_space<vmem>>, vector<1280x128xf32>
    %get3A_2 = arith.constant 0 : index
    %get3A_3 = arith.constant 0 : index
    %get3A_4 = vector.load %arg5[%get3A_2, %get3A_3] : memref<128x128xf32, #tpu.memory_space<vmem>>, vector<128x128xf32>
    %dot_general3A = arith.constant dense<0.000000e+00> : vector<1280x128xf32>
    %dot_general3A_5 = tpu.matmul %get3A_1, %get3A_4, %dot_general3A {dimension_numbers = #tpu.dot_dimension_numbers<[1], [1], [0], [0], [0, 0, 1, 0], [], []>, transpose_lhs_hint = false} : vector<1280x128xf32>, vector<128x128xf32>, vector<1280x128xf32> -> vector<1280x128xf32>
    %get3A_6 = arith.constant 0 : index
    %get3A_7 = arith.constant 0 : index
    %get3A_8 = vector.load %arg6[%get3A_6, %get3A_7] : memref<1x128xf32, #tpu.memory_space<vmem>>, vector<1x128xf32>
    %add3A = vector.broadcast %get3A_8 : vector<1x128xf32> to vector<1280x128xf32>
    %add3A_9 = arith.addf %dot_general3A_5, %add3A : vector<1280x128xf32>
    %get3A_10 = arith.constant 0 : index
    %get3A_11 = arith.constant 0 : index
    %get3A_12 = arith.constant 0 : index
    %get3A_13 = vector.load %arg2[%get3A_10, %get3A_11, %get3A_12] : memref<2x640x128xf32, #tpu.memory_space<vmem>>, vector<2x640x128xf32>
    %get3A_14 = arith.constant 0 : index
    %get3A_15 = arith.constant 0 : index
    %get3A_16 = arith.constant 0 : index
    %get3A_17 = vector.load %arg3[%get3A_14, %get3A_15, %get3A_16] : memref<2x640x128xf32, #tpu.memory_space<vmem>>, vector<2x640x128xf32>
    %add3A_18 = arith.addf %get3A_13, %get3A_17 : vector<2x640x128xf32>
    %reshape3A = vector.shape_cast %add3A_18 : vector<2x640x128xf32> to vector<1280x128xf32>
    %get3A_19 = arith.constant 0 : index
    %get3A_20 = arith.constant 0 : index
    %get3A_21 = vector.load %arg4[%get3A_19, %get3A_20] : memref<2x1280xf32, #tpu.memory_space<vmem>>, vector<2x1280xf32>
    %slice3A = vector.extract_strided_slice %get3A_21 {offsets = [0, 0], sizes = [1, 1280], strides = [1, 1]} : vector<2x1280xf32> to vector<1x1280xf32>
    %squeeze3A = vector.shape_cast %slice3A : vector<1x1280xf32> to vector<1280xf32>
    %slice3A_22 = vector.extract_strided_slice %get3A_21 {offsets = [1, 0], sizes = [1, 1280], strides = [1, 1]} : vector<2x1280xf32> to vector<1x1280xf32>
    %squeeze3A_23 = vector.shape_cast %slice3A_22 : vector<1x1280xf32> to vector<1280xf32>
    %add3A_24 = arith.addf %squeeze3A, %squeeze3A_23 : vector<1280xf32>
    %add3A_25 = arith.constant 9.99999971E-10 : f32
    %add3A_26 = vector.broadcast %add3A_25 : f32 to vector<1280xf32>
    %add3A_27 = arith.addf %add3A_24, %add3A_26 : vector<1280xf32>
    %reshape3A_28 = vector.shape_cast %add3A_27 : vector<1280xf32> to vector<1280x1xf32>
    %div3A = vector.broadcast %reshape3A_28 : vector<1280x1xf32> to vector<1280x128xf32>
    %div3A_29 = arith.divf %reshape3A, %div3A : vector<1280x128xf32>
    %get3A_30 = arith.constant 0 : index
    %get3A_31 = arith.constant 0 : index
    %get3A_32 = vector.load %arg7[%get3A_30, %get3A_31] : memref<128x128xf32, #tpu.memory_space<vmem>>, vector<128x128xf32>
    %dot_general3A_33 = arith.constant dense<0.000000e+00> : vector<1280x128xf32>
    %dot_general3A_34 = tpu.matmul %div3A_29, %get3A_32, %dot_general3A_33 {dimension_numbers = #tpu.dot_dimension_numbers<[1], [1], [0], [0], [0, 0, 1, 0], [], []>, transpose_lhs_hint = false} : vector<1280x128xf32>, vector<128x128xf32>, vector<1280x128xf32> -> vector<1280x128xf32>
    %get3A_35 = arith.constant 0 : index
    %get3A_36 = arith.constant 0 : index
    %get3A_37 = vector.load %arg8[%get3A_35, %get3A_36] : memref<1x128xf32, #tpu.memory_space<vmem>>, vector<1x128xf32>
    %add3A_38 = vector.broadcast %get3A_37 : vector<1x128xf32> to vector<1280x128xf32>
    %add3A_39 = arith.addf %dot_general3A_34, %add3A_38 : vector<1280x128xf32>
    %concatenate3A = tpu.concatenate %add3A_9, %add3A_39 in 1 : vector<1280x128xf32>, vector<1280x128xf32> -> vector<1280x256xf32>
    %tanh3A = math.tanh %concatenate3A : vector<1280x256xf32>
    %swap3A = arith.constant 0 : index
    %swap3A_40 = arith.constant 0 : index
    %swap3A_41 = vector.load %arg9[%swap3A, %swap3A_40] : memref<1280x256xf32, #tpu.memory_space<vmem>>, vector<1280x256xf32>
    tpu.vector_store %arg9[%swap3A, %swap3A_40], %tanh3A {strides = array<i32>} : memref<1280x256xf32, #tpu.memory_space<vmem>>, vector<1280x256xf32>,
    return
  }
  func.func @transform_0(%arg0: i32) -> (i32, i32) {
    %c0_i32 = arith.constant 0 : i32
    %c0_i32_0 = arith.constant 0 : i32
    return %arg0, %c0_i32 : i32, i32
  }
  func.func @transform_1(%arg0: i32) -> (i32, i32, i32) {
    %c0_i32 = arith.constant 0 : i32
    %c0_i32_0 = arith.constant 0 : i32
    %c0_i32_1 = arith.constant 0 : i32
    return %arg0, %c0_i32, %c0_i32_0 : i32, i32, i32
  }
  func.func @transform_2(%arg0: i32) -> (i32, i32, i32) {
    %add3A = arith.constant 8 : i32
    %add3A_0 = arith.addi %add3A, %arg0 : i32
    %c0_i32 = arith.constant 0 : i32
    %c0_i32_1 = arith.constant 0 : i32
    %c0_i32_2 = arith.constant 0 : i32
    return %add3A_0, %c0_i32, %c0_i32_1 : i32, i32, i32
  }
  func.func @transform_3(%arg0: i32) -> (i32, i32) {
    %c0_i32 = arith.constant 0 : i32
    %c0_i32_0 = arith.constant 0 : i32
    return %c0_i32, %arg0 : i32, i32
  }
  func.func @transform_4(%arg0: i32) -> (i32, i32) {
    %c0_i32 = arith.constant 0 : i32
    %c0_i32_0 = arith.constant 0 : i32
    %c0_i32_1 = arith.constant 0 : i32
    return %c0_i32, %c0_i32_0 : i32, i32
  }
  func.func @transform_5(%arg0: i32) -> (i32, i32) {
    %c0_i32 = arith.constant 0 : i32
    %c0_i32_0 = arith.constant 0 : i32
    %c0_i32_1 = arith.constant 0 : i32
    return %c0_i32, %c0_i32_0 : i32, i32
  }
  func.func @transform_6(%arg0: i32) -> (i32, i32) {
    %c0_i32 = arith.constant 0 : i32
    %c0_i32_0 = arith.constant 0 : i32
    %c0_i32_1 = arith.constant 0 : i32
    return %c0_i32, %c0_i32_0 : i32, i32
  }
  func.func @transform_7(%arg0: i32) -> (i32, i32) {
    %c0_i32 = arith.constant 0 : i32
    %c0_i32_0 = arith.constant 0 : i32
    %c0_i32_1 = arith.constant 0 : i32
    return %c0_i32, %c0_i32_0 : i32, i32
  }
  func.func @transform_8(%arg0: i32) -> (i32, i32) {
    %c0_i32 = arith.constant 0 : i32
    %c0_i32_0 = arith.constant 0 : i32
    return %arg0, %c0_i32 : i32, i32
  }
}

</mosaic_0001>

<sc_bundles>
// kernel: kernel.4.cloned.1.call-start
scs
__scs_entry_jumppad:
0x0: {  	(pc) =	sbr.rel $0x88, $3  }
0x1: {  	(tag) =	ssettag $0x0;
	lr =	simm.s32 $0x1  }
0x2: {  	[smem:$0x3F9B] =	sst lr;
	_ =	strace $0xD0000000  }
0x3: {  	_ = 	snop  }
0x4: {  	_ = 	snop  }
0x5: {  	_ = 	snop  }
0x6: {  	_ = 	snop  }
0x7: {  	_ = 	snop  }
__scs_overlays_trampoline_lowered:
0x8: {  	[smem:$0x3FAA] =	sst s0  }
0x9: {  	[smem:$0x3FAB] =	sst s1  }
0xa: {  	[smem:$0x3FAC] =	sst s2  }
0xb: {  	[smem:$0x3FAD] =	sst s3  }
0xc: {  	[smem:$0x3FAE] =	sst s4  }
0xd: {  	[smem:$0x3FAF] =	sst s5  }
0xe: {  	[smem:$0x3FB0] =	sst s6  }
0xf: {  	[smem:$0x3FB1] =	sst s7  }
0x10: {  	[smem:$0x3FB2] =	sst s8  }
0x11: {  	[smem:$0x3FB3] =	sst s9;
	s0 =	simm.s32 @!p0 $0x0  }
0x12: {  	s1 =	sld [smem:$0x3F99];
	s0 =	simm.s32 @p0 $0x1  }
0x13: {  	[smem:$0x3FB4] =	sst s0;
	s0 =	simm.s32 @!p1 $0x0  }
0x14: {  	s2 =	sld [smem:$0x3F98];
	s0 =	simm.s32 @p1 $0x1  }
0x15: {  	[smem:$0x3FB5] =	sst s0;
	s0 =	simm.s32 @!p2 $0x0  }
0x16: {  	s3 =	sld [smem:$0x3FDB];
	s0 =	simm.s32 @p2 $0x1  }
0x17: {  	s4 =	simm.s32 $0x1BF5;
	[smem:$0x3FB7] =	sst s0  }
0x18: {  	s0 =	sld [smem:$0x3F9A];
	_ =	swait.ge [sflag:s4], $0x0  }
0x19: {  	s7 =	sld [smem:$0x3F9B]  }
0x1a: {  	s8 =	sadd.s32 $0xFFFFE003, lr  }
0x1b: {  	s9 =	sadd.s32 $0xFFFFFEF7, lr;
	s5 =	simm.s32 $0xFFFFFFFF;
	p2 =	slt.u32 s8, $0xFFFFF086  }
0x1c: {  	p1 =	slt.u32 s9, $0xF7A;
	s5 =	simm.s32 @!p2 $0x0  }
0x1d: {  	s5 =	simm.s32 @p1 $0x1;
	p0 =	seq.s32 s7, s2  }
0x1e: {  	s7 =	smul.u32 @!p0 $0xF7A, s2;
	p2 =	seq.s32 @!p0 s5, $0x0  }
0x1f: {  	s9 =	smul.u32 $0xF7A, s1;
	s8 =	simm.s32 @!p0 $0x1BF5;
	p2 =	por !p2, p0  }
0x20: {  	[sflag:s8] =	ssyncset.s32 @!p0 $0xFFFFF086;
	s6 =	sadd.s32 @!p0 s3, s7;
	s7 =	simm.s32 @!p0 $0x108  }
0x21: {  	s3 =	sadd.s32 s3, s9;
	s6 =	sadd.s32 @!p0 $0x88, s6;
	s7 =	simm.s32 @p2 $0x1082  }
0x22: {  	[simem:s7], [sflag:s8] =	dma.local @!p0 [hbm:s6], $0xF7A  }
0x23: {  	s9 =	sor.u32 $0xD0000000, s2;
	s6 =	simm.s32 $0x108;
	_ =	swait.ge @!p0 [sflag:s8], $0x0  }
0x24: {  	s3 =	sadd.s32 $0x88, s3;
	s6 =	simm.s32 @!p1 $0x1082;
	[sflag:s4] =	ssyncset.s32 $0xFFFFF086  }
0x25: {  	[simem:s6], [sflag:s4] =	dma.local [hbm:s3], $0xF7A  }
0x26: {  	[smem:$0x3F9B] =	sst s1;
	(tag) =	ssettag s2;
	_ =	strace s9  }
0x27: {  	s1 =	sld [smem:$0x3FAB]  }
0x28: {  	s2 =	sld [smem:$0x3FAC]  }
0x29: {  	s4 =	sld [smem:$0x3FAE]  }
0x2a: {  	p0 =	seq.s32 s5, $0x0;
	s5 =	sld [smem:$0x3FAF]  }
0x2b: {  	s6 =	sld [smem:$0x3FB0]  }
0x2c: {  	s7 =	sld [smem:$0x3FB1]  }
0x2d: {  	s3 =	simm.s32 $0x108;
	s8 =	sld [smem:$0x3FB2]  }
0x2e: {  	s3 =	simm.s32 @!p0 $0x1082;
	s9 =	sld [smem:$0x3FB3]  }
0x2f: {  	lr =	sadd.s32 s0, s3;
	s0 =	sld [smem:$0x3FAA]  }
0x30: {  	s3 =	sld [smem:$0x3FAD]  }
0x31: {  	[smem:$0x3FB6] =	sst s10  }
0x32: {  	s10 =	sld [smem:$0x3FB4];
	_ =	sdelay $0x3  }
0x33: {  	p0 =	seq.s32 s10, $0x1;
	s10 =	sld [smem:$0x3FB6];
	_ =	sdelay $0x3  }
0x34: {  	[smem:$0x3FB6] =	sst s10  }
0x35: {  	s10 =	sld [smem:$0x3FB5];
	_ =	sdelay $0x3  }
0x36: {  	p1 =	seq.s32 s10, $0x1;
	s10 =	sld [smem:$0x3FB6];
	_ =	sdelay $0x3  }
0x37: {  	[smem:$0x3FB6] =	sst s10  }
0x38: {  	s10 =	sld [smem:$0x3FB7]  }
0x39: {  	_ = 	snop;
	(pc) =	sbr.ind lr, $3  }
0x3a: {  	_ = 	snop  }
0x3b: {  	_ = 	snop  }
0x3c: {  	p2 =	seq.s32 s10, $0x1;
	s10 =	sld [smem:$0x3FB6]  }
0x3d: {  	_ =	shalt  }
0x3e: {  	_ =	shalt  }
0x3f: {  	_ =	shalt  }
0x40: {  	_ =	shalt  }
0x41: {  	_ =	shalt  }
0x42: {  	_ =	shalt  }
0x43: {  	_ =	shalt  }
0x44: {  	_ =	shalt  }
0x45: {  	_ =	shalt  }
0x46: {  	_ =	shalt  }
0x47: {  	_ =	shalt  }
0x48: {  	_ =	shalt  }
0x49: {  	_ =	shalt  }
0x4a: {  	_ =	shalt  }
0x4b: {  	_ =	shalt  }
0x4c: {  	_ =	shalt  }
0x4d: {  	_ =	shalt  }
0x4e: {  	_ =	shalt  }
0x4f: {  	_ =	shalt  }
0x50: {  	_ =	shalt  }
0x51: {  	_ =	shalt  }
0x52: {  	_ =	shalt  }
0x53: {  	_ =	shalt  }
0x54: {  	_ =	shalt  }
0x55: {  	_ =	shalt  }
0x56: {  	_ =	shalt  }
0x57: {  	_ =	shalt  }
0x58: {  	_ =	shalt  }
0x59: {  	_ =	shalt  }
0x5a: {  	_ =	shalt  }
0x5b: {  	_ =	shalt  }
0x5c: {  	_ =	shalt  }
0x5d: {  	_ =	shalt  }
0x5e: {  	_ =	shalt  }
0x5f: {  	_ =	shalt  }
0x60: {  	_ =	shalt  }
0x61: {  	_ =	shalt  }
0x62: {  	_ =	shalt  }
0x63: {  	_ =	shalt  }
0x64: {  	_ =	shalt  }
0x65: {  	_ =	shalt  }
0x66: {  	_ =	shalt  }
0x67: {  	_ =	shalt  }
0x68: {  	_ =	shalt  }
0x69: {  	_ =	shalt  }
0x6a: {  	_ =	shalt  }
0x6b: {  	_ =	shalt  }
0x6c: {  	_ =	shalt  }
0x6d: {  	_ =	shalt  }
0x6e: {  	_ =	shalt  }
0x6f: {  	_ =	shalt  }
0x70: {  	_ =	shalt  }
0x71: {  	_ =	shalt  }
0x72: {  	_ =	shalt  }
0x73: {  	_ =	shalt  }
0x74: {  	_ =	shalt  }
0x75: {  	_ =	shalt  }
0x76: {  	_ =	shalt  }
0x77: {  	_ =	shalt  }
0x78: {  	_ =	shalt  }
0x79: {  	_ =	shalt  }
0x7a: {  	_ =	shalt  }
0x7b: {  	_ =	shalt  }
0x7c: {  	_ =	shalt  }
0x7d: {  	_ =	shalt  }
0x7e: {  	_ =	shalt  }
0x7f: {  	_ =	shalt  }
0x80: {  	_ =	shalt  }
0x81: {  	_ =	shalt  }
0x82: {  	_ =	shalt  }
0x83: {  	_ =	shalt  }
0x84: {  	_ =	shalt  }
0x85: {  	_ =	shalt  }
0x86: {  	_ =	shalt  }
0x87: {  	_ =	shalt  }
.Lfunc_end0:
.L_simem_size_0:
called_computation_lowered:
.L_overlay_start_0:
0x88: {  	s2 =	sld [smem:$0x3FD9]  }
0x89: {  	s3 =	sld [smem:$0x3FFE];
	_ =	sdelay $0x1  }
0x8a: {  	s1 =	srdreg.scid  }
0x8b: {  	s0 =	sand.u32 $0x1, s1  }
0x8c: {  	s17 =	sshll.u32 s0, $0xA;
	s2 =	sadd.s32 s3, s2  }
0x8d: {  	s2 =	sadd.s32 s2, s17  }
0x8e: {  	[smem:$0x3FC2] =	sst s2  }
0x8f: {  	_ = 	snop  }
0x90: {  	s2 =	sld [smem:$0x3FC9]  }
0x91: {  	s18 =	sld [smem:$0x3FD0];
	(tm) =	ssettm $0x1  }
0x92: {  	s4 =	sld [smem:$0x3FFB];
	_ =	sdelay $0x3  }
0x93: {  	_ =	strace s4  }
0x94: {  	s4 =	sld [smem:$0x3FFC];
	_ =	sdelay $0x3  }
0x95: {  	_ =	strace s4  }
0x96: {  	s4 =	sld [smem:$0x3FFD];
	_ =	sdelay $0x3  }
0x97: {  	_ =	strace s4  }
0x98: {  	_ =	strace $0x8FFFFFFF  }
0x99: {  	s19 =	sld [smem:$0x3FDB];
	_ =	sdelay $0x1  }
0x9a: {  	s5 =	simm.s32 $_scs_section_size  }
0x9b: {  	s6 =	simm.s32 $_size__tile_overlayer_lowered;
	s7 =	simm.s32 $_tile_overlayer_lowered  }
0x9c: {  	s22 =	simm.s32 $0x1BFF;
	s21 =	sshll.u32 s7, $0x1;
	s4 =	sadd.s32 s5, s19  }
0x9d: {  	s8 =	simm.s32 $0x0;
	s20 =	sshll.u32 s6, $0x1;
	s6 =	sadd.s32 s21, s4  }
0x9e: {  	[timem:s8], [sflag:s22] =	dma.local [hbm:s6], s20  }
0x9f: {  	_ =	swait.ge [sflag:s22], s20  }
0xa0: {  	s5 =	ssub.s32 $0x0, s20;
	[sflag:s22] =	ssyncset.done $0x0  }
0xa1: {  	[sflag:s22] =	ssyncadd.s32 s5;
	_ =	sdelay $0x1  }
0xa2: {  	s23 =	simm.s32 $0x1B8B  }
0xa3: {  	_ =	swait.ge [sflag:s23], $0x1  }
0xa4: {  	[sflag:s23] =	ssyncset.done $0x0  }
0xa5: {  	s25 =	simm.s32 $0x1B8E;
	s24 =	sld [smem:$0x3FFE];
	[sflag:s23] =	ssyncadd.s32 $0xFFFFFFFF  }
0xa6: {  	s26 =	simm.s32 $execute0_lowered;
	[smem:$0x3FD2] =	sst s25  }
0xa7: {  	s6 =	sshll.u32 s26, $0x1;
	_ =	strace $0x80000046;
	[dreg:$0x1] =	wrdreg $0xFFFFFFFF  }
0xa8: {  	s28 =	simm.s32 $_size_execute0_lowered;
	s4 =	sadd.s32 s4, s6;
	[dreg:$0x0] =	wrdreg $0x0  }
0xa9: {  	s6 =	sshll.u32 s28, $0x1;
	[dreg:$0x2] =	wrdreg s4  }
0xaa: {  	[dreg:$0x3] =	wrdreg s6  }
0xab: {  	[dreg:$0x4] =	wrdreg $0xC0  }
0xac: {  	_ =	task [dreg:s8], $0x5FFFF  }
0xad: {  	[dreg:$0x1] =	wrdreg $0xFFFFFFFF  }
0xae: {  	[dreg:$0x0] =	wrdreg $0x60  }
0xaf: {  	[dreg:$0x2] =	wrdreg s2  }
0xb0: {  	[dreg:$0x3] =	wrdreg s18  }
0xb1: {  	[dreg:$0x4] =	wrdreg s24  }
0xb2: {  	[dreg:$0x5] =	wrdreg $0xA3000  }
0xb3: {  	[dreg:$0x6] =	wrdreg $0x1E3000  }
0xb4: {  	[dreg:$0x7] =	wrdreg $0x9  }
0xb5: {  	_ =	task.clear_ibuf [dreg:s8], $0x8FFFF;
	_ =	strace $0x90000046  }
0xb6: {  	s29 =	simm.s32 $0x9;
	_ =	strace $0x80000048  }
0xb7: {  	_ =	swait.ge [sflag:s29], $0x1  }
0xb8: {  	[sflag:s29] =	ssyncadd.s32 $0xFFFFFFFF  }
0xb9: {  	_ =	strace $0x90000048  }
0xba: {  	_ =	sfence  }
0xbb: {  	s30 =	sld [smem:$0x0];
	_ =	sdelay $0x2  }
0xbc: {  	s31 =	sshll.u32 s1, $0xD;
	s1 =	sshrl.u32 s1, $0x2  }
0xbd: {  	s3 =	sand.u32 $0x4000, s31;
	s1 =	sadd.s32 s1, s30  }
0xbe: {  	s0 =	sor.u32 s3, s0;
	s1 =	sshll.u32 s1, $0x11  }
0xbf: {  	s0 =	sor.u32 s1, s0  }
0xc0: {  	s0 =	sadd.s32 $0x8F2B, s0  }
0xc1: {  	[sflag:s0] =	ssyncadd.remote.s32 $0x1  }
0xc2: {  	_ =	sfence.sel $0xFFFF  }
0xc3: {  	[dreg:$0x0] =	wrdreg $0xFFFFFFFF;
	(pc) =	sbr.abs _section_cstart, $3  }
0xc4: {  	[dreg:$0x1] =	wrdreg $0xFFFFFFFF  }
0xc5: {  	_ =	task.clear_ibuf [dreg:s8], $0x2FFFF;
	_ =	strace $0x9FFFFFFF  }
0xc6: {  	(tm) =	ssettm $0x7FFFFFFF  }
0xc7: {  	_ =	shalt  }
tec
execute0_lowered:
.L_overlay_start_1:
0x0: {  	(tag) =	ssettag $0x1  }
0x1: {  	s1 =	rddreg [dreg:$0x0]  }
0x2: {  	s4 =	rddreg [dreg:$0x1]  }
0x3: {  	s0 =	rddreg [dreg:$0x2]  }
0x4: {  	s2 =	rddreg [dreg:$0x3]  }
0x5: {  	s3 =	rddreg [dreg:$0x4];
	s6 =	srdreg.scid;
	s5 =	simm.s32 $0x0  }
0x6: {  	s14 =	stileid.u32;
	s30 =	simm.s32 $0x3;
	s31 =	simm.s32 $0x4  }
0x7: {  	s29 =	simm.s32 $0x7;
	s6 =	sand.u32 $0x1, s6;
	s8 =	smul.u32 $0x500, s14  }
0x8: {  	[smem:$0x7FF] =	sst s5;
	s9 =	sadd.s32 $0x2000, s0;
	s11 =	smul.u32 $0x50000, s14  }
0x9: {  	s24 =	sshll.u32 s14, $0x1;
	s28 =	smul.u32 $0xA00, s14;
	s7 =	sshll.u32 s6, $0x4  }
0xa: {  	_ =	strace $0x80000047;
	s10 =	sshll.u32 s6, $0x7;
	s7 =	sor.u32 s14, s7  }
0xb: {  	s8 =	sor.u32 s10, s8;
	s10 =	sor.u32 s6, s24;
	s6 =	ssub.s32 $0x2, s6  }
0xc: {  	s11 =	sshrl.u32 s11, $0x2;
	s24 =	sshrl.u32 s28, $0x2;
	s7 =	smul.u32 $0x2800, s7  }
0xd: {  	s8 =	sshrl.u32 s8, $0x3;
	s12 =	smul.u32 $0x2800, s10;
	s13 =	sshrl.u32 s6, $0x1  }
0xe: {  	s15 =	sadd.s32 s11, s2;
	p0 =	seq.s32 s10, $0x1F;
	s10 =	sadd.s32 $0x2400, s0  }
0xf: {  	s8 =	sadd.s32 s8, s0;
	s11 =	sadd.s32 $0x4000, s15;
	[dreg:$0x6] =	wrdreg s15  }
0x10: {  	s6 =	ssub.s32 s6, s13;
	s26 =	sadd.s32 $0x8000, s15;
	[dreg:$0x7] =	wrdreg s11  }
0x11: {  	s22 =	sadd.s32 $0xC000, s15;
	s23 =	sadd.s32 $0x10000, s15;
	[dreg:$0x8] =	wrdreg s26  }
0x12: {  	s7 =	sadd.s32 s7, s0;
	s25 =	sshrl.u32 s12, $0x3;
	[dreg:$0x12] =	wrdreg s22  }
0x13: {  	s11 =	sadd.s32 $0x2900, s0;
	[dreg:$0x14] =	wrdreg s23;
	s26 =	sadd.s32 $0x52A00, s8  }
0x14: {  	s28 =	smax.u32 s6, $0x1;
	s8 =	simm.s32 $0x6000;
	s22 =	simm.s32 $0x5  }
0x15: {  	s13 =	sadd.s32 s4, s25;
	s4 =	sadd.s32 $0x2600, s0;
	[dreg:$0x17] =	wrdreg s26  }
0x16: {  	s25 =	sadd.s32 $0x2A00, s7;
	[dreg:$0x18] =	wrdreg s28;
	s26 =	simm.s32 $0x8  }
0x17: {  	s7 =	simm.s32 $0x0;
	s14 =	sadd.s32 $0x100, s13;
	s16 =	sadd.s32 $0x9D80, s13  }
0x18: {  	s17 =	sadd.s32 $0x9E80, s13;
	s18 =	sadd.s32 $0x300, s13;
	s19 =	sadd.s32 $0x9F80, s13  }
0x19: {  	s20 =	sadd.s32 $0xA080, s13;
	s21 =	sadd.s32 $0x400, s13;
	[dreg:$0x16] =	wrdreg s25  }
0x1a: {  	s25 =	simm.s32 $0x2000;
	s20 =	smov.u32 @p0 s11;
	s11 =	sadd.s32 $0x2300, s0  }
0x1b: {  	s21 =	smov.u32 @p0 s10;
	s10 =	sadd.s32 $0x2800, s0;
	[dreg:$0xf] =	wrdreg s20  }
0x1c: {  	s16 =	smov.u32 @p0 s4;
	s4 =	sadd.s32 s24, s3;
	[dreg:$0x10] =	wrdreg s21  }
0x1d: {  	s24 =	simm.s32 $0x2;
	s19 =	smov.u32 @p0 s10;
	[dreg:$0xb] =	wrdreg s16  }
0x1e: {  	s10 =	sadd.s32 $0x2700, s0;
	s18 =	smov.u32 @p0 s11;
	[dreg:$0x15] =	wrdreg s4  }
0x1f: {  	s11 =	sadd.s32 $0x200, s13;
	s20 =	simm.s32 $0xA000;
	[dreg:$0xe] =	wrdreg s19  }
0x20: {  	[dreg:$0xd] =	wrdreg s18;
	s17 =	smov.u32 @p0 s10;
	s10 =	sadd.s32 $0x2200, s0  }
0x21: {  	[dreg:$0xc] =	wrdreg s17;
	s11 =	smov.u32 @p0 s10;
	s10 =	sadd.s32 $0x2100, s0  }
0x22: {  	s0 =	sadd.s32 $0x2500, s0;
	[dreg:$0x11] =	wrdreg s11;
	s14 =	smov.u32 @p0 s10  }
0x23: {  	s10 =	sadd.s32 $0x9C80, s13;
	s13 =	smov.u32 @p0 s9;
	[dreg:$0xa] =	wrdreg s14  }
0x24: {  	s18 =	simm.s32 $0x1;
	[dreg:$0x9] =	wrdreg s13;
	s10 =	smov.u32 @p0 s0  }
0x25: {  	v0 =	vimm.f32 $1.000000000e+00;
	v1 =	vimm.f32 $0.0e+00;
	s0 =	simm.s32 $0x80;
	[dreg:$0x13] =	wrdreg s10;
	s10 =	simm.s32 $0x6  }
.LBB2_1:
0x26: {  	[tilespmem:$0xA000] =	vst v0  }
0x27: {  	[tilespmem:$0xA010] =	vst v0  }
0x28: {  	[tilespmem:$0xA020] =	vst v0  }
0x29: {  	[tilespmem:$0xA030] =	vst v0  }
0x2a: {  	[tilespmem:$0xA040] =	vst v0  }
0x2b: {  	[tilespmem:$0xA050] =	vst v0  }
0x2c: {  	[tilespmem:$0xA060] =	vst v0  }
0x2d: {  	[tilespmem:$0xA070] =	vst v0  }
0x2e: {  	[tilespmem:$0xA080] =	vst v1  }
0x2f: {  	[tilespmem:$0xA090] =	vst v1  }
0x30: {  	[tilespmem:$0xA0A0] =	vst v1  }
0x31: {  	[tilespmem:$0xA0B0] =	vst v1  }
0x32: {  	[tilespmem:$0xA0C0] =	vst v1  }
0x33: {  	[tilespmem:$0xA0D0] =	vst v1  }
0x34: {  	[tilespmem:$0xA0E0] =	vst v1  }
0x35: {  	[tilespmem:$0xA0F0] =	vst v1  }
0x36: {  	[tilespmem:$0xA100] =	vst v1  }
0x37: {  	[tilespmem:$0xA110] =	vst v1  }
0x38: {  	[tilespmem:$0xA120] =	vst v1  }
0x39: {  	[tilespmem:$0xA130] =	vst v1  }
0x3a: {  	[tilespmem:$0xA140] =	vst v1  }
0x3b: {  	[tilespmem:$0xA150] =	vst v1  }
0x3c: {  	[tilespmem:$0xA160] =	vst v1  }
0x3d: {  	[tilespmem:$0xA170] =	vst v1  }
0x3e: {  	[tilespmem:$0xA180] =	vst v1  }
0x3f: {  	[tilespmem:$0xA190] =	vst v1  }
0x40: {  	[tilespmem:$0xA1A0] =	vst v1  }
0x41: {  	[tilespmem:$0xA1B0] =	vst v1  }
0x42: {  	[tilespmem:$0xA1C0] =	vst v1  }
0x43: {  	[tilespmem:$0xA1D0] =	vst v1  }
0x44: {  	[tilespmem:$0xA1E0] =	vst v1  }
0x45: {  	[tilespmem:$0xA1F0] =	vst v1  }
0x46: {  	[tilespmem:$0xA200] =	vst v1  }
0x47: {  	[tilespmem:$0xA210] =	vst v1  }
0x48: {  	[tilespmem:$0xA220] =	vst v1  }
0x49: {  	[tilespmem:$0xA230] =	vst v1  }
0x4a: {  	[tilespmem:$0xA240] =	vst v1  }
0x4b: {  	[tilespmem:$0xA250] =	vst v1  }
0x4c: {  	[tilespmem:$0xA260] =	vst v1  }
0x4d: {  	[tilespmem:$0xA270] =	vst v1  }
0x4e: {  	[tilespmem:$0xA280] =	vst v1  }
0x4f: {  	[tilespmem:$0xA290] =	vst v1  }
0x50: {  	[tilespmem:$0xA2A0] =	vst v1  }
0x51: {  	[tilespmem:$0xA2B0] =	vst v1  }
0x52: {  	[tilespmem:$0xA2C0] =	vst v1  }
0x53: {  	[tilespmem:$0xA2D0] =	vst v1  }
0x54: {  	[tilespmem:$0xA2E0] =	vst v1  }
0x55: {  	[tilespmem:$0xA2F0] =	vst v1;
	s12 =	simm.s32 $0x0;
	s14 =	simm.s32 $0x200  }
.LBB2_2:
0x56: {  	p0 =	sne.s32 s14, $0xFE00;
	[tilespmem:s12+$0x2070] =	vst v1  }
0x57: {  	[tilespmem:s12+$0x2000] =	vst v1  }
0x58: {  	[tilespmem:s12+$0x2010] =	vst v1  }
.Ltmp0:
0x59: {  	[tilespmem:s12+$0x2020] =	vst v1;
	(pc) =	sbr.rel @p0 .LBB2_2-.Ltmp0, $4  }
0x5a: {  	[tilespmem:s12+$0x2030] =	vst v1  }
0x5b: {  	[tilespmem:s12+$0x2040] =	vst v1  }
0x5c: {  	[tilespmem:s12+$0x2050] =	vst v1  }
0x5d: {  	[tilespmem:s12+$0x2060] =	vst v1;
	s12 =	sshra.s32 s14, $0x2;
	s14 =	sadd.s32 $0x200, s14  }
0x5e: {  	[tilespmem:s12+$0x2070] =	vst v1  }
0x5f: {  	[tilespmem:s12+$0x2000] =	vst v1  }
0x60: {  	[tilespmem:s12+$0x2010] =	vst v1  }
0x61: {  	[tilespmem:s12+$0x2020] =	vst v1  }
0x62: {  	[tilespmem:s12+$0x2030] =	vst v1  }
0x63: {  	[tilespmem:s12+$0x2040] =	vst v1  }
0x64: {  	[tilespmem:s12+$0x2050] =	vst v1  }
0x65: {  	[tilespmem:s12+$0x2060] =	vst v1;
	s4 =	rddreg [dreg:$0x6]  }
0x66: {  	[spmem:s4] =	stream.linear.scatter [tilespmem:s25], [sflag:$0x8], $0x4000, $0x38;
	[tilespmem:$0x1E580] =	vst v63  }
0x67: {  	_ =	swait.ge [sflag:s26], $0x4000  }
0x68: {  	[sflag:s26] =	ssyncset.done $0x0  }
0x69: {  	s16 =	rddreg [dreg:$0x7];
	[sflag:s26] =	ssyncadd.s32 $0xFFFFC000  }
0x6a: {  	[spmem:s16] =	stream.linear.scatter [tilespmem:s25], [sflag:$0x8], $0x4000, $0x38;
	[tilespmem:$0x1E580] =	vst v63  }
0x6b: {  	_ =	swait.ge [sflag:s26], $0x4000  }
0x6c: {  	[sflag:s26] =	ssyncset.done $0x0  }
0x6d: {  	s17 =	rddreg [dreg:$0x8];
	[sflag:s26] =	ssyncadd.s32 $0xFFFFC000  }
0x6e: {  	[spmem:s17] =	stream.linear.scatter [tilespmem:s25], [sflag:$0x8], $0x4000, $0x38;
	[tilespmem:$0x1E580] =	vst v63  }
0x6f: {  	_ =	swait.ge [sflag:s26], $0x4000  }
0x70: {  	[sflag:s26] =	ssyncset.done $0x0  }
0x71: {  	s19 =	rddreg [dreg:$0x12];
	[sflag:s26] =	ssyncadd.s32 $0xFFFFC000  }
0x72: {  	[spmem:s19] =	stream.linear.scatter [tilespmem:s25], [sflag:$0x8], $0x4000, $0x38;
	[tilespmem:$0x1E580] =	vst v63  }
0x73: {  	_ =	swait.ge [sflag:s26], $0x4000  }
0x74: {  	[sflag:s26] =	ssyncset.done $0x0  }
0x75: {  	s21 =	rddreg [dreg:$0x14];
	[sflag:s26] =	ssyncadd.s32 $0xFFFFC000  }
0x76: {  	[spmem:s21] =	stream.linear.scatter [tilespmem:s25], [sflag:$0x8], $0x4000, $0x38;
	[tilespmem:$0x1E580] =	vst v63  }
0x77: {  	_ =	swait.ge [sflag:s26], $0x4000  }
0x78: {  	[sflag:s26] =	ssyncset.done $0x0  }
0x79: {  	s28 =	simm.s32 $0xA080;
	s23 =	rddreg [dreg:$0x15];
	[sflag:s26] =	ssyncadd.s32 $0xFFFFC000  }
0x7a: {  	[spmem:s23] =	stream.linear.scatter [tilespmem:s28], [sflag:$0x8], $0x280, $0x38;
	[tilespmem:$0x1E580] =	vst v63  }
0x7b: {  	_ =	swait.ge [sflag:s26], $0x280  }
0x7c: {  	[sflag:s26] =	ssyncset.done $0x0  }
0x7d: {  	s4 =	rddreg [dreg:$0x9];
	[sflag:s26] =	ssyncadd.s32 $0xFFFFFD80  }
0x7e: {  	[tilespmem:s5], [sflag:$0x3] =	stream.linear.gather [hbm4b:s4+s5], $0x800, $0x38;
	[tilespmem:$0x1E580] =	vst v63  }
0x7f: {  	s9 =	simm.s32 $0x1000;
	s6 =	rddreg [dreg:$0x13]  }
0x80: {  	[tilespmem:s9], [sflag:$0x4] =	stream.linear.gather [hbm4b:s6+s5], $0x800, $0x38;
	[tilespmem:$0x1E580] =	vst v63  }
0x81: {  	_ =	swait.ge [sflag:s30], $0x800  }
0x82: {  	[sflag:s30] =	ssyncset.done $0x0  }
0x83: {  	[sflag:s30] =	ssyncadd.s32 $0xFFFFF800  }
0x84: {  	_ =	swait.ge [sflag:s31], $0x800  }
0x85: {  	[sflag:s31] =	ssyncset.done $0x0  }
0x86: {  	[sflag:s31] =	ssyncadd.s32 $0xFFFFF800  }
0x87: {  	[tilespmem:s25], [sflag:$0x1] =	stream.indirect.gather [hbm4b:s1+s0], $0x80, s9, s0, $0xb8;
	[tilespmem:$0x1E580] =	vst v63  }
0x88: {  	[bflag:$0x0] =	sbarrier.arrive $0xFFFF  }
0x89: {  	s6 =	simm.s32 $0x800;
	s11 =	rddreg [dreg:$0xa]  }
0x8a: {  	[tilespmem:s6], [sflag:$0x3] =	stream.linear.gather [hbm4b:s11+s5], $0x800, $0x38;
	[tilespmem:$0x1E580] =	vst v63  }
0x8b: {  	s14 =	simm.s32 $0x1800;
	s13 =	rddreg [dreg:$0xb]  }
0x8c: {  	[tilespmem:s14], [sflag:$0x4] =	stream.linear.gather [hbm4b:s13+s5], $0x800, $0x38;
	[tilespmem:$0x1E580] =	vst v63  }
0x8d: {  	s15 =	simm.s32 $0x1080  }
0x8e: {  	[tilespmem:s8], [sflag:$0x2] =	stream.indirect.gather [hbm4b:s1+s0], $0x80, s15, s0, $0xb8;
	[tilespmem:$0x1E580] =	vst v63  }
0x8f: {  	_ =	swait.ge [sflag:s18], $0x4000  }
0x90: {  	[sflag:s18] =	ssyncset.done $0x0  }
0x91: {  	[sflag:s18] =	ssyncadd.s32 $0xFFFFC000  }
0x92: {  	[spmem:s2] =	stream.indirect.scatter.add.f32 [tilespmem:s25], [sflag:$0x5], $0x80, s5, s0, $0xb8;
	[tilespmem:$0x1E580] =	vst v63  }
0x93: {  	_ = 	snop  }
0x94: {  	[spmem:s3] =	stream.indirect.scatter.add.f32 [tilespmem:s20], [sflag:$0x7], $0x1, s5, s0, $0xb8;
	[tilespmem:$0x1E580] =	vst v63  }
0x95: {  	_ =	swait.ge [sflag:s22], $0x4000  }
0x96: {  	[sflag:s22] =	ssyncset.done $0x0  }
0x97: {  	s16 =	simm.s32 $0x1100;
	[sflag:s22] =	ssyncadd.s32 $0xFFFFC000  }
0x98: {  	[tilespmem:s25], [sflag:$0x1] =	stream.indirect.gather [hbm4b:s1+s0], $0x80, s16, s0, $0xb8;
	[tilespmem:$0x1E580] =	vst v63  }
0x99: {  	_ =	swait.ge [sflag:s24], $0x4000  }
0x9a: {  	[sflag:s24] =	ssyncset.done $0x0  }
0x9b: {  	[sflag:s24] =	ssyncadd.s32 $0xFFFFC000  }
0x9c: {  	[spmem:s2] =	stream.indirect.scatter.add.f32 [tilespmem:s8], [sflag:$0x6], $0x80, s0, s0, $0xb8;
	[tilespmem:$0x1E580] =	vst v63  }
0x9d: {  	_ = 	snop  }
0x9e: {  	[spmem:s3] =	stream.indirect.scatter.add.f32 [tilespmem:s20], [sflag:$0x7], $0x1, s0, s0, $0xb8;
	[tilespmem:$0x1E580] =	vst v63  }
0x9f: {  	_ =	swait.ge [sflag:s10], $0x4000  }
0xa0: {  	[sflag:s10] =	ssyncset.done $0x0  }
0xa1: {  	s17 =	simm.s32 $0x1180;
	[sflag:s10] =	ssyncadd.s32 $0xFFFFC000  }
0xa2: {  	[tilespmem:s8], [sflag:$0x2] =	stream.indirect.gather [hbm4b:s1+s0], $0x80, s17, s0, $0xb8;
	[tilespmem:$0x1E580] =	vst v63  }
0xa3: {  	_ =	swait.ge [sflag:s18], $0x4000  }
0xa4: {  	[sflag:s18] =	ssyncset.done $0x0  }
0xa5: {  	s19 =	simm.s32 $0x100;
	[sflag:s18] =	ssyncadd.s32 $0xFFFFC000  }
0xa6: {  	[spmem:s2] =	stream.indirect.scatter.add.f32 [tilespmem:s25], [sflag:$0x5], $0x80, s19, s0, $0xb8;
	[tilespmem:$0x1E580] =	vst v63  }
0xa7: {  	_ = 	snop  }
0xa8: {  	[spmem:s3] =	stream.indirect.scatter.add.f32 [tilespmem:s20], [sflag:$0x7], $0x1, s19, s0, $0xb8;
	[tilespmem:$0x1E580] =	vst v63  }
0xa9: {  	_ =	swait.ge [sflag:s22], $0x4000  }
0xaa: {  	[sflag:s22] =	ssyncset.done $0x0  }
0xab: {  	s21 =	simm.s32 $0x1200;
	[sflag:s22] =	ssyncadd.s32 $0xFFFFC000  }
0xac: {  	[tilespmem:s25], [sflag:$0x1] =	stream.indirect.gather [hbm4b:s1+s0], $0x80, s21, s0, $0xb8;
	[tilespmem:$0x1E580] =	vst v63  }
0xad: {  	_ =	swait.ge [sflag:s24], $0x4000  }
0xae: {  	[sflag:s24] =	ssyncset.done $0x0  }
0xaf: {  	s23 =	simm.s32 $0x180;
	[sflag:s24] =	ssyncadd.s32 $0xFFFFC000  }
0xb0: {  	[spmem:s2] =	stream.indirect.scatter.add.f32 [tilespmem:s8], [sflag:$0x6], $0x80, s23, s0, $0xb8;
	[tilespmem:$0x1E580] =	vst v63  }
0xb1: {  	_ = 	snop  }
0xb2: {  	[spmem:s3] =	stream.indirect.scatter.add.f32 [tilespmem:s20], [sflag:$0x7], $0x1, s23, s0, $0xb8;
	[tilespmem:$0x1E580] =	vst v63  }
0xb3: {  	_ =	swait.ge [sflag:s10], $0x4000  }
0xb4: {  	[sflag:s10] =	ssyncset.done $0x0  }
0xb5: {  	s28 =	simm.s32 $0x1280;
	[sflag:s10] =	ssyncadd.s32 $0xFFFFC000  }
0xb6: {  	[tilespmem:s8], [sflag:$0x2] =	stream.indirect.gather [hbm4b:s1+s0], $0x80, s28, s0, $0xb8;
	[tilespmem:$0x1E580] =	vst v63  }
0xb7: {  	_ =	swait.ge [sflag:s18], $0x4000  }
0xb8: {  	[sflag:s18] =	ssyncset.done $0x0  }
0xb9: {  	s11 =	simm.s32 $0x200;
	[sflag:s18] =	ssyncadd.s32 $0xFFFFC000  }
0xba: {  	[spmem:s2] =	stream.indirect.scatter.add.f32 [tilespmem:s25], [sflag:$0x5], $0x80, s11, s0, $0xb8;
	[tilespmem:$0x1E580] =	vst v63  }
0xbb: {  	_ = 	snop  }
0xbc: {  	[spmem:s3] =	stream.indirect.scatter.add.f32 [tilespmem:s20], [sflag:$0x7], $0x1, s11, s0, $0xb8;
	[tilespmem:$0x1E580] =	vst v63  }
0xbd: {  	_ =	swait.ge [sflag:s22], $0x4000  }
0xbe: {  	[sflag:s22] =	ssyncset.done $0x0  }
0xbf: {  	s12 =	simm.s32 $0x1300;
	[sflag:s22] =	ssyncadd.s32 $0xFFFFC000  }
0xc0: {  	[tilespmem:s25], [sflag:$0x1] =	stream.indirect.gather [hbm4b:s1+s0], $0x80, s12, s0, $0xb8;
	[tilespmem:$0x1E580] =	vst v63  }
0xc1: {  	_ =	swait.ge [sflag:s24], $0x4000  }
0xc2: {  	[sflag:s24] =	ssyncset.done $0x0  }
0xc3: {  	s13 =	simm.s32 $0x280;
	[sflag:s24] =	ssyncadd.s32 $0xFFFFC000  }
0xc4: {  	[spmem:s2] =	stream.indirect.scatter.add.f32 [tilespmem:s8], [sflag:$0x6], $0x80, s13, s0, $0xb8;
	[tilespmem:$0x1E580] =	vst v63  }
0xc5: {  	_ = 	snop  }
0xc6: {  	[spmem:s3] =	stream.indirect.scatter.add.f32 [tilespmem:s20], [sflag:$0x7], $0x1, s13, s0, $0xb8;
	[tilespmem:$0x1E580] =	vst v63  }
0xc7: {  	_ =	swait.ge [sflag:s10], $0x4000  }
0xc8: {  	[sflag:s10] =	ssyncset.done $0x0  }
0xc9: {  	s14 =	simm.s32 $0x1380;
	[sflag:s10] =	ssyncadd.s32 $0xFFFFC000  }
0xca: {  	[tilespmem:s8], [sflag:$0x2] =	stream.indirect.gather [hbm4b:s1+s0], $0x80, s14, s0, $0xb8;
	[tilespmem:$0x1E580] =	vst v63  }
0xcb: {  	_ =	swait.ge [sflag:s18], $0x4000  }
0xcc: {  	[sflag:s18] =	ssyncset.done $0x0  }
0xcd: {  	s15 =	simm.s32 $0x300;
	[sflag:s18] =	ssyncadd.s32 $0xFFFFC000  }
0xce: {  	[spmem:s2] =	stream.indirect.scatter.add.f32 [tilespmem:s25], [sflag:$0x5], $0x80, s15, s0, $0xb8;
	[tilespmem:$0x1E580] =	vst v63  }
0xcf: {  	_ = 	snop  }
0xd0: {  	[spmem:s3] =	stream.indirect.scatter.add.f32 [tilespmem:s20], [sflag:$0x7], $0x1, s15, s0, $0xb8;
	[tilespmem:$0x1E580] =	vst v63  }
0xd1: {  	_ =	swait.ge [sflag:s22], $0x4000  }
0xd2: {  	[sflag:s22] =	ssyncset.done $0x0  }
0xd3: {  	s16 =	simm.s32 $0x1400;
	[sflag:s22] =	ssyncadd.s32 $0xFFFFC000  }
0xd4: {  	[tilespmem:s25], [sflag:$0x1] =	stream.indirect.gather [hbm4b:s1+s0], $0x80, s16, s0, $0xb8;
	[tilespmem:$0x1E580] =	vst v63  }
0xd5: {  	_ =	swait.ge [sflag:s24], $0x4000  }
0xd6: {  	[sflag:s24] =	ssyncset.done $0x0  }
0xd7: {  	s17 =	simm.s32 $0x380;
	[sflag:s24] =	ssyncadd.s32 $0xFFFFC000  }
0xd8: {  	[spmem:s2] =	stream.indirect.scatter.add.f32 [tilespmem:s8], [sflag:$0x6], $0x80, s17, s0, $0xb8;
	[tilespmem:$0x1E580] =	vst v63  }
0xd9: {  	_ = 	snop  }
0xda: {  	[spmem:s3] =	stream.indirect.scatter.add.f32 [tilespmem:s20], [sflag:$0x7], $0x1, s17, s0, $0xb8;
	[tilespmem:$0x1E580] =	vst v63  }
0xdb: {  	_ =	swait.ge [sflag:s10], $0x4000  }
0xdc: {  	[sflag:s10] =	ssyncset.done $0x0  }
0xdd: {  	s19 =	simm.s32 $0x1480;
	[sflag:s10] =	ssyncadd.s32 $0xFFFFC000  }
0xde: {  	[tilespmem:s8], [sflag:$0x2] =	stream.indirect.gather [hbm4b:s1+s0], $0x80, s19, s0, $0xb8;
	[tilespmem:$0x1E580] =	vst v63  }
0xdf: {  	_ =	swait.ge [sflag:s18], $0x4000  }
0xe0: {  	[sflag:s18] =	ssyncset.done $0x0  }
0xe1: {  	s21 =	simm.s32 $0x400;
	[sflag:s18] =	ssyncadd.s32 $0xFFFFC000  }
0xe2: {  	[spmem:s2] =	stream.indirect.scatter.add.f32 [tilespmem:s25], [sflag:$0x5], $0x80, s21, s0, $0xb8;
	[tilespmem:$0x1E580] =	vst v63  }
0xe3: {  	_ = 	snop  }
0xe4: {  	[spmem:s3] =	stream.indirect.scatter.add.f32 [tilespmem:s20], [sflag:$0x7], $0x1, s21, s0, $0xb8;
	[tilespmem:$0x1E580] =	vst v63  }
0xe5: {  	_ =	swait.ge [sflag:s22], $0x4000  }
0xe6: {  	[sflag:s22] =	ssyncset.done $0x0  }
0xe7: {  	s23 =	simm.s32 $0x1500;
	[sflag:s22] =	ssyncadd.s32 $0xFFFFC000  }
0xe8: {  	[tilespmem:s25], [sflag:$0x1] =	stream.indirect.gather [hbm4b:s1+s0], $0x80, s23, s0, $0xb8;
	[tilespmem:$0x1E580] =	vst v63  }
0xe9: {  	_ =	swait.ge [sflag:s24], $0x4000  }
0xea: {  	[sflag:s24] =	ssyncset.done $0x0  }
0xeb: {  	s28 =	simm.s32 $0x480;
	[sflag:s24] =	ssyncadd.s32 $0xFFFFC000  }
0xec: {  	[spmem:s2] =	stream.indirect.scatter.add.f32 [tilespmem:s8], [sflag:$0x6], $0x80, s28, s0, $0xb8;
	[tilespmem:$0x1E580] =	vst v63  }
0xed: {  	_ = 	snop  }
0xee: {  	[spmem:s3] =	stream.indirect.scatter.add.f32 [tilespmem:s20], [sflag:$0x7], $0x1, s28, s0, $0xb8;
	[tilespmem:$0x1E580] =	vst v63  }
0xef: {  	_ =	swait.ge [sflag:s10], $0x4000  }
0xf0: {  	[sflag:s10] =	ssyncset.done $0x0  }
0xf1: {  	s11 =	simm.s32 $0x1580;
	[sflag:s10] =	ssyncadd.s32 $0xFFFFC000  }
0xf2: {  	[tilespmem:s8], [sflag:$0x2] =	stream.indirect.gather [hbm4b:s1+s0], $0x80, s11, s0, $0xb8;
	[tilespmem:$0x1E580] =	vst v63  }
0xf3: {  	_ =	swait.ge [sflag:s18], $0x4000  }
0xf4: {  	[sflag:s18] =	ssyncset.done $0x0  }
0xf5: {  	s12 =	simm.s32 $0x500;
	[sflag:s18] =	ssyncadd.s32 $0xFFFFC000  }
0xf6: {  	[spmem:s2] =	stream.indirect.scatter.add.f32 [tilespmem:s25], [sflag:$0x5], $0x80, s12, s0, $0xb8;
	[tilespmem:$0x1E580] =	vst v63  }
0xf7: {  	_ = 	snop  }
0xf8: {  	[spmem:s3] =	stream.indirect.scatter.add.f32 [tilespmem:s20], [sflag:$0x7], $0x1, s12, s0, $0xb8;
	[tilespmem:$0x1E580] =	vst v63  }
0xf9: {  	_ =	swait.ge [sflag:s22], $0x4000  }
0xfa: {  	[sflag:s22] =	ssyncset.done $0x0  }
0xfb: {  	s13 =	simm.s32 $0x1600;
	[sflag:s22] =	ssyncadd.s32 $0xFFFFC000  }
0xfc: {  	[tilespmem:s25], [sflag:$0x1] =	stream.indirect.gather [hbm4b:s1+s0], $0x80, s13, s0, $0xb8;
	[tilespmem:$0x1E580] =	vst v63  }
0xfd: {  	_ =	swait.ge [sflag:s24], $0x4000  }
0xfe: {  	[sflag:s24] =	ssyncset.done $0x0  }
0xff: {  	s14 =	simm.s32 $0x580;
	[sflag:s24] =	ssyncadd.s32 $0xFFFFC000  }
0x100: {  	[spmem:s2] =	stream.indirect.scatter.add.f32 [tilespmem:s8], [sflag:$0x6], $0x80, s14, s0, $0xb8;
	[tilespmem:$0x1E580] =	vst v63  }
0x101: {  	_ = 	snop  }
0x102: {  	[spmem:s3] =	stream.indirect.scatter.add.f32 [tilespmem:s20], [sflag:$0x7], $0x1, s14, s0, $0xb8;
	[tilespmem:$0x1E580] =	vst v63  }
0x103: {  	_ =	swait.ge [sflag:s10], $0x4000  }
0x104: {  	[sflag:s10] =	ssyncset.done $0x0  }
0x105: {  	s15 =	simm.s32 $0x1680;
	[sflag:s10] =	ssyncadd.s32 $0xFFFFC000  }
0x106: {  	[tilespmem:s8], [sflag:$0x2] =	stream.indirect.gather [hbm4b:s1+s0], $0x80, s15, s0, $0xb8;
	[tilespmem:$0x1E580] =	vst v63  }
0x107: {  	_ =	swait.ge [sflag:s18], $0x4000  }
0x108: {  	[sflag:s18] =	ssyncset.done $0x0  }
0x109: {  	s16 =	simm.s32 $0x600;
	[sflag:s18] =	ssyncadd.s32 $0xFFFFC000  }
0x10a: {  	[spmem:s2] =	stream.indirect.scatter.add.f32 [tilespmem:s25], [sflag:$0x5], $0x80, s16, s0, $0xb8;
	[tilespmem:$0x1E580] =	vst v63  }
0x10b: {  	_ = 	snop  }
0x10c: {  	[spmem:s3] =	stream.indirect.scatter.add.f32 [tilespmem:s20], [sflag:$0x7], $0x1, s16, s0, $0xb8;
	[tilespmem:$0x1E580] =	vst v63  }
0x10d: {  	_ =	swait.ge [sflag:s22], $0x4000  }
0x10e: {  	[sflag:s22] =	ssyncset.done $0x0  }
0x10f: {  	s17 =	simm.s32 $0x1700;
	[sflag:s22] =	ssyncadd.s32 $0xFFFFC000  }
0x110: {  	[tilespmem:s25], [sflag:$0x1] =	stream.indirect.gather [hbm4b:s1+s0], $0x80, s17, s0, $0xb8;
	[tilespmem:$0x1E580] =	vst v63  }
0x111: {  	_ =	swait.ge [sflag:s24], $0x4000  }
0x112: {  	[sflag:s24] =	ssyncset.done $0x0  }
0x113: {  	s19 =	simm.s32 $0x680;
	[sflag:s24] =	ssyncadd.s32 $0xFFFFC000  }
0x114: {  	[spmem:s2] =	stream.indirect.scatter.add.f32 [tilespmem:s8], [sflag:$0x6], $0x80, s19, s0, $0xb8;
	[tilespmem:$0x1E580] =	vst v63  }
0x115: {  	_ = 	snop  }
0x116: {  	[spmem:s3] =	stream.indirect.scatter.add.f32 [tilespmem:s20], [sflag:$0x7], $0x1, s19, s0, $0xb8;
	[tilespmem:$0x1E580] =	vst v63  }
0x117: {  	_ =	swait.ge [sflag:s10], $0x4000  }
0x118: {  	[sflag:s10] =	ssyncset.done $0x0  }
0x119: {  	s21 =	simm.s32 $0x1780;
	[sflag:s10] =	ssyncadd.s32 $0xFFFFC000  }
0x11a: {  	[tilespmem:s8], [sflag:$0x2] =	stream.indirect.gather [hbm4b:s1+s0], $0x80, s21, s0, $0xb8;
	[tilespmem:$0x1E580] =	vst v63  }
0x11b: {  	_ =	swait.ge [sflag:s18], $0x4000  }
0x11c: {  	[sflag:s18] =	ssyncset.done $0x0  }
0x11d: {  	s23 =	simm.s32 $0x700;
	[sflag:s18] =	ssyncadd.s32 $0xFFFFC000  }
0x11e: {  	[spmem:s2] =	stream.indirect.scatter.add.f32 [tilespmem:s25], [sflag:$0x5], $0x80, s23, s0, $0xb8;
	[tilespmem:$0x1E580] =	vst v63  }
0x11f: {  	_ = 	snop  }
0x120: {  	[spmem:s3] =	stream.indirect.scatter.add.f32 [tilespmem:s20], [sflag:$0x7], $0x1, s23, s0, $0xb8;
	[tilespmem:$0x1E580] =	vst v63  }
0x121: {  	_ =	swait.ge [sflag:s22], $0x4000  }
0x122: {  	[sflag:s22] =	ssyncset.done $0x0  }
0x123: {  	[sflag:s22] =	ssyncadd.s32 $0xFFFFC000  }
0x124: {  	_ =	swait.ge [sflag:s24], $0x4000  }
0x125: {  	[sflag:s24] =	ssyncset.done $0x0  }
0x126: {  	s28 =	simm.s32 $0x780;
	[sflag:s24] =	ssyncadd.s32 $0xFFFFC000  }
0x127: {  	[spmem:s2] =	stream.indirect.scatter.add.f32 [tilespmem:s8], [sflag:$0x6], $0x80, s28, s0, $0xb8;
	[tilespmem:$0x1E580] =	vst v63  }
0x128: {  	_ = 	snop  }
0x129: {  	[spmem:s3] =	stream.indirect.scatter.add.f32 [tilespmem:s20], [sflag:$0x7], $0x1, s28, s0, $0xb8;
	[tilespmem:$0x1E580] =	vst v63  }
0x12a: {  	_ =	swait.ge [sflag:s10], $0x4000  }
0x12b: {  	[sflag:s10] =	ssyncset.done $0x0  }
0x12c: {  	[sflag:s10] =	ssyncadd.s32 $0xFFFFC000  }
0x12d: {  	_ =	swait.ge [sflag:s29], $0x80  }
0x12e: {  	[sflag:s29] =	ssyncset.done $0x0  }
0x12f: {  	[sflag:s29] =	ssyncadd.s32 $0xFFFFFF80  }
0x130: {  	_ =	swait.ge [sflag:s29], $0x80  }
0x131: {  	[sflag:s29] =	ssyncset.done $0x0  }
0x132: {  	[sflag:s29] =	ssyncadd.s32 $0xFFFFFF80  }
0x133: {  	_ =	swait.ge [sflag:s29], $0x80  }
0x134: {  	[sflag:s29] =	ssyncset.done $0x0  }
0x135: {  	[sflag:s29] =	ssyncadd.s32 $0xFFFFFF80  }
0x136: {  	_ =	swait.ge [sflag:s29], $0x80  }
0x137: {  	[sflag:s29] =	ssyncset.done $0x0  }
0x138: {  	[sflag:s29] =	ssyncadd.s32 $0xFFFFFF80  }
0x139: {  	_ =	swait.ge [sflag:s29], $0x80  }
0x13a: {  	[sflag:s29] =	ssyncset.done $0x0  }
0x13b: {  	[sflag:s29] =	ssyncadd.s32 $0xFFFFFF80  }
0x13c: {  	_ =	swait.ge [sflag:s29], $0x80  }
0x13d: {  	[sflag:s29] =	ssyncset.done $0x0  }
0x13e: {  	[sflag:s29] =	ssyncadd.s32 $0xFFFFFF80  }
0x13f: {  	_ =	swait.ge [sflag:s29], $0x80  }
0x140: {  	[sflag:s29] =	ssyncset.done $0x0  }
0x141: {  	[sflag:s29] =	ssyncadd.s32 $0xFFFFFF80  }
0x142: {  	_ =	swait.ge [sflag:s29], $0x80  }
0x143: {  	[sflag:s29] =	ssyncset.done $0x0  }
0x144: {  	[sflag:s29] =	ssyncadd.s32 $0xFFFFFF80  }
0x145: {  	_ =	swait.ge [sflag:s29], $0x80  }
0x146: {  	[sflag:s29] =	ssyncset.done $0x0  }
0x147: {  	[sflag:s29] =	ssyncadd.s32 $0xFFFFFF80  }
0x148: {  	_ =	swait.ge [sflag:s29], $0x80  }
0x149: {  	[sflag:s29] =	ssyncset.done $0x0  }
0x14a: {  	[sflag:s29] =	ssyncadd.s32 $0xFFFFFF80  }
0x14b: {  	_ =	swait.ge [sflag:s29], $0x80  }
0x14c: {  	[sflag:s29] =	ssyncset.done $0x0  }
0x14d: {  	[sflag:s29] =	ssyncadd.s32 $0xFFFFFF80  }
0x14e: {  	_ =	swait.ge [sflag:s29], $0x80  }
0x14f: {  	[sflag:s29] =	ssyncset.done $0x0  }
0x150: {  	[sflag:s29] =	ssyncadd.s32 $0xFFFFFF80  }
0x151: {  	_ =	swait.ge [sflag:s29], $0x80  }
0x152: {  	[sflag:s29] =	ssyncset.done $0x0  }
0x153: {  	[sflag:s29] =	ssyncadd.s32 $0xFFFFFF80  }
0x154: {  	_ =	swait.ge [sflag:s29], $0x80  }
0x155: {  	[sflag:s29] =	ssyncset.done $0x0  }
0x156: {  	[sflag:s29] =	ssyncadd.s32 $0xFFFFFF80  }
0x157: {  	_ =	swait.ge [sflag:s29], $0x80  }
0x158: {  	[sflag:s29] =	ssyncset.done $0x0  }
0x159: {  	[sflag:s29] =	ssyncadd.s32 $0xFFFFFF80  }
0x15a: {  	_ =	swait.ge [sflag:s29], $0x80  }
0x15b: {  	[sflag:s29] =	ssyncset.done $0x0  }
0x15c: {  	[sflag:s29] =	ssyncadd.s32 $0xFFFFFF80  }
0x15d: {  	_ =	swait.ge [sflag:s30], $0x800  }
0x15e: {  	[sflag:s30] =	ssyncset.done $0x0  }
0x15f: {  	[sflag:s30] =	ssyncadd.s32 $0xFFFFF800  }
0x160: {  	_ =	swait.ge [sflag:s31], $0x800  }
0x161: {  	[sflag:s31] =	ssyncset.done $0x0  }
0x162: {  	s9 =	simm.s32 $0x1800;
	[sflag:s31] =	ssyncadd.s32 $0xFFFFF800  }
0x163: {  	[tilespmem:s25], [sflag:$0x1] =	stream.indirect.gather [hbm4b:s1+s0], $0x80, s9, s0, $0xb8;
	[tilespmem:$0x1E580] =	vst v63  }
0x164: {  	s11 =	rddreg [dreg:$0x11]  }
0x165: {  	[tilespmem:s5], [sflag:$0x3] =	stream.linear.gather [hbm4b:s11+s5], $0x800, $0x38;
	[tilespmem:$0x1E580] =	vst v63  }
0x166: {  	s4 =	simm.s32 $0x1000;
	s13 =	rddreg [dreg:$0xc]  }
0x167: {  	[tilespmem:s4], [sflag:$0x4] =	stream.linear.gather [hbm4b:s13+s5], $0x800, $0x38;
	[tilespmem:$0x1E580] =	vst v63  }
0x168: {  	s14 =	simm.s32 $0x1880  }
0x169: {  	[tilespmem:s8], [sflag:$0x2] =	stream.indirect.gather [hbm4b:s1+s0], $0x80, s14, s0, $0xb8;
	[tilespmem:$0x1E580] =	vst v63  }
0x16a: {  	_ =	swait.ge [sflag:s18], $0x4000  }
0x16b: {  	[sflag:s18] =	ssyncset.done $0x0  }
0x16c: {  	s15 =	simm.s32 $0x800;
	[sflag:s18] =	ssyncadd.s32 $0xFFFFC000  }
0x16d: {  	[spmem:s2] =	stream.indirect.scatter.add.f32 [tilespmem:s25], [sflag:$0x5], $0x80, s15, s0, $0xb8;
	[tilespmem:$0x1E580] =	vst v63  }
0x16e: {  	_ = 	snop  }
0x16f: {  	[spmem:s3] =	stream.indirect.scatter.add.f32 [tilespmem:s20], [sflag:$0x7], $0x1, s15, s0, $0xb8;
	[tilespmem:$0x1E580] =	vst v63  }
0x170: {  	_ =	swait.ge [sflag:s22], $0x4000  }
0x171: {  	[sflag:s22] =	ssyncset.done $0x0  }
0x172: {  	s16 =	simm.s32 $0x1900;
	[sflag:s22] =	ssyncadd.s32 $0xFFFFC000  }
0x173: {  	[tilespmem:s25], [sflag:$0x1] =	stream.indirect.gather [hbm4b:s1+s0], $0x80, s16, s0, $0xb8;
	[tilespmem:$0x1E580] =	vst v63  }
0x174: {  	_ =	swait.ge [sflag:s24], $0x4000  }
0x175: {  	[sflag:s24] =	ssyncset.done $0x0  }
0x176: {  	s17 =	simm.s32 $0x880;
	[sflag:s24] =	ssyncadd.s32 $0xFFFFC000  }
0x177: {  	[spmem:s2] =	stream.indirect.scatter.add.f32 [tilespmem:s8], [sflag:$0x6], $0x80, s17, s0, $0xb8;
	[tilespmem:$0x1E580] =	vst v63  }
0x178: {  	_ = 	snop  }
0x179: {  	[spmem:s3] =	stream.indirect.scatter.add.f32 [tilespmem:s20], [sflag:$0x7], $0x1, s17, s0, $0xb8;
	[tilespmem:$0x1E580] =	vst v63  }
0x17a: {  	_ =	swait.ge [sflag:s10], $0x4000  }
0x17b: {  	[sflag:s10] =	ssyncset.done $0x0  }
0x17c: {  	s19 =	simm.s32 $0x1980;
	[sflag:s10] =	ssyncadd.s32 $0xFFFFC000  }
0x17d: {  	[tilespmem:s8], [sflag:$0x2] =	stream.indirect.gather [hbm4b:s1+s0], $0x80, s19, s0, $0xb8;
	[tilespmem:$0x1E580] =	vst v63  }
0x17e: {  	_ =	swait.ge [sflag:s18], $0x4000  }
0x17f: {  	[sflag:s18] =	ssyncset.done $0x0  }
0x180: {  	s6 =	simm.s32 $0x900;
	[sflag:s18] =	ssyncadd.s32 $0xFFFFC000  }
0x181: {  	[spmem:s2] =	stream.indirect.scatter.add.f32 [tilespmem:s25], [sflag:$0x5], $0x80, s6, s0, $0xb8;
	[tilespmem:$0x1E580] =	vst v63  }
0x182: {  	_ = 	snop  }
0x183: {  	[spmem:s3] =	stream.indirect.scatter.add.f32 [tilespmem:s20], [sflag:$0x7], $0x1, s6, s0, $0xb8;
	[tilespmem:$0x1E580] =	vst v63  }
0x184: {  	_ =	swait.ge [sflag:s22], $0x4000  }
0x185: {  	[sflag:s22] =	ssyncset.done $0x0  }
0x186: {  	s21 =	simm.s32 $0x1A00;
	[sflag:s22] =	ssyncadd.s32 $0xFFFFC000  }
0x187: {  	[tilespmem:s25], [sflag:$0x1] =	stream.indirect.gather [hbm4b:s1+s0], $0x80, s21, s0, $0xb8;
	[tilespmem:$0x1E580] =	vst v63  }
0x188: {  	_ =	swait.ge [sflag:s24], $0x4000  }
0x189: {  	[sflag:s24] =	ssyncset.done $0x0  }
0x18a: {  	s23 =	simm.s32 $0x980;
	[sflag:s24] =	ssyncadd.s32 $0xFFFFC000  }
0x18b: {  	[spmem:s2] =	stream.indirect.scatter.add.f32 [tilespmem:s8], [sflag:$0x6], $0x80, s23, s0, $0xb8;
	[tilespmem:$0x1E580] =	vst v63  }
0x18c: {  	_ = 	snop  }
0x18d: {  	[spmem:s3] =	stream.indirect.scatter.add.f32 [tilespmem:s20], [sflag:$0x7], $0x1, s23, s0, $0xb8;
	[tilespmem:$0x1E580] =	vst v63  }
0x18e: {  	_ =	swait.ge [sflag:s10], $0x4000  }
0x18f: {  	[sflag:s10] =	ssyncset.done $0x0  }
0x190: {  	s28 =	simm.s32 $0x1A80;
	[sflag:s10] =	ssyncadd.s32 $0xFFFFC000  }
0x191: {  	[tilespmem:s8], [sflag:$0x2] =	stream.indirect.gather [hbm4b:s1+s0], $0x80, s28, s0, $0xb8;
	[tilespmem:$0x1E580] =	vst v63  }
0x192: {  	_ =	swait.ge [sflag:s18], $0x4000  }
0x193: {  	[sflag:s18] =	ssyncset.done $0x0  }
0x194: {  	s9 =	simm.s32 $0xA00;
	[sflag:s18] =	ssyncadd.s32 $0xFFFFC000  }
0x195: {  	[spmem:s2] =	stream.indirect.scatter.add.f32 [tilespmem:s25], [sflag:$0x5], $0x80, s9, s0, $0xb8;
	[tilespmem:$0x1E580] =	vst v63  }
0x196: {  	_ = 	snop  }
0x197: {  	[spmem:s3] =	stream.indirect.scatter.add.f32 [tilespmem:s20], [sflag:$0x7], $0x1, s9, s0, $0xb8;
	[tilespmem:$0x1E580] =	vst v63  }
0x198: {  	_ =	swait.ge [sflag:s22], $0x4000  }
0x199: {  	[sflag:s22] =	ssyncset.done $0x0  }
0x19a: {  	s11 =	simm.s32 $0x1B00;
	[sflag:s22] =	ssyncadd.s32 $0xFFFFC000  }
0x19b: {  	[tilespmem:s25], [sflag:$0x1] =	stream.indirect.gather [hbm4b:s1+s0], $0x80, s11, s0, $0xb8;
	[tilespmem:$0x1E580] =	vst v63  }
0x19c: {  	_ =	swait.ge [sflag:s24], $0x4000  }
0x19d: {  	[sflag:s24] =	ssyncset.done $0x0  }
0x19e: {  	s11 =	simm.s32 $0xA80;
	[sflag:s24] =	ssyncadd.s32 $0xFFFFC000  }
0x19f: {  	[spmem:s2] =	stream.indirect.scatter.add.f32 [tilespmem:s8], [sflag:$0x6], $0x80, s11, s0, $0xb8;
	[tilespmem:$0x1E580] =	vst v63  }
0x1a0: {  	_ = 	snop  }
0x1a1: {  	[spmem:s3] =	stream.indirect.scatter.add.f32 [tilespmem:s20], [sflag:$0x7], $0x1, s11, s0, $0xb8;
	[tilespmem:$0x1E580] =	vst v63  }
0x1a2: {  	_ =	swait.ge [sflag:s10], $0x4000  }
0x1a3: {  	[sflag:s10] =	ssyncset.done $0x0  }
0x1a4: {  	s13 =	simm.s32 $0x1B80;
	[sflag:s10] =	ssyncadd.s32 $0xFFFFC000  }
0x1a5: {  	[tilespmem:s8], [sflag:$0x2] =	stream.indirect.gather [hbm4b:s1+s0], $0x80, s13, s0, $0xb8;
	[tilespmem:$0x1E580] =	vst v63  }
0x1a6: {  	_ =	swait.ge [sflag:s18], $0x4000  }
0x1a7: {  	[sflag:s18] =	ssyncset.done $0x0  }
0x1a8: {  	s13 =	simm.s32 $0xB00;
	[sflag:s18] =	ssyncadd.s32 $0xFFFFC000  }
0x1a9: {  	[spmem:s2] =	stream.indirect.scatter.add.f32 [tilespmem:s25], [sflag:$0x5], $0x80, s13, s0, $0xb8;
	[tilespmem:$0x1E580] =	vst v63  }
0x1aa: {  	_ = 	snop  }
0x1ab: {  	[spmem:s3] =	stream.indirect.scatter.add.f32 [tilespmem:s20], [sflag:$0x7], $0x1, s13, s0, $0xb8;
	[tilespmem:$0x1E580] =	vst v63  }
0x1ac: {  	_ =	swait.ge [sflag:s22], $0x4000  }
0x1ad: {  	[sflag:s22] =	ssyncset.done $0x0  }
0x1ae: {  	s14 =	simm.s32 $0x1C00;
	[sflag:s22] =	ssyncadd.s32 $0xFFFFC000  }
0x1af: {  	[tilespmem:s25], [sflag:$0x1] =	stream.indirect.gather [hbm4b:s1+s0], $0x80, s14, s0, $0xb8;
	[tilespmem:$0x1E580] =	vst v63  }
0x1b0: {  	_ =	swait.ge [sflag:s24], $0x4000  }
0x1b1: {  	[sflag:s24] =	ssyncset.done $0x0  }
0x1b2: {  	s14 =	simm.s32 $0xB80;
	[sflag:s24] =	ssyncadd.s32 $0xFFFFC000  }
0x1b3: {  	[spmem:s2] =	stream.indirect.scatter.add.f32 [tilespmem:s8], [sflag:$0x6], $0x80, s14, s0, $0xb8;
	[tilespmem:$0x1E580] =	vst v63  }
0x1b4: {  	_ = 	snop  }
0x1b5: {  	[spmem:s3] =	stream.indirect.scatter.add.f32 [tilespmem:s20], [sflag:$0x7], $0x1, s14, s0, $0xb8;
	[tilespmem:$0x1E580] =	vst v63  }
0x1b6: {  	_ =	swait.ge [sflag:s10], $0x4000  }
0x1b7: {  	[sflag:s10] =	ssyncset.done $0x0  }
0x1b8: {  	s15 =	simm.s32 $0x1C80;
	[sflag:s10] =	ssyncadd.s32 $0xFFFFC000  }
0x1b9: {  	[tilespmem:s8], [sflag:$0x2] =	stream.indirect.gather [hbm4b:s1+s0], $0x80, s15, s0, $0xb8;
	[tilespmem:$0x1E580] =	vst v63  }
0x1ba: {  	_ =	swait.ge [sflag:s18], $0x4000  }
0x1bb: {  	[sflag:s18] =	ssyncset.done $0x0  }
0x1bc: {  	s15 =	simm.s32 $0xC00;
	[sflag:s18] =	ssyncadd.s32 $0xFFFFC000  }
0x1bd: {  	[spmem:s2] =	stream.indirect.scatter.add.f32 [tilespmem:s25], [sflag:$0x5], $0x80, s15, s0, $0xb8;
	[tilespmem:$0x1E580] =	vst v63  }
0x1be: {  	_ = 	snop  }
0x1bf: {  	[spmem:s3] =	stream.indirect.scatter.add.f32 [tilespmem:s20], [sflag:$0x7], $0x1, s15, s0, $0xb8;
	[tilespmem:$0x1E580] =	vst v63  }
0x1c0: {  	_ =	swait.ge [sflag:s22], $0x4000  }
0x1c1: {  	[sflag:s22] =	ssyncset.done $0x0  }
0x1c2: {  	s16 =	simm.s32 $0x1D00;
	[sflag:s22] =	ssyncadd.s32 $0xFFFFC000  }
0x1c3: {  	[tilespmem:s25], [sflag:$0x1] =	stream.indirect.gather [hbm4b:s1+s0], $0x80, s16, s0, $0xb8;
	[tilespmem:$0x1E580] =	vst v63  }
0x1c4: {  	_ =	swait.ge [sflag:s24], $0x4000  }
0x1c5: {  	[sflag:s24] =	ssyncset.done $0x0  }
0x1c6: {  	s16 =	simm.s32 $0xC80;
	[sflag:s24] =	ssyncadd.s32 $0xFFFFC000  }
0x1c7: {  	[spmem:s2] =	stream.indirect.scatter.add.f32 [tilespmem:s8], [sflag:$0x6], $0x80, s16, s0, $0xb8;
	[tilespmem:$0x1E580] =	vst v63  }
0x1c8: {  	_ = 	snop  }
0x1c9: {  	[spmem:s3] =	stream.indirect.scatter.add.f32 [tilespmem:s20], [sflag:$0x7], $0x1, s16, s0, $0xb8;
	[tilespmem:$0x1E580] =	vst v63  }
0x1ca: {  	_ =	swait.ge [sflag:s10], $0x4000  }
0x1cb: {  	[sflag:s10] =	ssyncset.done $0x0  }
0x1cc: {  	s17 =	simm.s32 $0x1D80;
	[sflag:s10] =	ssyncadd.s32 $0xFFFFC000  }
0x1cd: {  	[tilespmem:s8], [sflag:$0x2] =	stream.indirect.gather [hbm4b:s1+s0], $0x80, s17, s0, $0xb8;
	[tilespmem:$0x1E580] =	vst v63  }
0x1ce: {  	_ =	swait.ge [sflag:s18], $0x4000  }
0x1cf: {  	[sflag:s18] =	ssyncset.done $0x0  }
0x1d0: {  	s17 =	simm.s32 $0xD00;
	[sflag:s18] =	ssyncadd.s32 $0xFFFFC000  }
0x1d1: {  	[spmem:s2] =	stream.indirect.scatter.add.f32 [tilespmem:s25], [sflag:$0x5], $0x80, s17, s0, $0xb8;
	[tilespmem:$0x1E580] =	vst v63  }
0x1d2: {  	_ = 	snop  }
0x1d3: {  	[spmem:s3] =	stream.indirect.scatter.add.f32 [tilespmem:s20], [sflag:$0x7], $0x1, s17, s0, $0xb8;
	[tilespmem:$0x1E580] =	vst v63  }
0x1d4: {  	_ =	swait.ge [sflag:s22], $0x4000  }
0x1d5: {  	[sflag:s22] =	ssyncset.done $0x0  }
0x1d6: {  	s19 =	simm.s32 $0x1E00;
	[sflag:s22] =	ssyncadd.s32 $0xFFFFC000  }
0x1d7: {  	[tilespmem:s25], [sflag:$0x1] =	stream.indirect.gather [hbm4b:s1+s0], $0x80, s19, s0, $0xb8;
	[tilespmem:$0x1E580] =	vst v63  }
0x1d8: {  	_ =	swait.ge [sflag:s24], $0x4000  }
0x1d9: {  	[sflag:s24] =	ssyncset.done $0x0  }
0x1da: {  	s19 =	simm.s32 $0xD80;
	[sflag:s24] =	ssyncadd.s32 $0xFFFFC000  }
0x1db: {  	[spmem:s2] =	stream.indirect.scatter.add.f32 [tilespmem:s8], [sflag:$0x6], $0x80, s19, s0, $0xb8;
	[tilespmem:$0x1E580] =	vst v63  }
0x1dc: {  	_ = 	snop  }
0x1dd: {  	[spmem:s3] =	stream.indirect.scatter.add.f32 [tilespmem:s20], [sflag:$0x7], $0x1, s19, s0, $0xb8;
	[tilespmem:$0x1E580] =	vst v63  }
0x1de: {  	_ =	swait.ge [sflag:s10], $0x4000  }
0x1df: {  	[sflag:s10] =	ssyncset.done $0x0  }
0x1e0: {  	s21 =	simm.s32 $0x1E80;
	[sflag:s10] =	ssyncadd.s32 $0xFFFFC000  }
0x1e1: {  	[tilespmem:s8], [sflag:$0x2] =	stream.indirect.gather [hbm4b:s1+s0], $0x80, s21, s0, $0xb8;
	[tilespmem:$0x1E580] =	vst v63  }
0x1e2: {  	_ =	swait.ge [sflag:s18], $0x4000  }
0x1e3: {  	[sflag:s18] =	ssyncset.done $0x0  }
0x1e4: {  	s21 =	simm.s32 $0xE00;
	[sflag:s18] =	ssyncadd.s32 $0xFFFFC000  }
0x1e5: {  	[spmem:s2] =	stream.indirect.scatter.add.f32 [tilespmem:s25], [sflag:$0x5], $0x80, s21, s0, $0xb8;
	[tilespmem:$0x1E580] =	vst v63  }
0x1e6: {  	_ = 	snop  }
0x1e7: {  	[spmem:s3] =	stream.indirect.scatter.add.f32 [tilespmem:s20], [sflag:$0x7], $0x1, s21, s0, $0xb8;
	[tilespmem:$0x1E580] =	vst v63  }
0x1e8: {  	_ =	swait.ge [sflag:s22], $0x4000  }
0x1e9: {  	[sflag:s22] =	ssyncset.done $0x0  }
0x1ea: {  	s23 =	simm.s32 $0x1F00;
	[sflag:s22] =	ssyncadd.s32 $0xFFFFC000  }
0x1eb: {  	[tilespmem:s25], [sflag:$0x1] =	stream.indirect.gather [hbm4b:s1+s0], $0x80, s23, s0, $0xb8;
	[tilespmem:$0x1E580] =	vst v63  }
0x1ec: {  	_ =	swait.ge [sflag:s24], $0x4000  }
0x1ed: {  	[sflag:s24] =	ssyncset.done $0x0  }
0x1ee: {  	s23 =	simm.s32 $0xE80;
	[sflag:s24] =	ssyncadd.s32 $0xFFFFC000  }
0x1ef: {  	[spmem:s2] =	stream.indirect.scatter.add.f32 [tilespmem:s8], [sflag:$0x6], $0x80, s23, s0, $0xb8;
	[tilespmem:$0x1E580] =	vst v63  }
0x1f0: {  	_ = 	snop  }
0x1f1: {  	[spmem:s3] =	stream.indirect.scatter.add.f32 [tilespmem:s20], [sflag:$0x7], $0x1, s23, s0, $0xb8;
	[tilespmem:$0x1E580] =	vst v63  }
0x1f2: {  	_ =	swait.ge [sflag:s10], $0x4000  }
0x1f3: {  	[sflag:s10] =	ssyncset.done $0x0  }
0x1f4: {  	s28 =	simm.s32 $0x1F80;
	[sflag:s10] =	ssyncadd.s32 $0xFFFFC000  }
0x1f5: {  	[tilespmem:s8], [sflag:$0x2] =	stream.indirect.gather [hbm4b:s1+s0], $0x80, s28, s0, $0xb8;
	[tilespmem:$0x1E580] =	vst v63  }
0x1f6: {  	_ =	swait.ge [sflag:s18], $0x4000  }
0x1f7: {  	[sflag:s18] =	ssyncset.done $0x0  }
0x1f8: {  	s4 =	simm.s32 $0xF00;
	[sflag:s18] =	ssyncadd.s32 $0xFFFFC000  }
0x1f9: {  	[spmem:s2] =	stream.indirect.scatter.add.f32 [tilespmem:s25], [sflag:$0x5], $0x80, s4, s0, $0xb8;
	[tilespmem:$0x1E580] =	vst v63  }
0x1fa: {  	_ = 	snop  }
0x1fb: {  	[spmem:s3] =	stream.indirect.scatter.add.f32 [tilespmem:s20], [sflag:$0x7], $0x1, s4, s0, $0xb8;
	[tilespmem:$0x1E580] =	vst v63  }
0x1fc: {  	_ =	swait.ge [sflag:s22], $0x4000  }
0x1fd: {  	[sflag:s22] =	ssyncset.done $0x0  }
0x1fe: {  	[sflag:s22] =	ssyncadd.s32 $0xFFFFC000  }
0x1ff: {  	_ =	swait.ge [sflag:s24], $0x4000  }
0x200: {  	[sflag:s24] =	ssyncset.done $0x0  }
0x201: {  	s28 =	simm.s32 $0xF80;
	[sflag:s24] =	ssyncadd.s32 $0xFFFFC000  }
0x202: {  	[spmem:s2] =	stream.indirect.scatter.add.f32 [tilespmem:s8], [sflag:$0x6], $0x80, s28, s0, $0xb8;
	[tilespmem:$0x1E580] =	vst v63  }
0x203: {  	_ = 	snop  }
0x204: {  	[spmem:s3] =	stream.indirect.scatter.add.f32 [tilespmem:s20], [sflag:$0x7], $0x1, s28, s0, $0xb8;
	[tilespmem:$0x1E580] =	vst v63  }
0x205: {  	_ =	swait.ge [sflag:s10], $0x4000  }
0x206: {  	[sflag:s10] =	ssyncset.done $0x0  }
0x207: {  	[sflag:s10] =	ssyncadd.s32 $0xFFFFC000  }
0x208: {  	_ =	swait.ge [sflag:s29], $0x80  }
0x209: {  	[sflag:s29] =	ssyncset.done $0x0  }
0x20a: {  	[sflag:s29] =	ssyncadd.s32 $0xFFFFFF80  }
0x20b: {  	_ =	swait.ge [sflag:s29], $0x80  }
0x20c: {  	[sflag:s29] =	ssyncset.done $0x0  }
0x20d: {  	[sflag:s29] =	ssyncadd.s32 $0xFFFFFF80  }
0x20e: {  	_ =	swait.ge [sflag:s29], $0x80  }
0x20f: {  	[sflag:s29] =	ssyncset.done $0x0  }
0x210: {  	[sflag:s29] =	ssyncadd.s32 $0xFFFFFF80  }
0x211: {  	_ =	swait.ge [sflag:s29], $0x80  }
0x212: {  	[sflag:s29] =	ssyncset.done $0x0  }
0x213: {  	[sflag:s29] =	ssyncadd.s32 $0xFFFFFF80  }
0x214: {  	_ =	swait.ge [sflag:s29], $0x80  }
0x215: {  	[sflag:s29] =	ssyncset.done $0x0  }
0x216: {  	[sflag:s29] =	ssyncadd.s32 $0xFFFFFF80  }
0x217: {  	_ =	swait.ge [sflag:s29], $0x80  }
0x218: {  	[sflag:s29] =	ssyncset.done $0x0  }
0x219: {  	[sflag:s29] =	ssyncadd.s32 $0xFFFFFF80  }
0x21a: {  	_ =	swait.ge [sflag:s29], $0x80  }
0x21b: {  	[sflag:s29] =	ssyncset.done $0x0  }
0x21c: {  	[sflag:s29] =	ssyncadd.s32 $0xFFFFFF80  }
0x21d: {  	_ =	swait.ge [sflag:s29], $0x80  }
0x21e: {  	[sflag:s29] =	ssyncset.done $0x0  }
0x21f: {  	[sflag:s29] =	ssyncadd.s32 $0xFFFFFF80  }
0x220: {  	_ =	swait.ge [sflag:s29], $0x80  }
0x221: {  	[sflag:s29] =	ssyncset.done $0x0  }
0x222: {  	[sflag:s29] =	ssyncadd.s32 $0xFFFFFF80  }
0x223: {  	_ =	swait.ge [sflag:s29], $0x80  }
0x224: {  	[sflag:s29] =	ssyncset.done $0x0  }
0x225: {  	[sflag:s29] =	ssyncadd.s32 $0xFFFFFF80  }
0x226: {  	_ =	swait.ge [sflag:s29], $0x80  }
0x227: {  	[sflag:s29] =	ssyncset.done $0x0  }
0x228: {  	[sflag:s29] =	ssyncadd.s32 $0xFFFFFF80  }
0x229: {  	_ =	swait.ge [sflag:s29], $0x80  }
0x22a: {  	[sflag:s29] =	ssyncset.done $0x0  }
0x22b: {  	[sflag:s29] =	ssyncadd.s32 $0xFFFFFF80  }
0x22c: {  	_ =	swait.ge [sflag:s29], $0x80  }
0x22d: {  	[sflag:s29] =	ssyncset.done $0x0  }
0x22e: {  	[sflag:s29] =	ssyncadd.s32 $0xFFFFFF80  }
0x22f: {  	_ =	swait.ge [sflag:s29], $0x80  }
0x230: {  	[sflag:s29] =	ssyncset.done $0x0  }
0x231: {  	[sflag:s29] =	ssyncadd.s32 $0xFFFFFF80  }
0x232: {  	_ =	swait.ge [sflag:s29], $0x80  }
0x233: {  	[sflag:s29] =	ssyncset.done $0x0  }
0x234: {  	[sflag:s29] =	ssyncadd.s32 $0xFFFFFF80  }
0x235: {  	_ =	swait.ge [sflag:s29], $0x80  }
0x236: {  	[sflag:s29] =	ssyncset.done $0x0  }
0x237: {  	[sflag:s29] =	ssyncadd.s32 $0xFFFFFF80  }
0x238: {  	_ =	swait.ge [sflag:s30], $0x800  }
0x239: {  	[sflag:s30] =	ssyncset.done $0x0  }
0x23a: {  	[sflag:s30] =	ssyncadd.s32 $0xFFFFF800  }
0x23b: {  	_ =	swait.ge [sflag:s31], $0x800  }
0x23c: {  	[sflag:s31] =	ssyncset.done $0x0  }
0x23d: {  	s12 =	simm.s32 $0x1000;
	[sflag:s31] =	ssyncadd.s32 $0xFFFFF800  }
0x23e: {  	[tilespmem:s25], [sflag:$0x1] =	stream.indirect.gather [hbm4b:s1+s0], $0x80, s12, s0, $0xb8;
	[tilespmem:$0x1E580] =	vst v63  }
0x23f: {  	s4 =	simm.s32 $0x800;
	s12 =	rddreg [dreg:$0xd]  }
0x240: {  	[tilespmem:s4], [sflag:$0x3] =	stream.linear.gather [hbm4b:s12+s5], $0x800, $0x38;
	[tilespmem:$0x1E580] =	vst v63  }
0x241: {  	s12 =	rddreg [dreg:$0xe];
	s4 =	simm.s32 $0x1800  }
0x242: {  	[tilespmem:s4], [sflag:$0x4] =	stream.linear.gather [hbm4b:s12+s5], $0x800, $0x38;
	[tilespmem:$0x1E580] =	vst v63  }
0x243: {  	s12 =	simm.s32 $0x1080  }
0x244: {  	[tilespmem:s8], [sflag:$0x2] =	stream.indirect.gather [hbm4b:s1+s0], $0x80, s12, s0, $0xb8;
	[tilespmem:$0x1E580] =	vst v63  }
0x245: {  	_ =	swait.ge [sflag:s18], $0x4000  }
0x246: {  	[sflag:s18] =	ssyncset.done $0x0  }
0x247: {  	[sflag:s18] =	ssyncadd.s32 $0xFFFFC000  }
0x248: {  	[spmem:s2] =	stream.indirect.scatter.add.f32 [tilespmem:s25], [sflag:$0x5], $0x80, s5, s0, $0xb8;
	[tilespmem:$0x1E580] =	vst v63  }
0x249: {  	_ = 	snop  }
0x24a: {  	[spmem:s3] =	stream.indirect.scatter.add.f32 [tilespmem:s20], [sflag:$0x7], $0x1, s5, s0, $0xb8;
	[tilespmem:$0x1E580] =	vst v63  }
0x24b: {  	_ =	swait.ge [sflag:s22], $0x4000  }
0x24c: {  	[sflag:s22] =	ssyncset.done $0x0  }
0x24d: {  	s12 =	simm.s32 $0x1100;
	[sflag:s22] =	ssyncadd.s32 $0xFFFFC000  }
0x24e: {  	[tilespmem:s25], [sflag:$0x1] =	stream.indirect.gather [hbm4b:s1+s0], $0x80, s12, s0, $0xb8;
	[tilespmem:$0x1E580] =	vst v63  }
0x24f: {  	_ =	swait.ge [sflag:s24], $0x4000  }
0x250: {  	[sflag:s24] =	ssyncset.done $0x0  }
0x251: {  	[sflag:s24] =	ssyncadd.s32 $0xFFFFC000  }
0x252: {  	[spmem:s2] =	stream.indirect.scatter.add.f32 [tilespmem:s8], [sflag:$0x6], $0x80, s0, s0, $0xb8;
	[tilespmem:$0x1E580] =	vst v63  }
0x253: {  	_ = 	snop  }
0x254: {  	[spmem:s3] =	stream.indirect.scatter.add.f32 [tilespmem:s20], [sflag:$0x7], $0x1, s0, s0, $0xb8;
	[tilespmem:$0x1E580] =	vst v63  }
0x255: {  	_ =	swait.ge [sflag:s10], $0x4000  }
0x256: {  	[sflag:s10] =	ssyncset.done $0x0  }
0x257: {  	s12 =	simm.s32 $0x1180;
	[sflag:s10] =	ssyncadd.s32 $0xFFFFC000  }
0x258: {  	[tilespmem:s8], [sflag:$0x2] =	stream.indirect.gather [hbm4b:s1+s0], $0x80, s12, s0, $0xb8;
	[tilespmem:$0x1E580] =	vst v63  }
0x259: {  	_ =	swait.ge [sflag:s18], $0x4000  }
0x25a: {  	[sflag:s18] =	ssyncset.done $0x0  }
0x25b: {  	s12 =	simm.s32 $0x100;
	[sflag:s18] =	ssyncadd.s32 $0xFFFFC000  }
0x25c: {  	[spmem:s2] =	stream.indirect.scatter.add.f32 [tilespmem:s25], [sflag:$0x5], $0x80, s12, s0, $0xb8;
	[tilespmem:$0x1E580] =	vst v63  }
0x25d: {  	_ = 	snop  }
0x25e: {  	[spmem:s3] =	stream.indirect.scatter.add.f32 [tilespmem:s20], [sflag:$0x7], $0x1, s12, s0, $0xb8;
	[tilespmem:$0x1E580] =	vst v63  }
0x25f: {  	_ =	swait.ge [sflag:s22], $0x4000  }
0x260: {  	[sflag:s22] =	ssyncset.done $0x0  }
0x261: {  	s12 =	simm.s32 $0x1200;
	[sflag:s22] =	ssyncadd.s32 $0xFFFFC000  }
0x262: {  	[tilespmem:s25], [sflag:$0x1] =	stream.indirect.gather [hbm4b:s1+s0], $0x80, s12, s0, $0xb8;
	[tilespmem:$0x1E580] =	vst v63  }
0x263: {  	_ =	swait.ge [sflag:s24], $0x4000  }
0x264: {  	[sflag:s24] =	ssyncset.done $0x0  }
0x265: {  	s12 =	simm.s32 $0x180;
	[sflag:s24] =	ssyncadd.s32 $0xFFFFC000  }
0x266: {  	[spmem:s2] =	stream.indirect.scatter.add.f32 [tilespmem:s8], [sflag:$0x6], $0x80, s12, s0, $0xb8;
	[tilespmem:$0x1E580] =	vst v63  }
0x267: {  	_ = 	snop  }
0x268: {  	[spmem:s3] =	stream.indirect.scatter.add.f32 [tilespmem:s20], [sflag:$0x7], $0x1, s12, s0, $0xb8;
	[tilespmem:$0x1E580] =	vst v63  }
0x269: {  	_ =	swait.ge [sflag:s10], $0x4000  }
0x26a: {  	[sflag:s10] =	ssyncset.done $0x0  }
0x26b: {  	s12 =	simm.s32 $0x1280;
	[sflag:s10] =	ssyncadd.s32 $0xFFFFC000  }
0x26c: {  	[tilespmem:s8], [sflag:$0x2] =	stream.indirect.gather [hbm4b:s1+s0], $0x80, s12, s0, $0xb8;
	[tilespmem:$0x1E580] =	vst v63  }
0x26d: {  	_ =	swait.ge [sflag:s18], $0x4000  }
0x26e: {  	[sflag:s18] =	ssyncset.done $0x0  }
0x26f: {  	s12 =	simm.s32 $0x200;
	[sflag:s18] =	ssyncadd.s32 $0xFFFFC000  }
0x270: {  	[spmem:s2] =	stream.indirect.scatter.add.f32 [tilespmem:s25], [sflag:$0x5], $0x80, s12, s0, $0xb8;
	[tilespmem:$0x1E580] =	vst v63  }
0x271: {  	_ = 	snop  }
0x272: {  	[spmem:s3] =	stream.indirect.scatter.add.f32 [tilespmem:s20], [sflag:$0x7], $0x1, s12, s0, $0xb8;
	[tilespmem:$0x1E580] =	vst v63  }
0x273: {  	_ =	swait.ge [sflag:s22], $0x4000  }
0x274: {  	[sflag:s22] =	ssyncset.done $0x0  }
0x275: {  	s12 =	simm.s32 $0x1300;
	[sflag:s22] =	ssyncadd.s32 $0xFFFFC000  }
0x276: {  	[tilespmem:s25], [sflag:$0x1] =	stream.indirect.gather [hbm4b:s1+s0], $0x80, s12, s0, $0xb8;
	[tilespmem:$0x1E580] =	vst v63  }
0x277: {  	_ =	swait.ge [sflag:s24], $0x4000  }
0x278: {  	[sflag:s24] =	ssyncset.done $0x0  }
0x279: {  	s12 =	simm.s32 $0x280;
	[sflag:s24] =	ssyncadd.s32 $0xFFFFC000  }
0x27a: {  	[spmem:s2] =	stream.indirect.scatter.add.f32 [tilespmem:s8], [sflag:$0x6], $0x80, s12, s0, $0xb8;
	[tilespmem:$0x1E580] =	vst v63  }
0x27b: {  	_ = 	snop  }
0x27c: {  	[spmem:s3] =	stream.indirect.scatter.add.f32 [tilespmem:s20], [sflag:$0x7], $0x1, s12, s0, $0xb8;
	[tilespmem:$0x1E580] =	vst v63  }
0x27d: {  	_ =	swait.ge [sflag:s10], $0x4000  }
0x27e: {  	[sflag:s10] =	ssyncset.done $0x0  }
0x27f: {  	s12 =	simm.s32 $0x1380;
	[sflag:s10] =	ssyncadd.s32 $0xFFFFC000  }
0x280: {  	[tilespmem:s8], [sflag:$0x2] =	stream.indirect.gather [hbm4b:s1+s0], $0x80, s12, s0, $0xb8;
	[tilespmem:$0x1E580] =	vst v63  }
0x281: {  	_ =	swait.ge [sflag:s18], $0x4000  }
0x282: {  	[sflag:s18] =	ssyncset.done $0x0  }
0x283: {  	s12 =	simm.s32 $0x300;
	[sflag:s18] =	ssyncadd.s32 $0xFFFFC000  }
0x284: {  	[spmem:s2] =	stream.indirect.scatter.add.f32 [tilespmem:s25], [sflag:$0x5], $0x80, s12, s0, $0xb8;
	[tilespmem:$0x1E580] =	vst v63  }
0x285: {  	_ = 	snop  }
0x286: {  	[spmem:s3] =	stream.indirect.scatter.add.f32 [tilespmem:s20], [sflag:$0x7], $0x1, s12, s0, $0xb8;
	[tilespmem:$0x1E580] =	vst v63  }
0x287: {  	_ =	swait.ge [sflag:s22], $0x4000  }
0x288: {  	[sflag:s22] =	ssyncset.done $0x0  }
0x289: {  	s12 =	simm.s32 $0x1400;
	[sflag:s22] =	ssyncadd.s32 $0xFFFFC000  }
0x28a: {  	[tilespmem:s25], [sflag:$0x1] =	stream.indirect.gather [hbm4b:s1+s0], $0x80, s12, s0, $0xb8;
	[tilespmem:$0x1E580] =	vst v63  }
0x28b: {  	_ =	swait.ge [sflag:s24], $0x4000  }
0x28c: {  	[sflag:s24] =	ssyncset.done $0x0  }
0x28d: {  	s12 =	simm.s32 $0x380;
	[sflag:s24] =	ssyncadd.s32 $0xFFFFC000  }
0x28e: {  	[spmem:s2] =	stream.indirect.scatter.add.f32 [tilespmem:s8], [sflag:$0x6], $0x80, s12, s0, $0xb8;
	[tilespmem:$0x1E580] =	vst v63  }
0x28f: {  	_ = 	snop  }
0x290: {  	[spmem:s3] =	stream.indirect.scatter.add.f32 [tilespmem:s20], [sflag:$0x7], $0x1, s12, s0, $0xb8;
	[tilespmem:$0x1E580] =	vst v63  }
0x291: {  	_ =	swait.ge [sflag:s10], $0x4000  }
0x292: {  	[sflag:s10] =	ssyncset.done $0x0  }
0x293: {  	s12 =	simm.s32 $0x1480;
	[sflag:s10] =	ssyncadd.s32 $0xFFFFC000  }
0x294: {  	[tilespmem:s8], [sflag:$0x2] =	stream.indirect.gather [hbm4b:s1+s0], $0x80, s12, s0, $0xb8;
	[tilespmem:$0x1E580] =	vst v63  }
0x295: {  	_ =	swait.ge [sflag:s18], $0x4000  }
0x296: {  	[sflag:s18] =	ssyncset.done $0x0  }
0x297: {  	s12 =	simm.s32 $0x400;
	[sflag:s18] =	ssyncadd.s32 $0xFFFFC000  }
0x298: {  	[spmem:s2] =	stream.indirect.scatter.add.f32 [tilespmem:s25], [sflag:$0x5], $0x80, s12, s0, $0xb8;
	[tilespmem:$0x1E580] =	vst v63  }
0x299: {  	_ = 	snop  }
0x29a: {  	[spmem:s3] =	stream.indirect.scatter.add.f32 [tilespmem:s20], [sflag:$0x7], $0x1, s12, s0, $0xb8;
	[tilespmem:$0x1E580] =	vst v63  }
0x29b: {  	_ =	swait.ge [sflag:s22], $0x4000  }
0x29c: {  	[sflag:s22] =	ssyncset.done $0x0  }
0x29d: {  	s12 =	simm.s32 $0x1500;
	[sflag:s22] =	ssyncadd.s32 $0xFFFFC000  }
0x29e: {  	[tilespmem:s25], [sflag:$0x1] =	stream.indirect.gather [hbm4b:s1+s0], $0x80, s12, s0, $0xb8;
	[tilespmem:$0x1E580] =	vst v63  }
0x29f: {  	_ =	swait.ge [sflag:s24], $0x4000  }
0x2a0: {  	[sflag:s24] =	ssyncset.done $0x0  }
0x2a1: {  	s12 =	simm.s32 $0x480;
	[sflag:s24] =	ssyncadd.s32 $0xFFFFC000  }
0x2a2: {  	[spmem:s2] =	stream.indirect.scatter.add.f32 [tilespmem:s8], [sflag:$0x6], $0x80, s12, s0, $0xb8;
	[tilespmem:$0x1E580] =	vst v63  }
0x2a3: {  	_ = 	snop  }
0x2a4: {  	[spmem:s3] =	stream.indirect.scatter.add.f32 [tilespmem:s20], [sflag:$0x7], $0x1, s12, s0, $0xb8;
	[tilespmem:$0x1E580] =	vst v63  }
0x2a5: {  	_ =	swait.ge [sflag:s10], $0x4000  }
0x2a6: {  	[sflag:s10] =	ssyncset.done $0x0  }
0x2a7: {  	s12 =	simm.s32 $0x1580;
	[sflag:s10] =	ssyncadd.s32 $0xFFFFC000  }
0x2a8: {  	[tilespmem:s8], [sflag:$0x2] =	stream.indirect.gather [hbm4b:s1+s0], $0x80, s12, s0, $0xb8;
	[tilespmem:$0x1E580] =	vst v63  }
0x2a9: {  	_ =	swait.ge [sflag:s18], $0x4000  }
0x2aa: {  	[sflag:s18] =	ssyncset.done $0x0  }
0x2ab: {  	s12 =	simm.s32 $0x500;
	[sflag:s18] =	ssyncadd.s32 $0xFFFFC000  }
0x2ac: {  	[spmem:s2] =	stream.indirect.scatter.add.f32 [tilespmem:s25], [sflag:$0x5], $0x80, s12, s0, $0xb8;
	[tilespmem:$0x1E580] =	vst v63  }
0x2ad: {  	_ = 	snop  }
0x2ae: {  	[spmem:s3] =	stream.indirect.scatter.add.f32 [tilespmem:s20], [sflag:$0x7], $0x1, s12, s0, $0xb8;
	[tilespmem:$0x1E580] =	vst v63  }
0x2af: {  	_ =	swait.ge [sflag:s22], $0x4000  }
0x2b0: {  	[sflag:s22] =	ssyncset.done $0x0  }
0x2b1: {  	s12 =	simm.s32 $0x1600;
	[sflag:s22] =	ssyncadd.s32 $0xFFFFC000  }
0x2b2: {  	[tilespmem:s25], [sflag:$0x1] =	stream.indirect.gather [hbm4b:s1+s0], $0x80, s12, s0, $0xb8;
	[tilespmem:$0x1E580] =	vst v63  }
0x2b3: {  	_ =	swait.ge [sflag:s24], $0x4000  }
0x2b4: {  	[sflag:s24] =	ssyncset.done $0x0  }
0x2b5: {  	s12 =	simm.s32 $0x580;
	[sflag:s24] =	ssyncadd.s32 $0xFFFFC000  }
0x2b6: {  	[spmem:s2] =	stream.indirect.scatter.add.f32 [tilespmem:s8], [sflag:$0x6], $0x80, s12, s0, $0xb8;
	[tilespmem:$0x1E580] =	vst v63  }
0x2b7: {  	_ = 	snop  }
0x2b8: {  	[spmem:s3] =	stream.indirect.scatter.add.f32 [tilespmem:s20], [sflag:$0x7], $0x1, s12, s0, $0xb8;
	[tilespmem:$0x1E580] =	vst v63  }
0x2b9: {  	_ =	swait.ge [sflag:s10], $0x4000  }
0x2ba: {  	[sflag:s10] =	ssyncset.done $0x0  }
0x2bb: {  	s12 =	simm.s32 $0x1680;
	[sflag:s10] =	ssyncadd.s32 $0xFFFFC000  }
0x2bc: {  	[tilespmem:s8], [sflag:$0x2] =	stream.indirect.gather [hbm4b:s1+s0], $0x80, s12, s0, $0xb8;
	[tilespmem:$0x1E580] =	vst v63  }
0x2bd: {  	_ =	swait.ge [sflag:s18], $0x4000  }
0x2be: {  	[sflag:s18] =	ssyncset.done $0x0  }
0x2bf: {  	s12 =	simm.s32 $0x600;
	[sflag:s18] =	ssyncadd.s32 $0xFFFFC000  }
0x2c0: {  	[spmem:s2] =	stream.indirect.scatter.add.f32 [tilespmem:s25], [sflag:$0x5], $0x80, s12, s0, $0xb8;
	[tilespmem:$0x1E580] =	vst v63  }
0x2c1: {  	_ = 	snop  }
0x2c2: {  	[spmem:s3] =	stream.indirect.scatter.add.f32 [tilespmem:s20], [sflag:$0x7], $0x1, s12, s0, $0xb8;
	[tilespmem:$0x1E580] =	vst v63  }
0x2c3: {  	_ =	swait.ge [sflag:s22], $0x4000  }
0x2c4: {  	[sflag:s22] =	ssyncset.done $0x0  }
0x2c5: {  	s12 =	simm.s32 $0x1700;
	[sflag:s22] =	ssyncadd.s32 $0xFFFFC000  }
0x2c6: {  	[tilespmem:s25], [sflag:$0x1] =	stream.indirect.gather [hbm4b:s1+s0], $0x80, s12, s0, $0xb8;
	[tilespmem:$0x1E580] =	vst v63  }
0x2c7: {  	_ =	swait.ge [sflag:s24], $0x4000  }
0x2c8: {  	[sflag:s24] =	ssyncset.done $0x0  }
0x2c9: {  	s12 =	simm.s32 $0x680;
	[sflag:s24] =	ssyncadd.s32 $0xFFFFC000  }
0x2ca: {  	[spmem:s2] =	stream.indirect.scatter.add.f32 [tilespmem:s8], [sflag:$0x6], $0x80, s12, s0, $0xb8;
	[tilespmem:$0x1E580] =	vst v63  }
0x2cb: {  	_ = 	snop  }
0x2cc: {  	[spmem:s3] =	stream.indirect.scatter.add.f32 [tilespmem:s20], [sflag:$0x7], $0x1, s12, s0, $0xb8;
	[tilespmem:$0x1E580] =	vst v63  }
0x2cd: {  	_ =	swait.ge [sflag:s10], $0x4000  }
0x2ce: {  	[sflag:s10] =	ssyncset.done $0x0  }
0x2cf: {  	s12 =	simm.s32 $0x1780;
	[sflag:s10] =	ssyncadd.s32 $0xFFFFC000  }
0x2d0: {  	[tilespmem:s8], [sflag:$0x2] =	stream.indirect.gather [hbm4b:s1+s0], $0x80, s12, s0, $0xb8;
	[tilespmem:$0x1E580] =	vst v63  }
0x2d1: {  	_ =	swait.ge [sflag:s18], $0x4000  }
0x2d2: {  	[sflag:s18] =	ssyncset.done $0x0  }
0x2d3: {  	s12 =	simm.s32 $0x700;
	[sflag:s18] =	ssyncadd.s32 $0xFFFFC000  }
0x2d4: {  	[spmem:s2] =	stream.indirect.scatter.add.f32 [tilespmem:s25], [sflag:$0x5], $0x80, s12, s0, $0xb8;
	[tilespmem:$0x1E580] =	vst v63  }
0x2d5: {  	_ = 	snop  }
0x2d6: {  	[spmem:s3] =	stream.indirect.scatter.add.f32 [tilespmem:s20], [sflag:$0x7], $0x1, s12, s0, $0xb8;
	[tilespmem:$0x1E580] =	vst v63  }
0x2d7: {  	_ =	swait.ge [sflag:s22], $0x4000  }
0x2d8: {  	[sflag:s22] =	ssyncset.done $0x0  }
0x2d9: {  	[sflag:s22] =	ssyncadd.s32 $0xFFFFC000  }
0x2da: {  	_ =	swait.ge [sflag:s24], $0x4000  }
0x2db: {  	[sflag:s24] =	ssyncset.done $0x0  }
0x2dc: {  	s12 =	simm.s32 $0x780;
	[sflag:s24] =	ssyncadd.s32 $0xFFFFC000  }
0x2dd: {  	[spmem:s2] =	stream.indirect.scatter.add.f32 [tilespmem:s8], [sflag:$0x6], $0x80, s12, s0, $0xb8;
	[tilespmem:$0x1E580] =	vst v63  }
0x2de: {  	_ = 	snop  }
0x2df: {  	[spmem:s3] =	stream.indirect.scatter.add.f32 [tilespmem:s20], [sflag:$0x7], $0x1, s12, s0, $0xb8;
	[tilespmem:$0x1E580] =	vst v63  }
0x2e0: {  	_ =	swait.ge [sflag:s10], $0x4000  }
0x2e1: {  	[sflag:s10] =	ssyncset.done $0x0  }
0x2e2: {  	[sflag:s10] =	ssyncadd.s32 $0xFFFFC000  }
0x2e3: {  	_ =	swait.ge [sflag:s29], $0x80  }
0x2e4: {  	[sflag:s29] =	ssyncset.done $0x0  }
0x2e5: {  	[sflag:s29] =	ssyncadd.s32 $0xFFFFFF80  }
0x2e6: {  	_ =	swait.ge [sflag:s29], $0x80  }
0x2e7: {  	[sflag:s29] =	ssyncset.done $0x0  }
0x2e8: {  	[sflag:s29] =	ssyncadd.s32 $0xFFFFFF80  }
0x2e9: {  	_ =	swait.ge [sflag:s29], $0x80  }
0x2ea: {  	[sflag:s29] =	ssyncset.done $0x0  }
0x2eb: {  	[sflag:s29] =	ssyncadd.s32 $0xFFFFFF80  }
0x2ec: {  	_ =	swait.ge [sflag:s29], $0x80  }
0x2ed: {  	[sflag:s29] =	ssyncset.done $0x0  }
0x2ee: {  	[sflag:s29] =	ssyncadd.s32 $0xFFFFFF80  }
0x2ef: {  	_ =	swait.ge [sflag:s29], $0x80  }
0x2f0: {  	[sflag:s29] =	ssyncset.done $0x0  }
0x2f1: {  	[sflag:s29] =	ssyncadd.s32 $0xFFFFFF80  }
0x2f2: {  	_ =	swait.ge [sflag:s29], $0x80  }
0x2f3: {  	[sflag:s29] =	ssyncset.done $0x0  }
0x2f4: {  	[sflag:s29] =	ssyncadd.s32 $0xFFFFFF80  }
0x2f5: {  	_ =	swait.ge [sflag:s29], $0x80  }
0x2f6: {  	[sflag:s29] =	ssyncset.done $0x0  }
0x2f7: {  	[sflag:s29] =	ssyncadd.s32 $0xFFFFFF80  }
0x2f8: {  	_ =	swait.ge [sflag:s29], $0x80  }
0x2f9: {  	[sflag:s29] =	ssyncset.done $0x0  }
0x2fa: {  	[sflag:s29] =	ssyncadd.s32 $0xFFFFFF80  }
0x2fb: {  	_ =	swait.ge [sflag:s29], $0x80  }
0x2fc: {  	[sflag:s29] =	ssyncset.done $0x0  }
0x2fd: {  	[sflag:s29] =	ssyncadd.s32 $0xFFFFFF80  }
0x2fe: {  	_ =	swait.ge [sflag:s29], $0x80  }
0x2ff: {  	[sflag:s29] =	ssyncset.done $0x0  }
0x300: {  	[sflag:s29] =	ssyncadd.s32 $0xFFFFFF80  }
0x301: {  	_ =	swait.ge [sflag:s29], $0x80  }
0x302: {  	[sflag:s29] =	ssyncset.done $0x0  }
0x303: {  	[sflag:s29] =	ssyncadd.s32 $0xFFFFFF80  }
0x304: {  	_ =	swait.ge [sflag:s29], $0x80  }
0x305: {  	[sflag:s29] =	ssyncset.done $0x0  }
0x306: {  	[sflag:s29] =	ssyncadd.s32 $0xFFFFFF80  }
0x307: {  	_ =	swait.ge [sflag:s29], $0x80  }
0x308: {  	[sflag:s29] =	ssyncset.done $0x0  }
0x309: {  	[sflag:s29] =	ssyncadd.s32 $0xFFFFFF80  }
0x30a: {  	_ =	swait.ge [sflag:s29], $0x80  }
0x30b: {  	[sflag:s29] =	ssyncset.done $0x0  }
0x30c: {  	[sflag:s29] =	ssyncadd.s32 $0xFFFFFF80  }
0x30d: {  	_ =	swait.ge [sflag:s29], $0x80  }
0x30e: {  	[sflag:s29] =	ssyncset.done $0x0  }
0x30f: {  	[sflag:s29] =	ssyncadd.s32 $0xFFFFFF80  }
0x310: {  	_ =	swait.ge [sflag:s29], $0x80  }
0x311: {  	[sflag:s29] =	ssyncset.done $0x0  }
0x312: {  	[sflag:s29] =	ssyncadd.s32 $0xFFFFFF80  }
0x313: {  	_ =	swait.ge [sflag:s30], $0x800  }
0x314: {  	[sflag:s30] =	ssyncset.done $0x0  }
0x315: {  	[sflag:s30] =	ssyncadd.s32 $0xFFFFF800  }
0x316: {  	_ =	swait.ge [sflag:s31], $0x800  }
0x317: {  	[sflag:s31] =	ssyncset.done $0x0  }
0x318: {  	[sflag:s31] =	ssyncadd.s32 $0xFFFFF800  }
0x319: {  	[tilespmem:s25], [sflag:$0x1] =	stream.indirect.gather [hbm4b:s1+s0], $0x80, s4, s0, $0xb8;
	[tilespmem:$0x1E580] =	vst v63  }
0x31a: {  	s4 =	rddreg [dreg:$0x10]  }
0x31b: {  	[tilespmem:s5], [sflag:$0x3] =	stream.linear.gather [hbm4b:s4+s5], $0x800, $0x38;
	[tilespmem:$0x1E580] =	vst v63  }
0x31c: {  	s12 =	rddreg [dreg:$0xf];
	s4 =	simm.s32 $0x1000  }
0x31d: {  	[tilespmem:s4], [sflag:$0x4] =	stream.linear.gather [hbm4b:s12+s5], $0x800, $0x38;
	[tilespmem:$0x1E580] =	vst v63  }
0x31e: {  	s4 =	simm.s32 $0x1880  }
0x31f: {  	[tilespmem:s8], [sflag:$0x2] =	stream.indirect.gather [hbm4b:s1+s0], $0x80, s4, s0, $0xb8;
	[tilespmem:$0x1E580] =	vst v63  }
0x320: {  	_ =	swait.ge [sflag:s18], $0x4000  }
0x321: {  	[sflag:s18] =	ssyncset.done $0x0  }
0x322: {  	s4 =	simm.s32 $0x800;
	[sflag:s18] =	ssyncadd.s32 $0xFFFFC000  }
0x323: {  	[spmem:s2] =	stream.indirect.scatter.add.f32 [tilespmem:s25], [sflag:$0x5], $0x80, s4, s0, $0xb8;
	[tilespmem:$0x1E580] =	vst v63  }
0x324: {  	_ = 	snop  }
0x325: {  	[spmem:s3] =	stream.indirect.scatter.add.f32 [tilespmem:s20], [sflag:$0x7], $0x1, s4, s0, $0xb8;
	[tilespmem:$0x1E580] =	vst v63  }
0x326: {  	_ =	swait.ge [sflag:s22], $0x4000  }
0x327: {  	[sflag:s22] =	ssyncset.done $0x0  }
0x328: {  	s4 =	simm.s32 $0x1900;
	[sflag:s22] =	ssyncadd.s32 $0xFFFFC000  }
0x329: {  	[tilespmem:s25], [sflag:$0x1] =	stream.indirect.gather [hbm4b:s1+s0], $0x80, s4, s0, $0xb8;
	[tilespmem:$0x1E580] =	vst v63  }
0x32a: {  	_ =	swait.ge [sflag:s24], $0x4000  }
0x32b: {  	[sflag:s24] =	ssyncset.done $0x0  }
0x32c: {  	s4 =	simm.s32 $0x880;
	[sflag:s24] =	ssyncadd.s32 $0xFFFFC000  }
0x32d: {  	[spmem:s2] =	stream.indirect.scatter.add.f32 [tilespmem:s8], [sflag:$0x6], $0x80, s4, s0, $0xb8;
	[tilespmem:$0x1E580] =	vst v63  }
0x32e: {  	_ = 	snop  }
0x32f: {  	[spmem:s3] =	stream.indirect.scatter.add.f32 [tilespmem:s20], [sflag:$0x7], $0x1, s4, s0, $0xb8;
	[tilespmem:$0x1E580] =	vst v63  }
0x330: {  	_ =	swait.ge [sflag:s10], $0x4000  }
0x331: {  	[sflag:s10] =	ssyncset.done $0x0  }
0x332: {  	s4 =	simm.s32 $0x1980;
	[sflag:s10] =	ssyncadd.s32 $0xFFFFC000  }
0x333: {  	[tilespmem:s8], [sflag:$0x2] =	stream.indirect.gather [hbm4b:s1+s0], $0x80, s4, s0, $0xb8;
	[tilespmem:$0x1E580] =	vst v63  }
0x334: {  	_ =	swait.ge [sflag:s18], $0x4000  }
0x335: {  	[sflag:s18] =	ssyncset.done $0x0  }
0x336: {  	[sflag:s18] =	ssyncadd.s32 $0xFFFFC000  }
0x337: {  	[spmem:s2] =	stream.indirect.scatter.add.f32 [tilespmem:s25], [sflag:$0x5], $0x80, s6, s0, $0xb8;
	[tilespmem:$0x1E580] =	vst v63  }
0x338: {  	_ = 	snop  }
0x339: {  	[spmem:s3] =	stream.indirect.scatter.add.f32 [tilespmem:s20], [sflag:$0x7], $0x1, s6, s0, $0xb8;
	[tilespmem:$0x1E580] =	vst v63  }
0x33a: {  	_ =	swait.ge [sflag:s22], $0x4000  }
0x33b: {  	[sflag:s22] =	ssyncset.done $0x0  }
0x33c: {  	s6 =	simm.s32 $0x1A00;
	[sflag:s22] =	ssyncadd.s32 $0xFFFFC000  }
0x33d: {  	[tilespmem:s25], [sflag:$0x1] =	stream.indirect.gather [hbm4b:s1+s0], $0x80, s6, s0, $0xb8;
	[tilespmem:$0x1E580] =	vst v63  }
0x33e: {  	_ =	swait.ge [sflag:s24], $0x4000  }
0x33f: {  	[sflag:s24] =	ssyncset.done $0x0  }
0x340: {  	s6 =	simm.s32 $0x980;
	[sflag:s24] =	ssyncadd.s32 $0xFFFFC000  }
0x341: {  	[spmem:s2] =	stream.indirect.scatter.add.f32 [tilespmem:s8], [sflag:$0x6], $0x80, s6, s0, $0xb8;
	[tilespmem:$0x1E580] =	vst v63  }
0x342: {  	_ = 	snop  }
0x343: {  	[spmem:s3] =	stream.indirect.scatter.add.f32 [tilespmem:s20], [sflag:$0x7], $0x1, s6, s0, $0xb8;
	[tilespmem:$0x1E580] =	vst v63  }
0x344: {  	_ =	swait.ge [sflag:s10], $0x4000  }
0x345: {  	[sflag:s10] =	ssyncset.done $0x0  }
0x346: {  	s6 =	simm.s32 $0x1A80;
	[sflag:s10] =	ssyncadd.s32 $0xFFFFC000  }
0x347: {  	[tilespmem:s8], [sflag:$0x2] =	stream.indirect.gather [hbm4b:s1+s0], $0x80, s6, s0, $0xb8;
	[tilespmem:$0x1E580] =	vst v63  }
0x348: {  	_ =	swait.ge [sflag:s18], $0x4000  }
0x349: {  	[sflag:s18] =	ssyncset.done $0x0  }
0x34a: {  	[sflag:s18] =	ssyncadd.s32 $0xFFFFC000  }
0x34b: {  	[spmem:s2] =	stream.indirect.scatter.add.f32 [tilespmem:s25], [sflag:$0x5], $0x80, s9, s0, $0xb8;
	[tilespmem:$0x1E580] =	vst v63  }
0x34c: {  	_ = 	snop  }
0x34d: {  	[spmem:s3] =	stream.indirect.scatter.add.f32 [tilespmem:s20], [sflag:$0x7], $0x1, s9, s0, $0xb8;
	[tilespmem:$0x1E580] =	vst v63  }
0x34e: {  	_ =	swait.ge [sflag:s22], $0x4000  }
0x34f: {  	[sflag:s22] =	ssyncset.done $0x0  }
0x350: {  	s9 =	simm.s32 $0x1B00;
	[sflag:s22] =	ssyncadd.s32 $0xFFFFC000  }
0x351: {  	[tilespmem:s25], [sflag:$0x1] =	stream.indirect.gather [hbm4b:s1+s0], $0x80, s9, s0, $0xb8;
	[tilespmem:$0x1E580] =	vst v63  }
0x352: {  	_ =	swait.ge [sflag:s24], $0x4000  }
0x353: {  	[sflag:s24] =	ssyncset.done $0x0  }
0x354: {  	[sflag:s24] =	ssyncadd.s32 $0xFFFFC000  }
0x355: {  	[spmem:s2] =	stream.indirect.scatter.add.f32 [tilespmem:s8], [sflag:$0x6], $0x80, s11, s0, $0xb8;
	[tilespmem:$0x1E580] =	vst v63  }
0x356: {  	_ = 	snop  }
0x357: {  	[spmem:s3] =	stream.indirect.scatter.add.f32 [tilespmem:s20], [sflag:$0x7], $0x1, s11, s0, $0xb8;
	[tilespmem:$0x1E580] =	vst v63  }
0x358: {  	_ =	swait.ge [sflag:s10], $0x4000  }
0x359: {  	[sflag:s10] =	ssyncset.done $0x0  }
0x35a: {  	s6 =	simm.s32 $0x1B80;
	[sflag:s10] =	ssyncadd.s32 $0xFFFFC000  }
0x35b: {  	[tilespmem:s8], [sflag:$0x2] =	stream.indirect.gather [hbm4b:s1+s0], $0x80, s6, s0, $0xb8;
	[tilespmem:$0x1E580] =	vst v63  }
0x35c: {  	_ =	swait.ge [sflag:s18], $0x4000  }
0x35d: {  	[sflag:s18] =	ssyncset.done $0x0  }
0x35e: {  	[sflag:s18] =	ssyncadd.s32 $0xFFFFC000  }
0x35f: {  	[spmem:s2] =	stream.indirect.scatter.add.f32 [tilespmem:s25], [sflag:$0x5], $0x80, s13, s0, $0xb8;
	[tilespmem:$0x1E580] =	vst v63  }
0x360: {  	_ = 	snop  }
0x361: {  	[spmem:s3] =	stream.indirect.scatter.add.f32 [tilespmem:s20], [sflag:$0x7], $0x1, s13, s0, $0xb8;
	[tilespmem:$0x1E580] =	vst v63  }
0x362: {  	_ =	swait.ge [sflag:s22], $0x4000  }
0x363: {  	[sflag:s22] =	ssyncset.done $0x0  }
0x364: {  	s9 =	simm.s32 $0x1C00;
	[sflag:s22] =	ssyncadd.s32 $0xFFFFC000  }
0x365: {  	[tilespmem:s25], [sflag:$0x1] =	stream.indirect.gather [hbm4b:s1+s0], $0x80, s9, s0, $0xb8;
	[tilespmem:$0x1E580] =	vst v63  }
0x366: {  	_ =	swait.ge [sflag:s24], $0x4000  }
0x367: {  	[sflag:s24] =	ssyncset.done $0x0  }
0x368: {  	[sflag:s24] =	ssyncadd.s32 $0xFFFFC000  }
0x369: {  	[spmem:s2] =	stream.indirect.scatter.add.f32 [tilespmem:s8], [sflag:$0x6], $0x80, s14, s0, $0xb8;
	[tilespmem:$0x1E580] =	vst v63  }
0x36a: {  	_ = 	snop  }
0x36b: {  	[spmem:s3] =	stream.indirect.scatter.add.f32 [tilespmem:s20], [sflag:$0x7], $0x1, s14, s0, $0xb8;
	[tilespmem:$0x1E580] =	vst v63  }
0x36c: {  	_ =	swait.ge [sflag:s10], $0x4000  }
0x36d: {  	[sflag:s10] =	ssyncset.done $0x0  }
0x36e: {  	s11 =	simm.s32 $0x1C80;
	[sflag:s10] =	ssyncadd.s32 $0xFFFFC000  }
0x36f: {  	[tilespmem:s8], [sflag:$0x2] =	stream.indirect.gather [hbm4b:s1+s0], $0x80, s11, s0, $0xb8;
	[tilespmem:$0x1E580] =	vst v63  }
0x370: {  	_ =	swait.ge [sflag:s18], $0x4000  }
0x371: {  	[sflag:s18] =	ssyncset.done $0x0  }
0x372: {  	[sflag:s18] =	ssyncadd.s32 $0xFFFFC000  }
0x373: {  	[spmem:s2] =	stream.indirect.scatter.add.f32 [tilespmem:s25], [sflag:$0x5], $0x80, s15, s0, $0xb8;
	[tilespmem:$0x1E580] =	vst v63  }
0x374: {  	_ = 	snop  }
0x375: {  	[spmem:s3] =	stream.indirect.scatter.add.f32 [tilespmem:s20], [sflag:$0x7], $0x1, s15, s0, $0xb8;
	[tilespmem:$0x1E580] =	vst v63  }
0x376: {  	_ =	swait.ge [sflag:s22], $0x4000  }
0x377: {  	[sflag:s22] =	ssyncset.done $0x0  }
0x378: {  	s13 =	simm.s32 $0x1D00;
	[sflag:s22] =	ssyncadd.s32 $0xFFFFC000  }
0x379: {  	[tilespmem:s25], [sflag:$0x1] =	stream.indirect.gather [hbm4b:s1+s0], $0x80, s13, s0, $0xb8;
	[tilespmem:$0x1E580] =	vst v63  }
0x37a: {  	_ =	swait.ge [sflag:s24], $0x4000  }
0x37b: {  	[sflag:s24] =	ssyncset.done $0x0  }
0x37c: {  	[sflag:s24] =	ssyncadd.s32 $0xFFFFC000  }
0x37d: {  	[spmem:s2] =	stream.indirect.scatter.add.f32 [tilespmem:s8], [sflag:$0x6], $0x80, s16, s0, $0xb8;
	[tilespmem:$0x1E580] =	vst v63  }
0x37e: {  	_ = 	snop  }
0x37f: {  	[spmem:s3] =	stream.indirect.scatter.add.f32 [tilespmem:s20], [sflag:$0x7], $0x1, s16, s0, $0xb8;
	[tilespmem:$0x1E580] =	vst v63  }
0x380: {  	_ =	swait.ge [sflag:s10], $0x4000  }
0x381: {  	[sflag:s10] =	ssyncset.done $0x0  }
0x382: {  	s14 =	simm.s32 $0x1D80;
	[sflag:s10] =	ssyncadd.s32 $0xFFFFC000  }
0x383: {  	[tilespmem:s8], [sflag:$0x2] =	stream.indirect.gather [hbm4b:s1+s0], $0x80, s14, s0, $0xb8;
	[tilespmem:$0x1E580] =	vst v63  }
0x384: {  	_ =	swait.ge [sflag:s18], $0x4000  }
0x385: {  	[sflag:s18] =	ssyncset.done $0x0  }
0x386: {  	[sflag:s18] =	ssyncadd.s32 $0xFFFFC000  }
0x387: {  	[spmem:s2] =	stream.indirect.scatter.add.f32 [tilespmem:s25], [sflag:$0x5], $0x80, s17, s0, $0xb8;
	[tilespmem:$0x1E580] =	vst v63  }
0x388: {  	_ = 	snop  }
0x389: {  	[spmem:s3] =	stream.indirect.scatter.add.f32 [tilespmem:s20], [sflag:$0x7], $0x1, s17, s0, $0xb8;
	[tilespmem:$0x1E580] =	vst v63  }
0x38a: {  	_ =	swait.ge [sflag:s22], $0x4000  }
0x38b: {  	[sflag:s22] =	ssyncset.done $0x0  }
0x38c: {  	s15 =	simm.s32 $0x1E00;
	[sflag:s22] =	ssyncadd.s32 $0xFFFFC000  }
0x38d: {  	[tilespmem:s25], [sflag:$0x1] =	stream.indirect.gather [hbm4b:s1+s0], $0x80, s15, s0, $0xb8;
	[tilespmem:$0x1E580] =	vst v63  }
0x38e: {  	_ =	swait.ge [sflag:s24], $0x4000  }
0x38f: {  	[sflag:s24] =	ssyncset.done $0x0  }
0x390: {  	[sflag:s24] =	ssyncadd.s32 $0xFFFFC000  }
0x391: {  	[spmem:s2] =	stream.indirect.scatter.add.f32 [tilespmem:s8], [sflag:$0x6], $0x80, s19, s0, $0xb8;
	[tilespmem:$0x1E580] =	vst v63  }
0x392: {  	_ = 	snop  }
0x393: {  	[spmem:s3] =	stream.indirect.scatter.add.f32 [tilespmem:s20], [sflag:$0x7], $0x1, s19, s0, $0xb8;
	[tilespmem:$0x1E580] =	vst v63  }
0x394: {  	_ =	swait.ge [sflag:s10], $0x4000  }
0x395: {  	[sflag:s10] =	ssyncset.done $0x0  }
0x396: {  	s16 =	simm.s32 $0x1E80;
	[sflag:s10] =	ssyncadd.s32 $0xFFFFC000  }
0x397: {  	[tilespmem:s8], [sflag:$0x2] =	stream.indirect.gather [hbm4b:s1+s0], $0x80, s16, s0, $0xb8;
	[tilespmem:$0x1E580] =	vst v63  }
0x398: {  	_ =	swait.ge [sflag:s18], $0x4000  }
0x399: {  	[sflag:s18] =	ssyncset.done $0x0  }
0x39a: {  	[sflag:s18] =	ssyncadd.s32 $0xFFFFC000  }
0x39b: {  	[spmem:s2] =	stream.indirect.scatter.add.f32 [tilespmem:s25], [sflag:$0x5], $0x80, s21, s0, $0xb8;
	[tilespmem:$0x1E580] =	vst v63  }
0x39c: {  	_ = 	snop  }
0x39d: {  	[spmem:s3] =	stream.indirect.scatter.add.f32 [tilespmem:s20], [sflag:$0x7], $0x1, s21, s0, $0xb8;
	[tilespmem:$0x1E580] =	vst v63  }
0x39e: {  	_ =	swait.ge [sflag:s22], $0x4000  }
0x39f: {  	[sflag:s22] =	ssyncset.done $0x0  }
0x3a0: {  	s17 =	simm.s32 $0x1F00;
	[sflag:s22] =	ssyncadd.s32 $0xFFFFC000  }
0x3a1: {  	[tilespmem:s25], [sflag:$0x1] =	stream.indirect.gather [hbm4b:s1+s0], $0x80, s17, s0, $0xb8;
	[tilespmem:$0x1E580] =	vst v63  }
0x3a2: {  	_ =	swait.ge [sflag:s24], $0x4000  }
0x3a3: {  	[sflag:s24] =	ssyncset.done $0x0  }
0x3a4: {  	[sflag:s24] =	ssyncadd.s32 $0xFFFFC000  }
0x3a5: {  	[spmem:s2] =	stream.indirect.scatter.add.f32 [tilespmem:s8], [sflag:$0x6], $0x80, s23, s0, $0xb8;
	[tilespmem:$0x1E580] =	vst v63  }
0x3a6: {  	_ = 	snop  }
0x3a7: {  	[spmem:s3] =	stream.indirect.scatter.add.f32 [tilespmem:s20], [sflag:$0x7], $0x1, s23, s0, $0xb8;
	[tilespmem:$0x1E580] =	vst v63  }
0x3a8: {  	_ =	swait.ge [sflag:s10], $0x4000  }
0x3a9: {  	[sflag:s10] =	ssyncset.done $0x0  }
0x3aa: {  	s19 =	simm.s32 $0x1F80;
	[sflag:s10] =	ssyncadd.s32 $0xFFFFC000  }
0x3ab: {  	[tilespmem:s8], [sflag:$0x2] =	stream.indirect.gather [hbm4b:s1+s0], $0x80, s19, s0, $0xb8;
	[tilespmem:$0x1E580] =	vst v63  }
0x3ac: {  	_ =	swait.ge [sflag:s18], $0x4000  }
0x3ad: {  	[sflag:s18] =	ssyncset.done $0x0  }
0x3ae: {  	s21 =	simm.s32 $0xF00;
	[sflag:s18] =	ssyncadd.s32 $0xFFFFC000  }
0x3af: {  	[spmem:s2] =	stream.indirect.scatter.add.f32 [tilespmem:s25], [sflag:$0x5], $0x80, s21, s0, $0xb8;
	[tilespmem:$0x1E580] =	vst v63  }
0x3b0: {  	_ = 	snop  }
0x3b1: {  	[spmem:s3] =	stream.indirect.scatter.add.f32 [tilespmem:s20], [sflag:$0x7], $0x1, s21, s0, $0xb8;
	[tilespmem:$0x1E580] =	vst v63  }
0x3b2: {  	_ =	swait.ge [sflag:s22], $0x4000  }
0x3b3: {  	[sflag:s22] =	ssyncset.done $0x0  }
0x3b4: {  	[sflag:s22] =	ssyncadd.s32 $0xFFFFC000  }
0x3b5: {  	_ =	swait.ge [sflag:s24], $0x4000  }
0x3b6: {  	[sflag:s24] =	ssyncset.done $0x0  }
0x3b7: {  	[sflag:s24] =	ssyncadd.s32 $0xFFFFC000  }
0x3b8: {  	[spmem:s2] =	stream.indirect.scatter.add.f32 [tilespmem:s8], [sflag:$0x6], $0x80, s28, s0, $0xb8;
	[tilespmem:$0x1E580] =	vst v63  }
0x3b9: {  	_ = 	snop  }
0x3ba: {  	[spmem:s3] =	stream.indirect.scatter.add.f32 [tilespmem:s20], [sflag:$0x7], $0x1, s28, s0, $0xb8;
	[tilespmem:$0x1E580] =	vst v63  }
0x3bb: {  	_ =	swait.ge [sflag:s10], $0x4000  }
0x3bc: {  	[sflag:s10] =	ssyncset.done $0x0  }
0x3bd: {  	[sflag:s10] =	ssyncadd.s32 $0xFFFFC000  }
0x3be: {  	_ =	swait.ge [sflag:s29], $0x80  }
0x3bf: {  	[sflag:s29] =	ssyncset.done $0x0  }
0x3c0: {  	[sflag:s29] =	ssyncadd.s32 $0xFFFFFF80  }
0x3c1: {  	_ =	swait.ge [sflag:s29], $0x80  }
0x3c2: {  	[sflag:s29] =	ssyncset.done $0x0  }
0x3c3: {  	[sflag:s29] =	ssyncadd.s32 $0xFFFFFF80  }
0x3c4: {  	_ =	swait.ge [sflag:s29], $0x80  }
0x3c5: {  	[sflag:s29] =	ssyncset.done $0x0  }
0x3c6: {  	[sflag:s29] =	ssyncadd.s32 $0xFFFFFF80  }
0x3c7: {  	_ =	swait.ge [sflag:s29], $0x80  }
0x3c8: {  	[sflag:s29] =	ssyncset.done $0x0  }
0x3c9: {  	[sflag:s29] =	ssyncadd.s32 $0xFFFFFF80  }
0x3ca: {  	_ =	swait.ge [sflag:s29], $0x80  }
0x3cb: {  	[sflag:s29] =	ssyncset.done $0x0  }
0x3cc: {  	[sflag:s29] =	ssyncadd.s32 $0xFFFFFF80  }
0x3cd: {  	_ =	swait.ge [sflag:s29], $0x80  }
0x3ce: {  	[sflag:s29] =	ssyncset.done $0x0  }
0x3cf: {  	[sflag:s29] =	ssyncadd.s32 $0xFFFFFF80  }
0x3d0: {  	_ =	swait.ge [sflag:s29], $0x80  }
0x3d1: {  	[sflag:s29] =	ssyncset.done $0x0  }
0x3d2: {  	[sflag:s29] =	ssyncadd.s32 $0xFFFFFF80  }
0x3d3: {  	_ =	swait.ge [sflag:s29], $0x80  }
0x3d4: {  	[sflag:s29] =	ssyncset.done $0x0  }
0x3d5: {  	[sflag:s29] =	ssyncadd.s32 $0xFFFFFF80  }
0x3d6: {  	_ =	swait.ge [sflag:s29], $0x80  }
0x3d7: {  	[sflag:s29] =	ssyncset.done $0x0  }
0x3d8: {  	[sflag:s29] =	ssyncadd.s32 $0xFFFFFF80  }
0x3d9: {  	_ =	swait.ge [sflag:s29], $0x80  }
0x3da: {  	[sflag:s29] =	ssyncset.done $0x0  }
0x3db: {  	[sflag:s29] =	ssyncadd.s32 $0xFFFFFF80  }
0x3dc: {  	_ =	swait.ge [sflag:s29], $0x80  }
0x3dd: {  	[sflag:s29] =	ssyncset.done $0x0  }
0x3de: {  	[sflag:s29] =	ssyncadd.s32 $0xFFFFFF80  }
0x3df: {  	_ =	swait.ge [sflag:s29], $0x80  }
0x3e0: {  	[sflag:s29] =	ssyncset.done $0x0  }
0x3e1: {  	[sflag:s29] =	ssyncadd.s32 $0xFFFFFF80  }
0x3e2: {  	_ =	swait.ge [sflag:s29], $0x80  }
0x3e3: {  	[sflag:s29] =	ssyncset.done $0x0  }
0x3e4: {  	[sflag:s29] =	ssyncadd.s32 $0xFFFFFF80  }
0x3e5: {  	_ =	swait.ge [sflag:s29], $0x80  }
0x3e6: {  	[sflag:s29] =	ssyncset.done $0x0  }
0x3e7: {  	[sflag:s29] =	ssyncadd.s32 $0xFFFFFF80  }
0x3e8: {  	_ =	swait.ge [sflag:s29], $0x80  }
0x3e9: {  	[sflag:s29] =	ssyncset.done $0x0  }
0x3ea: {  	[sflag:s29] =	ssyncadd.s32 $0xFFFFFF80  }
0x3eb: {  	_ =	swait.ge [sflag:s29], $0x80  }
0x3ec: {  	[sflag:s29] =	ssyncset.done $0x0  }
0x3ed: {  	[sflag:s29] =	ssyncadd.s32 $0xFFFFFF80  }
0x3ee: {  	_ =	swait.ge [sflag:s30], $0x800  }
0x3ef: {  	[sflag:s30] =	ssyncset.done $0x0  }
0x3f0: {  	[sflag:s30] =	ssyncadd.s32 $0xFFFFF800  }
0x3f1: {  	_ =	swait.ge [sflag:s31], $0x800  }
0x3f2: {  	[sflag:s31] =	ssyncset.done $0x0  }
0x3f3: {  	s12 =	simm.s32 $0x1000;
	[sflag:s31] =	ssyncadd.s32 $0xFFFFF800  }
0x3f4: {  	[tilespmem:s25], [sflag:$0x1] =	stream.indirect.gather [hbm4b:s1+s0], $0x80, s12, s0, $0xb8;
	[tilespmem:$0x1E580] =	vst v63  }
0x3f5: {  	s23 =	simm.s32 $0x1080  }
0x3f6: {  	[tilespmem:s8], [sflag:$0x2] =	stream.indirect.gather [hbm4b:s1+s0], $0x80, s23, s0, $0xb8;
	[tilespmem:$0x1E580] =	vst v63  }
0x3f7: {  	_ =	swait.ge [sflag:s18], $0x4000  }
0x3f8: {  	[sflag:s18] =	ssyncset.done $0x0  }
0x3f9: {  	[sflag:s18] =	ssyncadd.s32 $0xFFFFC000  }
0x3fa: {  	[spmem:s2] =	stream.indirect.scatter.add.f32 [tilespmem:s25], [sflag:$0x5], $0x80, s5, s0, $0xb8;
	[tilespmem:$0x1E580] =	vst v63  }
0x3fb: {  	_ = 	snop  }
0x3fc: {  	[spmem:s3] =	stream.indirect.scatter.add.f32 [tilespmem:s20], [sflag:$0x7], $0x1, s5, s0, $0xb8;
	[tilespmem:$0x1E580] =	vst v63  }
0x3fd: {  	_ =	swait.ge [sflag:s22], $0x4000  }
0x3fe: {  	[sflag:s22] =	ssyncset.done $0x0  }
0x3ff: {  	s28 =	simm.s32 $0x1100;
	[sflag:s22] =	ssyncadd.s32 $0xFFFFC000  }
0x400: {  	[tilespmem:s25], [sflag:$0x1] =	stream.indirect.gather [hbm4b:s1+s0], $0x80, s28, s0, $0xb8;
	[tilespmem:$0x1E580] =	vst v63  }
0x401: {  	_ =	swait.ge [sflag:s24], $0x4000  }
0x402: {  	[sflag:s24] =	ssyncset.done $0x0  }
0x403: {  	[sflag:s24] =	ssyncadd.s32 $0xFFFFC000  }
0x404: {  	[spmem:s2] =	stream.indirect.scatter.add.f32 [tilespmem:s8], [sflag:$0x6], $0x80, s0, s0, $0xb8;
	[tilespmem:$0x1E580] =	vst v63  }
0x405: {  	_ = 	snop  }
0x406: {  	[spmem:s3] =	stream.indirect.scatter.add.f32 [tilespmem:s20], [sflag:$0x7], $0x1, s0, s0, $0xb8;
	[tilespmem:$0x1E580] =	vst v63  }
0x407: {  	_ =	swait.ge [sflag:s10], $0x4000  }
0x408: {  	[sflag:s10] =	ssyncset.done $0x0  }
0x409: {  	s6 =	simm.s32 $0x1180;
	[sflag:s10] =	ssyncadd.s32 $0xFFFFC000  }
0x40a: {  	[tilespmem:s8], [sflag:$0x2] =	stream.indirect.gather [hbm4b:s1+s0], $0x80, s6, s0, $0xb8;
	[tilespmem:$0x1E580] =	vst v63  }
0x40b: {  	_ =	swait.ge [sflag:s18], $0x4000  }
0x40c: {  	[sflag:s18] =	ssyncset.done $0x0  }
0x40d: {  	s9 =	simm.s32 $0x100;
	[sflag:s18] =	ssyncadd.s32 $0xFFFFC000  }
0x40e: {  	[spmem:s2] =	stream.indirect.scatter.add.f32 [tilespmem:s25], [sflag:$0x5], $0x80, s9, s0, $0xb8;
	[tilespmem:$0x1E580] =	vst v63  }
0x40f: {  	_ = 	snop  }
0x410: {  	[spmem:s3] =	stream.indirect.scatter.add.f32 [tilespmem:s20], [sflag:$0x7], $0x1, s9, s0, $0xb8;
	[tilespmem:$0x1E580] =	vst v63  }
0x411: {  	_ =	swait.ge [sflag:s22], $0x4000  }
0x412: {  	[sflag:s22] =	ssyncset.done $0x0  }
0x413: {  	s11 =	simm.s32 $0x1200;
	[sflag:s22] =	ssyncadd.s32 $0xFFFFC000  }
0x414: {  	[tilespmem:s25], [sflag:$0x1] =	stream.indirect.gather [hbm4b:s1+s0], $0x80, s11, s0, $0xb8;
	[tilespmem:$0x1E580] =	vst v63  }
0x415: {  	_ =	swait.ge [sflag:s24], $0x4000  }
0x416: {  	[sflag:s24] =	ssyncset.done $0x0  }
0x417: {  	s12 =	simm.s32 $0x180;
	[sflag:s24] =	ssyncadd.s32 $0xFFFFC000  }
0x418: {  	[spmem:s2] =	stream.indirect.scatter.add.f32 [tilespmem:s8], [sflag:$0x6], $0x80, s12, s0, $0xb8;
	[tilespmem:$0x1E580] =	vst v63  }
0x419: {  	_ = 	snop  }
0x41a: {  	[spmem:s3] =	stream.indirect.scatter.add.f32 [tilespmem:s20], [sflag:$0x7], $0x1, s12, s0, $0xb8;
	[tilespmem:$0x1E580] =	vst v63  }
0x41b: {  	_ =	swait.ge [sflag:s10], $0x4000  }
0x41c: {  	[sflag:s10] =	ssyncset.done $0x0  }
0x41d: {  	s13 =	simm.s32 $0x1280;
	[sflag:s10] =	ssyncadd.s32 $0xFFFFC000  }
0x41e: {  	[tilespmem:s8], [sflag:$0x2] =	stream.indirect.gather [hbm4b:s1+s0], $0x80, s13, s0, $0xb8;
	[tilespmem:$0x1E580] =	vst v63  }
0x41f: {  	_ =	swait.ge [sflag:s18], $0x4000  }
0x420: {  	[sflag:s18] =	ssyncset.done $0x0  }
0x421: {  	s14 =	simm.s32 $0x200;
	[sflag:s18] =	ssyncadd.s32 $0xFFFFC000  }
0x422: {  	[spmem:s2] =	stream.indirect.scatter.add.f32 [tilespmem:s25], [sflag:$0x5], $0x80, s14, s0, $0xb8;
	[tilespmem:$0x1E580] =	vst v63  }
0x423: {  	_ = 	snop  }
0x424: {  	[spmem:s3] =	stream.indirect.scatter.add.f32 [tilespmem:s20], [sflag:$0x7], $0x1, s14, s0, $0xb8;
	[tilespmem:$0x1E580] =	vst v63  }
0x425: {  	_ =	swait.ge [sflag:s22], $0x4000  }
0x426: {  	[sflag:s22] =	ssyncset.done $0x0  }
0x427: {  	s15 =	simm.s32 $0x1300;
	[sflag:s22] =	ssyncadd.s32 $0xFFFFC000  }
0x428: {  	[tilespmem:s25], [sflag:$0x1] =	stream.indirect.gather [hbm4b:s1+s0], $0x80, s15, s0, $0xb8;
	[tilespmem:$0x1E580] =	vst v63  }
0x429: {  	_ =	swait.ge [sflag:s24], $0x4000  }
0x42a: {  	[sflag:s24] =	ssyncset.done $0x0  }
0x42b: {  	s16 =	simm.s32 $0x280;
	[sflag:s24] =	ssyncadd.s32 $0xFFFFC000  }
0x42c: {  	[spmem:s2] =	stream.indirect.scatter.add.f32 [tilespmem:s8], [sflag:$0x6], $0x80, s16, s0, $0xb8;
	[tilespmem:$0x1E580] =	vst v63  }
0x42d: {  	_ = 	snop  }
0x42e: {  	[spmem:s3] =	stream.indirect.scatter.add.f32 [tilespmem:s20], [sflag:$0x7], $0x1, s16, s0, $0xb8;
	[tilespmem:$0x1E580] =	vst v63  }
0x42f: {  	_ =	swait.ge [sflag:s10], $0x4000  }
0x430: {  	[sflag:s10] =	ssyncset.done $0x0  }
0x431: {  	s17 =	simm.s32 $0x1380;
	[sflag:s10] =	ssyncadd.s32 $0xFFFFC000  }
0x432: {  	[tilespmem:s8], [sflag:$0x2] =	stream.indirect.gather [hbm4b:s1+s0], $0x80, s17, s0, $0xb8;
	[tilespmem:$0x1E580] =	vst v63  }
0x433: {  	_ =	swait.ge [sflag:s18], $0x4000  }
0x434: {  	[sflag:s18] =	ssyncset.done $0x0  }
0x435: {  	s19 =	simm.s32 $0x300;
	[sflag:s18] =	ssyncadd.s32 $0xFFFFC000  }
0x436: {  	[spmem:s2] =	stream.indirect.scatter.add.f32 [tilespmem:s25], [sflag:$0x5], $0x80, s19, s0, $0xb8;
	[tilespmem:$0x1E580] =	vst v63  }
0x437: {  	_ = 	snop  }
0x438: {  	[spmem:s3] =	stream.indirect.scatter.add.f32 [tilespmem:s20], [sflag:$0x7], $0x1, s19, s0, $0xb8;
	[tilespmem:$0x1E580] =	vst v63  }
0x439: {  	_ =	swait.ge [sflag:s22], $0x4000  }
0x43a: {  	[sflag:s22] =	ssyncset.done $0x0  }
0x43b: {  	s21 =	simm.s32 $0x1400;
	[sflag:s22] =	ssyncadd.s32 $0xFFFFC000  }
0x43c: {  	[tilespmem:s25], [sflag:$0x1] =	stream.indirect.gather [hbm4b:s1+s0], $0x80, s21, s0, $0xb8;
	[tilespmem:$0x1E580] =	vst v63  }
0x43d: {  	_ =	swait.ge [sflag:s24], $0x4000  }
0x43e: {  	[sflag:s24] =	ssyncset.done $0x0  }
0x43f: {  	s23 =	simm.s32 $0x380;
	[sflag:s24] =	ssyncadd.s32 $0xFFFFC000  }
0x440: {  	[spmem:s2] =	stream.indirect.scatter.add.f32 [tilespmem:s8], [sflag:$0x6], $0x80, s23, s0, $0xb8;
	[tilespmem:$0x1E580] =	vst v63  }
0x441: {  	_ = 	snop  }
0x442: {  	[spmem:s3] =	stream.indirect.scatter.add.f32 [tilespmem:s20], [sflag:$0x7], $0x1, s23, s0, $0xb8;
	[tilespmem:$0x1E580] =	vst v63  }
0x443: {  	_ =	swait.ge [sflag:s10], $0x4000  }
0x444: {  	[sflag:s10] =	ssyncset.done $0x0  }
0x445: {  	s28 =	simm.s32 $0x1480;
	[sflag:s10] =	ssyncadd.s32 $0xFFFFC000  }
0x446: {  	[tilespmem:s8], [sflag:$0x2] =	stream.indirect.gather [hbm4b:s1+s0], $0x80, s28, s0, $0xb8;
	[tilespmem:$0x1E580] =	vst v63  }
0x447: {  	_ =	swait.ge [sflag:s18], $0x4000  }
0x448: {  	[sflag:s18] =	ssyncset.done $0x0  }
0x449: {  	s6 =	simm.s32 $0x400;
	[sflag:s18] =	ssyncadd.s32 $0xFFFFC000  }
0x44a: {  	[spmem:s2] =	stream.indirect.scatter.add.f32 [tilespmem:s25], [sflag:$0x5], $0x80, s6, s0, $0xb8;
	[tilespmem:$0x1E580] =	vst v63  }
0x44b: {  	_ = 	snop  }
0x44c: {  	[spmem:s3] =	stream.indirect.scatter.add.f32 [tilespmem:s20], [sflag:$0x7], $0x1, s6, s0, $0xb8;
	[tilespmem:$0x1E580] =	vst v63  }
0x44d: {  	_ =	swait.ge [sflag:s22], $0x4000  }
0x44e: {  	[sflag:s22] =	ssyncset.done $0x0  }
0x44f: {  	s9 =	simm.s32 $0x1500;
	[sflag:s22] =	ssyncadd.s32 $0xFFFFC000  }
0x450: {  	[tilespmem:s25], [sflag:$0x1] =	stream.indirect.gather [hbm4b:s1+s0], $0x80, s9, s0, $0xb8;
	[tilespmem:$0x1E580] =	vst v63  }
0x451: {  	_ =	swait.ge [sflag:s24], $0x4000  }
0x452: {  	[sflag:s24] =	ssyncset.done $0x0  }
0x453: {  	s11 =	simm.s32 $0x480;
	[sflag:s24] =	ssyncadd.s32 $0xFFFFC000  }
0x454: {  	[spmem:s2] =	stream.indirect.scatter.add.f32 [tilespmem:s8], [sflag:$0x6], $0x80, s11, s0, $0xb8;
	[tilespmem:$0x1E580] =	vst v63  }
0x455: {  	_ = 	snop  }
0x456: {  	[spmem:s3] =	stream.indirect.scatter.add.f32 [tilespmem:s20], [sflag:$0x7], $0x1, s11, s0, $0xb8;
	[tilespmem:$0x1E580] =	vst v63  }
0x457: {  	_ =	swait.ge [sflag:s10], $0x4000  }
0x458: {  	[sflag:s10] =	ssyncset.done $0x0  }
0x459: {  	s12 =	simm.s32 $0x1580;
	[sflag:s10] =	ssyncadd.s32 $0xFFFFC000  }
0x45a: {  	[tilespmem:s8], [sflag:$0x2] =	stream.indirect.gather [hbm4b:s1+s0], $0x80, s12, s0, $0xb8;
	[tilespmem:$0x1E580] =	vst v63  }
0x45b: {  	_ =	swait.ge [sflag:s18], $0x4000  }
0x45c: {  	[sflag:s18] =	ssyncset.done $0x0  }
0x45d: {  	s13 =	simm.s32 $0x500;
	[sflag:s18] =	ssyncadd.s32 $0xFFFFC000  }
0x45e: {  	[spmem:s2] =	stream.indirect.scatter.add.f32 [tilespmem:s25], [sflag:$0x5], $0x80, s13, s0, $0xb8;
	[tilespmem:$0x1E580] =	vst v63  }
0x45f: {  	_ = 	snop  }
0x460: {  	[spmem:s3] =	stream.indirect.scatter.add.f32 [tilespmem:s20], [sflag:$0x7], $0x1, s13, s0, $0xb8;
	[tilespmem:$0x1E580] =	vst v63  }
0x461: {  	_ =	swait.ge [sflag:s22], $0x4000  }
0x462: {  	[sflag:s22] =	ssyncset.done $0x0  }
0x463: {  	s14 =	simm.s32 $0x1600;
	[sflag:s22] =	ssyncadd.s32 $0xFFFFC000  }
0x464: {  	[tilespmem:s25], [sflag:$0x1] =	stream.indirect.gather [hbm4b:s1+s0], $0x80, s14, s0, $0xb8;
	[tilespmem:$0x1E580] =	vst v63  }
0x465: {  	_ =	swait.ge [sflag:s24], $0x4000  }
0x466: {  	[sflag:s24] =	ssyncset.done $0x0  }
0x467: {  	s15 =	simm.s32 $0x580;
	[sflag:s24] =	ssyncadd.s32 $0xFFFFC000  }
0x468: {  	[spmem:s2] =	stream.indirect.scatter.add.f32 [tilespmem:s8], [sflag:$0x6], $0x80, s15, s0, $0xb8;
	[tilespmem:$0x1E580] =	vst v63  }
0x469: {  	_ = 	snop  }
0x46a: {  	[spmem:s3] =	stream.indirect.scatter.add.f32 [tilespmem:s20], [sflag:$0x7], $0x1, s15, s0, $0xb8;
	[tilespmem:$0x1E580] =	vst v63  }
0x46b: {  	_ =	swait.ge [sflag:s10], $0x4000  }
0x46c: {  	[sflag:s10] =	ssyncset.done $0x0  }
0x46d: {  	s16 =	simm.s32 $0x1680;
	[sflag:s10] =	ssyncadd.s32 $0xFFFFC000  }
0x46e: {  	[tilespmem:s8], [sflag:$0x2] =	stream.indirect.gather [hbm4b:s1+s0], $0x80, s16, s0, $0xb8;
	[tilespmem:$0x1E580] =	vst v63  }
0x46f: {  	_ =	swait.ge [sflag:s18], $0x4000  }
0x470: {  	[sflag:s18] =	ssyncset.done $0x0  }
0x471: {  	s17 =	simm.s32 $0x600;
	[sflag:s18] =	ssyncadd.s32 $0xFFFFC000  }
0x472: {  	[spmem:s2] =	stream.indirect.scatter.add.f32 [tilespmem:s25], [sflag:$0x5], $0x80, s17, s0, $0xb8;
	[tilespmem:$0x1E580] =	vst v63  }
0x473: {  	_ = 	snop  }
0x474: {  	[spmem:s3] =	stream.indirect.scatter.add.f32 [tilespmem:s20], [sflag:$0x7], $0x1, s17, s0, $0xb8;
	[tilespmem:$0x1E580] =	vst v63  }
0x475: {  	_ =	swait.ge [sflag:s22], $0x4000  }
0x476: {  	[sflag:s22] =	ssyncset.done $0x0  }
0x477: {  	s19 =	simm.s32 $0x1700;
	[sflag:s22] =	ssyncadd.s32 $0xFFFFC000  }
0x478: {  	[tilespmem:s25], [sflag:$0x1] =	stream.indirect.gather [hbm4b:s1+s0], $0x80, s19, s0, $0xb8;
	[tilespmem:$0x1E580] =	vst v63  }
0x479: {  	_ =	swait.ge [sflag:s24], $0x4000  }
0x47a: {  	[sflag:s24] =	ssyncset.done $0x0  }
0x47b: {  	s21 =	simm.s32 $0x680;
	[sflag:s24] =	ssyncadd.s32 $0xFFFFC000  }
0x47c: {  	[spmem:s2] =	stream.indirect.scatter.add.f32 [tilespmem:s8], [sflag:$0x6], $0x80, s21, s0, $0xb8;
	[tilespmem:$0x1E580] =	vst v63  }
0x47d: {  	_ = 	snop  }
0x47e: {  	[spmem:s3] =	stream.indirect.scatter.add.f32 [tilespmem:s20], [sflag:$0x7], $0x1, s21, s0, $0xb8;
	[tilespmem:$0x1E580] =	vst v63  }
0x47f: {  	_ =	swait.ge [sflag:s10], $0x4000  }
0x480: {  	[sflag:s10] =	ssyncset.done $0x0  }
0x481: {  	s23 =	simm.s32 $0x1780;
	[sflag:s10] =	ssyncadd.s32 $0xFFFFC000  }
0x482: {  	[tilespmem:s8], [sflag:$0x2] =	stream.indirect.gather [hbm4b:s1+s0], $0x80, s23, s0, $0xb8;
	[tilespmem:$0x1E580] =	vst v63  }
0x483: {  	_ =	swait.ge [sflag:s18], $0x4000  }
0x484: {  	[sflag:s18] =	ssyncset.done $0x0  }
0x485: {  	s28 =	simm.s32 $0x700;
	[sflag:s18] =	ssyncadd.s32 $0xFFFFC000  }
0x486: {  	[spmem:s2] =	stream.indirect.scatter.add.f32 [tilespmem:s25], [sflag:$0x5], $0x80, s28, s0, $0xb8;
	[tilespmem:$0x1E580] =	vst v63  }
0x487: {  	_ = 	snop  }
0x488: {  	[spmem:s3] =	stream.indirect.scatter.add.f32 [tilespmem:s20], [sflag:$0x7], $0x1, s28, s0, $0xb8;
	[tilespmem:$0x1E580] =	vst v63  }
0x489: {  	_ =	swait.ge [sflag:s22], $0x4000  }
0x48a: {  	[sflag:s22] =	ssyncset.done $0x0  }
0x48b: {  	[sflag:s22] =	ssyncadd.s32 $0xFFFFC000  }
0x48c: {  	_ =	swait.ge [sflag:s24], $0x4000  }
0x48d: {  	[sflag:s24] =	ssyncset.done $0x0  }
0x48e: {  	s6 =	simm.s32 $0x780;
	[sflag:s24] =	ssyncadd.s32 $0xFFFFC000  }
0x48f: {  	[spmem:s2] =	stream.indirect.scatter.add.f32 [tilespmem:s8], [sflag:$0x6], $0x80, s6, s0, $0xb8;
	[tilespmem:$0x1E580] =	vst v63  }
0x490: {  	_ = 	snop  }
0x491: {  	[spmem:s3] =	stream.indirect.scatter.add.f32 [tilespmem:s20], [sflag:$0x7], $0x1, s6, s0, $0xb8;
	[tilespmem:$0x1E580] =	vst v63  }
0x492: {  	_ =	swait.ge [sflag:s10], $0x4000  }
0x493: {  	[sflag:s10] =	ssyncset.done $0x0  }
0x494: {  	[sflag:s10] =	ssyncadd.s32 $0xFFFFC000  }
0x495: {  	_ =	swait.ge [sflag:s29], $0x80  }
0x496: {  	[sflag:s29] =	ssyncset.done $0x0  }
0x497: {  	[sflag:s29] =	ssyncadd.s32 $0xFFFFFF80  }
0x498: {  	_ =	swait.ge [sflag:s29], $0x80  }
0x499: {  	[sflag:s29] =	ssyncset.done $0x0  }
0x49a: {  	[sflag:s29] =	ssyncadd.s32 $0xFFFFFF80  }
0x49b: {  	_ =	swait.ge [sflag:s29], $0x80  }
0x49c: {  	[sflag:s29] =	ssyncset.done $0x0  }
0x49d: {  	[sflag:s29] =	ssyncadd.s32 $0xFFFFFF80  }
0x49e: {  	_ =	swait.ge [sflag:s29], $0x80  }
0x49f: {  	[sflag:s29] =	ssyncset.done $0x0  }
0x4a0: {  	[sflag:s29] =	ssyncadd.s32 $0xFFFFFF80  }
0x4a1: {  	_ =	swait.ge [sflag:s29], $0x80  }
0x4a2: {  	[sflag:s29] =	ssyncset.done $0x0  }
0x4a3: {  	[sflag:s29] =	ssyncadd.s32 $0xFFFFFF80  }
0x4a4: {  	_ =	swait.ge [sflag:s29], $0x80  }
0x4a5: {  	[sflag:s29] =	ssyncset.done $0x0  }
0x4a6: {  	[sflag:s29] =	ssyncadd.s32 $0xFFFFFF80  }
0x4a7: {  	_ =	swait.ge [sflag:s29], $0x80  }
0x4a8: {  	[sflag:s29] =	ssyncset.done $0x0  }
0x4a9: {  	[sflag:s29] =	ssyncadd.s32 $0xFFFFFF80  }
0x4aa: {  	_ =	swait.ge [sflag:s29], $0x80  }
0x4ab: {  	[sflag:s29] =	ssyncset.done $0x0  }
0x4ac: {  	[sflag:s29] =	ssyncadd.s32 $0xFFFFFF80  }
0x4ad: {  	_ =	swait.ge [sflag:s29], $0x80  }
0x4ae: {  	[sflag:s29] =	ssyncset.done $0x0  }
0x4af: {  	[sflag:s29] =	ssyncadd.s32 $0xFFFFFF80  }
0x4b0: {  	_ =	swait.ge [sflag:s29], $0x80  }
0x4b1: {  	[sflag:s29] =	ssyncset.done $0x0  }
0x4b2: {  	[sflag:s29] =	ssyncadd.s32 $0xFFFFFF80  }
0x4b3: {  	_ =	swait.ge [sflag:s29], $0x80  }
0x4b4: {  	[sflag:s29] =	ssyncset.done $0x0  }
0x4b5: {  	[sflag:s29] =	ssyncadd.s32 $0xFFFFFF80  }
0x4b6: {  	_ =	swait.ge [sflag:s29], $0x80  }
0x4b7: {  	[sflag:s29] =	ssyncset.done $0x0  }
0x4b8: {  	[sflag:s29] =	ssyncadd.s32 $0xFFFFFF80  }
0x4b9: {  	_ =	swait.ge [sflag:s29], $0x80  }
0x4ba: {  	[sflag:s29] =	ssyncset.done $0x0  }
0x4bb: {  	[sflag:s29] =	ssyncadd.s32 $0xFFFFFF80  }
0x4bc: {  	_ =	swait.ge [sflag:s29], $0x80  }
0x4bd: {  	[sflag:s29] =	ssyncset.done $0x0  }
0x4be: {  	[sflag:s29] =	ssyncadd.s32 $0xFFFFFF80  }
0x4bf: {  	_ =	swait.ge [sflag:s29], $0x80  }
0x4c0: {  	[sflag:s29] =	ssyncset.done $0x0  }
0x4c1: {  	[sflag:s29] =	ssyncadd.s32 $0xFFFFFF80  }
0x4c2: {  	_ =	swait.ge [sflag:s29], $0x80  }
0x4c3: {  	[sflag:s29] =	ssyncset.done $0x0  }
0x4c4: {  	[sflag:s29] =	ssyncadd.s32 $0xFFFFFF80  }
0x4c5: {  	s9 =	stileid.u32;
	[bflag:$0x0] =	sbarrier.arrive $0xFFFF  }
0x4c6: {  	s12 =	sshll.u32 s9, $0x6;
	s11 =	rddreg [dreg:$0x6]  }
0x4c7: {  	s12 =	sor.u32 $0x1C08, s12;
	s15 =	rddreg [dreg:$0x16];
	s13 =	sshrl.u32 s11, $0x3  }
0x4c8: {  	[hbm:s15], [sflag:s12] =	dma.local [spmem:s13], $0x2800  }
0x4c9: {  	s21 =	simm.s32 $0x20;
	_ =	swait.ge [sflag:s26], $0x2800  }
0x4ca: {  	s23 =	simm.s32 $0x10;
	[sflag:s26] =	ssyncset.done $0x0;
	s16 =	rddreg [dreg:$0x15]  }
0x4cb: {  	s19 =	rddreg [dreg:$0x17];
	[sflag:s26] =	ssyncadd.s32 $0xFFFFD800;
	s17 =	sshrl.u32 s16, $0x3  }
0x4cc: {  	[hbm:s19@s21], [sflag:s12] =	dma.strided [spmem:s17@s23], $0x50, s18, $0x10   }
0x4cd: {  	_ =	swait.ge [sflag:s26], $0x50  }
0x4ce: {  	s7 =	sadd.s32 $0x1, s7;
	s28 =	rddreg [dreg:$0x18]  }
0x4cf: {  	p0 =	sne.s32 s7, s28  }
.Ltmp1:
0x4d0: {  	_ = 	snop;
	(pc) =	sbr.rel @p0 .LBB2_1-.Ltmp1, $3  }
0x4d1: {  	_ =	sdelay $0x1  }
0x4d2: {  	[sflag:s26] =	ssyncset.done $0x0  }
0x4d3: {  	[sflag:s26] =	ssyncadd.s32 $0xFFFFFFB0  }
0x4d4: {  	_ =	sfence.sel $0x180000  }
0x4d5: {  	[bflag:$0x0] =	sbarrier.arrive $0xFFFF  }
0x4d6: {  	_ =	strace $0x90000047  }
0x4d7: {  	s0 =	stileid.u32;
	[bflag:$0x2] =	sbarrier.arrive $0xFFFF  }
0x4d8: {  	p0 =	sne.s32 s0, $0x0;
	s0 =	rddreg [dreg:$0x5]  }
0x4d9: {  	s0 =	sadd.s32 @!p0 $0x100000, s0  }
0x4da: {  	[sflag:s0] =	ssyncadd.tile.s32 @!p0 $0x1;
	_ =	shalt  }
.Lfunc_end2:
_tile_overlayer_lowered:
.L_overlay_start_2:
0x4db: {  	(tag) =	ssettag $0x2  }
0x4dc: {  	s0 =	rddreg [dreg:$0x0];
	s2 =	stileid.u32  }
0x4dd: {  	s1 =	rddreg [dreg:$0x1];
	p0 =	sne.s32 s2, $0x0  }
0x4de: {  	s3 =	rddreg [dreg:$0x2];
	[bflag:$0x3] =	sbarrier.arrive $0xFFFF;
	s2 =	simm.s32 @!p0 $0x1C08  }
0x4df: {  	[timem:s3], [sflag:s2] =	dma.local @!p0 [hbm:s0], s1  }
0x4e0: {  	s0 =	simm.s32 @!p0 $0x8  }
0x4e1: {  	_ =	swait.ge @!p0 [sflag:s0], s1  }
0x4e2: {  	s1 =	ssub.s32 @!p0 $0x0, s1;
	[sflag:s0] =	ssyncset.done @!p0 $0x0  }
0x4e3: {  	[sflag:s0] =	ssyncadd.s32 @!p0 s1  }
0x4e4: {  	[bflag:$0x3] =	sbarrier.arrive $0xFFFF  }
0x4e5: {  	_ =	shalt  }

</sc_bundles>
